<compile_context>
chip_gen: v7x
topology: tpu7x:2x2x1
jax: 0.10.2.dev20260603
libtpu: 0.0.44.dev20260713+nightly
codegen_flags: <defaults>
</compile_context>

<pallas_src>
import jax
import jax.numpy as jnp
from jax import lax
from jax.experimental import pallas as pl
from jax.experimental.pallas import tpu as pltpu
from jax.experimental.pallas import tpu_sc as plsc

N = 10000
DC = 64
E = 320000
NC = 2
NS = 16
NW = NC * NS
CHUNK = 128
NBUF = 4
PF = 2
DB = 2
CA = 144
CB = 16
KA = CA // NBUF
KB = CB // NBUF
CMAX = max(CA, CB)
EP = NS * (CA + CB) * CHUNK
NPAD = 10240
ZROWS = NPAD // NS
OSTEP = 624
OROWS = 640
DEGW = 16


_MESH = plsc.VectorSubcoreMesh(
    core_axis_name="c", subcore_axis_name="s", num_cores=NC, num_subcores=NS)

_SC_PARAMS = pltpu.CompilerParams(use_tc_tiling_on_sc=False)


def _make_sc_pass(with_deg):
    out_types = [jax.ShapeDtypeStruct((NC * N, DC), jnp.float32)]
    scratch = [pltpu.VMEM((CMAX, CHUNK), jnp.int32),
               pltpu.VMEM((CMAX, CHUNK), jnp.int32)]
    scratch += [pltpu.VMEM((CHUNK, DC), jnp.float32) for _ in range(NBUF)]
    scratch.append(pltpu.VMEM_SHARED((NPAD, DC), jnp.float32))
    scratch += [pltpu.SemaphoreType.DMA for _ in range(2 * NBUF)]
    if with_deg:
        out_types.append(jax.ShapeDtypeStruct((NC * N, DEGW), jnp.float32))
        scratch += [pltpu.VMEM((CHUNK, DEGW), jnp.float32),
                    pltpu.VMEM((CHUNK, DEGW), jnp.float32),
                    pltpu.VMEM_SHARED((NPAD, DEGW), jnp.float32)]
        scratch += [pltpu.SemaphoreType.DMA for _ in range(DB)]

    def body(*args):
        if with_deg:
            (table, srcs, dsts, agg_out, deg_out,
             src_v, dst_v, *rest) = args
        else:
            (table, srcs, dsts, agg_out, src_v, dst_v, *rest) = args
        rows = rest[0:NBUF]
        agg_sh = rest[NBUF]
        g = rest[NBUF + 1:2 * NBUF + 1]
        s = rest[2 * NBUF + 1:3 * NBUF + 1]
        if with_deg:
            ones_v = rest[3 * NBUF + 1]
            zb16 = rest[3 * NBUF + 2]
            deg_sh = rest[3 * NBUF + 3]
            d = rest[3 * NBUF + 4:3 * NBUF + 4 + DB]
        c = lax.axis_index("c")
        sid = lax.axis_index("s")
        wid = sid * NC + c
        kend = jnp.where(c == 0, KA, KB)

        def _idx_cps(nch):
            return [
                pltpu.make_async_copy(srcs.at[pl.ds(wid * CMAX, nch)],
                                      src_v.at[pl.ds(0, nch)], g[1]),
                pltpu.make_async_copy(dsts.at[pl.ds(wid * CMAX, nch)],
                                      dst_v.at[pl.ds(0, nch)], g[2]),
            ]

        @pl.when(c == 0)
        def _issue_a():
            for cp in _idx_cps(CA):
                cp.start()

        @pl.when(c != 0)
        def _issue_b():
            for cp in _idx_cps(CB):
                cp.start()

        zv = jnp.zeros((16,), jnp.float32)

        def _zfill(i, carry):
            for q in range(DC // 16):
                rows[0][i, pl.ds(q * 16, 16)] = zv
            if with_deg:
                zb16[i, :] = zv
                ones_v[i, :] = zv + 1.0
            return carry

        lax.fori_loop(0, CHUNK, _zfill, 0)
        for q in range(ZROWS // CHUNK):
            pltpu.sync_copy(
                rows[0], agg_sh.at[pl.ds(sid * ZROWS + q * CHUNK, CHUNK)])
            if with_deg:
                pltpu.sync_copy(
                    zb16, deg_sh.at[pl.ds(sid * ZROWS + q * CHUNK, CHUNK)])

        @pl.when(c == 0)
        def _wait_a():
            for cp in _idx_cps(CA):
                cp.wait()

        @pl.when(c != 0)
        def _wait_b():
            for cp in _idx_cps(CB):
                cp.wait()

        plsc.subcore_barrier()

        def gissue(row, b):
            pltpu.async_copy(table.at[src_v.at[row]], rows[b], g[b])

        def gwait(row, b):
            pltpu.make_async_copy(table.at[src_v.at[row]], rows[b],
                                  g[b]).wait()

        def sissue(row, b):
            pltpu.async_copy(rows[b], agg_sh.at[dst_v.at[row]], s[b],
                             add=True)

        def swait(row, b):
            pltpu.make_async_copy(rows[b], agg_sh.at[dst_v.at[row]],
                                  s[b]).wait()

        def dissue(row, b):
            pltpu.async_copy(ones_v, deg_sh.at[dst_v.at[row]], d[b],
                             add=True)

        def dwait(row, b):
            pltpu.make_async_copy(ones_v, deg_sh.at[dst_v.at[row]],
                                  d[b]).wait()

        def step(j, b, prefetch=True, dpipe=with_deg, dskip_wait=False):
            gwait(j, b)
            sissue(j, b)
            if dpipe:
                if not dskip_wait:
                    dwait(j - DB, b % DB)
                dissue(j, b % DB)
            if prefetch:
                b2 = (b + PF) % NBUF
                swait(j - PF, b2)
                gissue(j + PF, b2)

        for b in range(PF):
            gissue(b, b)
        for b in range(NBUF):
            step(b, b, prefetch=b >= PF, dskip_wait=b < DB)
            if b < PF:
                gissue(b + PF, (b + PF) % NBUF)

        def outer(k, carry):
            base = k * NBUF
            for b in range(NBUF):
                step(base + b, b)
            return carry

        lax.fori_loop(1, kend - 1, outer, 0)

        last = (kend - 1) * NBUF
        for b in range(NBUF):
            step(last + b, b, prefetch=b < PF)
        for b in range(NBUF):
            swait(last + b, b)
        if with_deg:
            for b in range(DB):
                dwait(last + NBUF - DB + b, b)

        plsc.subcore_barrier()
        out_cps = [
            pltpu.make_async_copy(
                agg_sh.at[pl.ds(sid * OSTEP, OROWS)],
                agg_out.at[pl.ds(c * N + sid * OSTEP, OROWS)], g[0]),
        ]
        if with_deg:
            out_cps.append(pltpu.make_async_copy(
                deg_sh.at[pl.ds(sid * OSTEP, OROWS)],
                deg_out.at[pl.ds(c * N + sid * OSTEP, OROWS)], g[1]))
        for cp in out_cps:
            cp.start()
        for cp in out_cps:
            cp.wait()

    return pl.kernel(
        body,
        out_type=tuple(out_types) if with_deg else out_types[0],
        mesh=_MESH,
        compiler_params=_SC_PARAMS,
        scratch_types=scratch,
    )


_sc_agg_deg = _make_sc_pass(True)
_sc_agg = _make_sc_pass(False)


def _tc_combine_body(aggp_ref, degp_ref, xs_ref, w_ref, b_ref, y_ref):
    agg = aggp_ref[pl.ds(0, N), :] + aggp_ref[pl.ds(N, N), :]
    d = degp_ref[pl.ds(0, N), :] + degp_ref[pl.ds(N, N), :]
    deg = jnp.sum(d, axis=1, keepdims=True) * (1.0 / DEGW)
    r = 1.0 / jnp.maximum(deg, 1.0)
    h = jnp.dot(agg * r, w_ref[...], preferred_element_type=jnp.float32)
    y_ref[...] = xs_ref[...] + jnp.maximum(h + b_ref[...], 0.0)


_tc_combine = pl.pallas_call(
    _tc_combine_body,
    out_shape=jax.ShapeDtypeStruct((N, DC), jnp.float32),
)


def _partition(idx, fill):
    pad = EP - E
    flat = jnp.concatenate([idx, jnp.full((pad,), fill, jnp.int32)])
    e0 = flat[:NS * CA * CHUNK].reshape(NS, CA, CHUNK)
    e1 = flat[NS * CA * CHUNK:].reshape(NS, CB, CHUNK)
    if CB < CMAX:
        e1 = jnp.concatenate(
            [e1, jnp.zeros((NS, CMAX - CB, CHUNK), jnp.int32)], axis=1)
    if CA < CMAX:
        e0 = jnp.concatenate(
            [e0, jnp.zeros((NS, CMAX - CA, CHUNK), jnp.int32)], axis=1)
    return jnp.stack([e0, e1], axis=1).reshape(NW * CMAX, CHUNK)


def kernel(x, edge_index, W0, b0, W1, b1):
    xs0 = x[:, :DC]
    xs1 = x[:, DC:]
    srcp = _partition(edge_index[0], 0)
    dstp = _partition(edge_index[1], N)
    aggp0, degp = _sc_agg_deg(xs1, srcp, dstp)
    y0 = _tc_combine(aggp0, degp, xs0, W0, b0.reshape(1, DC))
    aggp1 = _sc_agg(y0, srcp, dstp)
    y1 = _tc_combine(aggp1, degp, xs1, W1, b1.reshape(1, DC))
    return jnp.concatenate([y0, y1], axis=-1)

# --- scband reference (transcript-rebuilt; emitter-appended) ---
"""Pipeline reference for scband-group-additive-coupling-56513179681358 (READ-ONLY COPY).

The authoritative reference and input builder live on the scoring server;
editing this copy changes nothing except your own understanding.
"""

import jax, jax.numpy as jnp
import numpy as np

N = 10000
E = 320000
D = 128
G = 2
DC = D // G


def setup_inputs(seed: int = 0) -> dict:
    key = jax.random.key(seed)
    k1, k2, k3, k4 = jax.random.split(key, 4)
    x = jax.random.normal(k1, (N, D), dtype=jnp.float32)
    edge_index = jax.random.randint(k2, (2, E), 0, N, dtype=jnp.int32)
    W0 = jax.random.normal(k3, (DC, DC), dtype=jnp.float32) * 0.05
    b0 = jnp.zeros((DC,), dtype=jnp.float32)
    W1 = jax.random.normal(k4, (DC, DC), dtype=jnp.float32) * 0.05
    b1 = jnp.zeros((DC,), dtype=jnp.float32)
    return {"x": x, "edge_index": edge_index, "W0": W0, "b0": b0, "W1": W1, "b1": b1}


def _fm(y_in, edge_index, W, b, num_nodes):
    # GCN-style block: gather src feats, mean-aggregate into dst, linear, ReLU
    src = edge_index[0]
    dst = edge_index[1]
    msgs = jnp.take(y_in, src, axis=0)
    agg = jax.ops.segment_sum(msgs, dst, num_segments=num_nodes)
    deg = jax.ops.segment_sum(jnp.ones((src.shape[0],), dtype=y_in.dtype), dst, num_segments=num_nodes)
    agg = agg / jnp.clip(deg, 1.0, None)[:, None]
    return jax.nn.relu(agg @ W + b)


def reference(x, edge_index, W0, b0, W1, b1):
    num_nodes = x.shape[0]
    xs = jnp.split(x, G, axis=-1)
    params = [(W0, b0), (W1, b1)]
    # y_in = sum(xs[1:]); with group=2 this is xs[1]
    y_in = xs[1]
    ys = []
    for i in range(G):
        Fmd = _fm(y_in, edge_index, params[i][0], params[i][1], num_nodes)
        y = xs[i] + Fmd
        y_in = y
        ys.append(y)
    out = jnp.concatenate(ys, axis=-1)
    return out

if __name__ == "__main__":
    import jax
    _d = setup_inputs()
    print(jax.jit(kernel)(*tuple(_d.values())))

</pallas_src>

<mosaic_0001>
#map = affine_map<(d0, d1) -> (0, 0)>
module attributes {stable_mosaic.version = 14 : i64} {
  func.func @body(%arg0: i32, %arg1: i32, %arg2: memref<10000x64xf32, #tpu.memory_space<hbm>>, %arg3: memref<4608x128xi32, #tpu.memory_space<hbm>>, %arg4: memref<4608x128xi32, #tpu.memory_space<hbm>>, %arg5: memref<20000x64xf32, #tpu.memory_space<hbm>>, %arg6: memref<20000x16xf32, #tpu.memory_space<hbm>>, %arg7: memref<144x128xi32, #tpu.memory_space<vmem>>, %arg8: memref<144x128xi32, #tpu.memory_space<vmem>>, %arg9: memref<128x64xf32, #tpu.memory_space<vmem>>, %arg10: memref<128x64xf32, #tpu.memory_space<vmem>>, %arg11: memref<128x64xf32, #tpu.memory_space<vmem>>, %arg12: memref<128x64xf32, #tpu.memory_space<vmem>>, %arg13: memref<10240x64xf32, #tpu.memory_space<vmem_shared>>, %arg14: memref<!tpu.dma_semaphore, #tpu.memory_space<semaphore_mem>>, %arg15: memref<!tpu.dma_semaphore, #tpu.memory_space<semaphore_mem>>, %arg16: memref<!tpu.dma_semaphore, #tpu.memory_space<semaphore_mem>>, %arg17: memref<!tpu.dma_semaphore, #tpu.memory_space<semaphore_mem>>, %arg18: memref<!tpu.dma_semaphore, #tpu.memory_space<semaphore_mem>>, %arg19: memref<!tpu.dma_semaphore, #tpu.memory_space<semaphore_mem>>, %arg20: memref<!tpu.dma_semaphore, #tpu.memory_space<semaphore_mem>>, %arg21: memref<!tpu.dma_semaphore, #tpu.memory_space<semaphore_mem>>, %arg22: memref<128x16xf32, #tpu.memory_space<vmem>>, %arg23: memref<128x16xf32, #tpu.memory_space<vmem>>, %arg24: memref<10240x16xf32, #tpu.memory_space<vmem_shared>>, %arg25: memref<!tpu.dma_semaphore, #tpu.memory_space<semaphore_mem>>, %arg26: memref<!tpu.dma_semaphore, #tpu.memory_space<semaphore_mem>>) attributes {dimension_semantics = [#tpu.dimension_semantics<core_parallel>, #tpu.dimension_semantics<subcore_parallel>], iteration_bounds = array<i64: 2, 16>, scalar_prefetch = 0 : i64, scratch_operands = 20 : i64, tpu.core_type = #tpu.core_type<sc_vector_subcore>, window_params = [{transform_indices = #map}, {transform_indices = #map}, {transform_indices = #map}, {transform_indices = #map}, {transform_indices = #map}]} {
    %mul3A = arith.constant 2 : i32
    %mul3A_0 = arith.muli %arg1, %mul3A : i32
    %add3A = arith.addi %mul3A_0, %arg0 : i32
    %eq3A = arith.constant 0 : i32
    %eq3A_1 = arith.cmpi eq, %arg0, %eq3A : i32
    %jit3A = arith.constant 36 : i32
    %jit3A_2 = arith.constant 4 : i32
    %select_n3A = arith.select %eq3A_1, %jit3A, %jit3A_2 : i32
    %eq3A_3 = arith.constant 0 : i32
    %eq3A_4 = arith.cmpi eq, %arg0, %eq3A_3 : i32
    %convert_element_type3A = arith.extui %eq3A_4 : i1 to i32
    %cond3A = arith.constant 0 : i32
    %cond3A_5 = arith.cmpi ne, %convert_element_type3A, %cond3A : i32
    scf.if %cond3A_5 {
      %mul3A_463 = arith.constant 144 : i32
      %mul3A_464 = arith.muli %add3A, %mul3A_463 : i32
      %mul3A_465 = arith.constant 144 : i32
      %mul3A_466 = arith.muli %add3A, %mul3A_465 : i32
      %dma_start3A_467 = arith.constant 0 : i32
      %dma_start3A_468 = arith.constant 0 : i32
      %dma_start3A_469 = tpu.memref_slice %arg7[%dma_start3A_467, %dma_start3A_468] : memref<144x128xi32, #tpu.memory_space<vmem>> -> memref<144x128xi32, #tpu.memory_space<vmem>>
      %dma_start3A_470 = arith.constant 0 : i32
      %dma_start3A_471 = tpu.memref_slice %arg3[%mul3A_464, %dma_start3A_470] : memref<4608x128xi32, #tpu.memory_space<hbm>> -> memref<144x128xi32, #tpu.memory_space<hbm>>
      %dma_start3A_472 = arith.constant 0 : i32
      %dma_start3A_473 = arith.constant 0 : i32
      %dma_start3A_474 = tpu.memref_slice %arg7[%dma_start3A_472, %dma_start3A_473] : memref<144x128xi32, #tpu.memory_space<vmem>> -> memref<144x128xi32, #tpu.memory_space<vmem>>
      %dma_start3A_475 = arith.constant 0 : i32
      %dma_start3A_476 = tpu.memref_slice %arg3[%mul3A_464, %dma_start3A_475] : memref<4608x128xi32, #tpu.memory_space<hbm>> -> memref<144x128xi32, #tpu.memory_space<hbm>>
      tpu.enqueue_dma source(%dma_start3A_476 : memref<144x128xi32, #tpu.memory_space<hbm>>) target(%dma_start3A_474 : memref<144x128xi32, #tpu.memory_space<vmem>>) target_semaphore(%arg15 : memref<!tpu.dma_semaphore, #tpu.memory_space<semaphore_mem>>)
      %dma_start3A_477 = arith.constant 0 : i32
      %dma_start3A_478 = arith.constant 0 : i32
      %dma_start3A_479 = tpu.memref_slice %arg8[%dma_start3A_477, %dma_start3A_478] : memref<144x128xi32, #tpu.memory_space<vmem>> -> memref<144x128xi32, #tpu.memory_space<vmem>>
      %dma_start3A_480 = arith.constant 0 : i32
      %dma_start3A_481 = tpu.memref_slice %arg4[%mul3A_466, %dma_start3A_480] : memref<4608x128xi32, #tpu.memory_space<hbm>> -> memref<144x128xi32, #tpu.memory_space<hbm>>
      %dma_start3A_482 = arith.constant 0 : i32
      %dma_start3A_483 = arith.constant 0 : i32
      %dma_start3A_484 = tpu.memref_slice %arg8[%dma_start3A_482, %dma_start3A_483] : memref<144x128xi32, #tpu.memory_space<vmem>> -> memref<144x128xi32, #tpu.memory_space<vmem>>
      %dma_start3A_485 = arith.constant 0 : i32
      %dma_start3A_486 = tpu.memref_slice %arg4[%mul3A_466, %dma_start3A_485] : memref<4608x128xi32, #tpu.memory_space<hbm>> -> memref<144x128xi32, #tpu.memory_space<hbm>>
      tpu.enqueue_dma source(%dma_start3A_486 : memref<144x128xi32, #tpu.memory_space<hbm>>) target(%dma_start3A_484 : memref<144x128xi32, #tpu.memory_space<vmem>>) target_semaphore(%arg16 : memref<!tpu.dma_semaphore, #tpu.memory_space<semaphore_mem>>)
    } else {
    }
    %ne3A = arith.constant 0 : i32
    %ne3A_6 = arith.cmpi ne, %arg0, %ne3A : i32
    %convert_element_type3A_7 = arith.extui %ne3A_6 : i1 to i32
    %cond3A_8 = arith.constant 0 : i32
    %cond3A_9 = arith.cmpi ne, %convert_element_type3A_7, %cond3A_8 : i32
    scf.if %cond3A_9 {
      %mul3A_463 = arith.constant 144 : i32
      %mul3A_464 = arith.muli %add3A, %mul3A_463 : i32
      %mul3A_465 = arith.constant 144 : i32
      %mul3A_466 = arith.muli %add3A, %mul3A_465 : i32
      %dma_start3A_467 = arith.constant 0 : i32
      %dma_start3A_468 = arith.constant 0 : i32
      %dma_start3A_469 = tpu.memref_slice %arg7[%dma_start3A_467, %dma_start3A_468] : memref<144x128xi32, #tpu.memory_space<vmem>> -> memref<16x128xi32, #tpu.memory_space<vmem>>
      %dma_start3A_470 = arith.constant 0 : i32
      %dma_start3A_471 = tpu.memref_slice %arg3[%mul3A_464, %dma_start3A_470] : memref<4608x128xi32, #tpu.memory_space<hbm>> -> memref<16x128xi32, #tpu.memory_space<hbm>>
      %dma_start3A_472 = arith.constant 0 : i32
      %dma_start3A_473 = arith.constant 0 : i32
      %dma_start3A_474 = tpu.memref_slice %arg7[%dma_start3A_472, %dma_start3A_473] : memref<144x128xi32, #tpu.memory_space<vmem>> -> memref<16x128xi32, #tpu.memory_space<vmem>>
      %dma_start3A_475 = arith.constant 0 : i32
      %dma_start3A_476 = tpu.memref_slice %arg3[%mul3A_464, %dma_start3A_475] : memref<4608x128xi32, #tpu.memory_space<hbm>> -> memref<16x128xi32, #tpu.memory_space<hbm>>
      tpu.enqueue_dma source(%dma_start3A_476 : memref<16x128xi32, #tpu.memory_space<hbm>>) target(%dma_start3A_474 : memref<16x128xi32, #tpu.memory_space<vmem>>) target_semaphore(%arg15 : memref<!tpu.dma_semaphore, #tpu.memory_space<semaphore_mem>>)
      %dma_start3A_477 = arith.constant 0 : i32
      %dma_start3A_478 = arith.constant 0 : i32
      %dma_start3A_479 = tpu.memref_slice %arg8[%dma_start3A_477, %dma_start3A_478] : memref<144x128xi32, #tpu.memory_space<vmem>> -> memref<16x128xi32, #tpu.memory_space<vmem>>
      %dma_start3A_480 = arith.constant 0 : i32
      %dma_start3A_481 = tpu.memref_slice %arg4[%mul3A_466, %dma_start3A_480] : memref<4608x128xi32, #tpu.memory_space<hbm>> -> memref<16x128xi32, #tpu.memory_space<hbm>>
      %dma_start3A_482 = arith.constant 0 : i32
      %dma_start3A_483 = arith.constant 0 : i32
      %dma_start3A_484 = tpu.memref_slice %arg8[%dma_start3A_482, %dma_start3A_483] : memref<144x128xi32, #tpu.memory_space<vmem>> -> memref<16x128xi32, #tpu.memory_space<vmem>>
      %dma_start3A_485 = arith.constant 0 : i32
      %dma_start3A_486 = tpu.memref_slice %arg4[%mul3A_466, %dma_start3A_485] : memref<4608x128xi32, #tpu.memory_space<hbm>> -> memref<16x128xi32, #tpu.memory_space<hbm>>
      tpu.enqueue_dma source(%dma_start3A_486 : memref<16x128xi32, #tpu.memory_space<hbm>>) target(%dma_start3A_484 : memref<16x128xi32, #tpu.memory_space<vmem>>) target_semaphore(%arg16 : memref<!tpu.dma_semaphore, #tpu.memory_space<semaphore_mem>>)
    } else {
    }
    %broadcast_in_dim3A = arith.constant 0.000000e+00 : f32
    %broadcast_in_dim3A_10 = vector.broadcast %broadcast_in_dim3A : f32 to vector<16xf32>
    %scan3A = arith.constant 0 : i32
    %scan3A_11 = arith.constant 0 : i32
    %scan3A_12 = arith.constant 128 : i32
    %scan3A_13 = arith.addi %scan3A_11, %scan3A_12 : i32
    %scan3A_14 = arith.constant 1 : i32
    scf.for %scan3A_463 = %scan3A_11 to %scan3A_13 step %scan3A_14  : i32 {
      %swap3A = arith.index_cast %scan3A_463 : i32 to index
      %swap3A_464 = arith.constant 0 : index
      %swap3A_465 = tpu.vector_load %arg9[%swap3A, %swap3A_464] {strides = array<i32>} : memref<128x64xf32, #tpu.memory_space<vmem>>, vector<1x16xf32>,
      %swap3A_466 = vector.shape_cast %swap3A_465 : vector<1x16xf32> to vector<16xf32>
      %swap3A_467 = vector.shape_cast %broadcast_in_dim3A_10 : vector<16xf32> to vector<1x16xf32>
      tpu.vector_store %arg9[%swap3A, %swap3A_464], %swap3A_467 {strides = array<i32>} : memref<128x64xf32, #tpu.memory_space<vmem>>, vector<1x16xf32>,
      %swap3A_468 = arith.index_cast %scan3A_463 : i32 to index
      %swap3A_469 = arith.constant 16 : index
      %swap3A_470 = tpu.vector_load %arg9[%swap3A_468, %swap3A_469] {strides = array<i32>} : memref<128x64xf32, #tpu.memory_space<vmem>>, vector<1x16xf32>,
      %swap3A_471 = vector.shape_cast %swap3A_470 : vector<1x16xf32> to vector<16xf32>
      %swap3A_472 = vector.shape_cast %broadcast_in_dim3A_10 : vector<16xf32> to vector<1x16xf32>
      tpu.vector_store %arg9[%swap3A_468, %swap3A_469], %swap3A_472 {strides = array<i32>} : memref<128x64xf32, #tpu.memory_space<vmem>>, vector<1x16xf32>,
      %swap3A_473 = arith.index_cast %scan3A_463 : i32 to index
      %swap3A_474 = arith.constant 32 : index
      %swap3A_475 = tpu.vector_load %arg9[%swap3A_473, %swap3A_474] {strides = array<i32>} : memref<128x64xf32, #tpu.memory_space<vmem>>, vector<1x16xf32>,
      %swap3A_476 = vector.shape_cast %swap3A_475 : vector<1x16xf32> to vector<16xf32>
      %swap3A_477 = vector.shape_cast %broadcast_in_dim3A_10 : vector<16xf32> to vector<1x16xf32>
      tpu.vector_store %arg9[%swap3A_473, %swap3A_474], %swap3A_477 {strides = array<i32>} : memref<128x64xf32, #tpu.memory_space<vmem>>, vector<1x16xf32>,
      %swap3A_478 = arith.index_cast %scan3A_463 : i32 to index
      %swap3A_479 = arith.constant 48 : index
      %swap3A_480 = tpu.vector_load %arg9[%swap3A_478, %swap3A_479] {strides = array<i32>} : memref<128x64xf32, #tpu.memory_space<vmem>>, vector<1x16xf32>,
      %swap3A_481 = vector.shape_cast %swap3A_480 : vector<1x16xf32> to vector<16xf32>
      %swap3A_482 = vector.shape_cast %broadcast_in_dim3A_10 : vector<16xf32> to vector<1x16xf32>
      tpu.vector_store %arg9[%swap3A_478, %swap3A_479], %swap3A_482 {strides = array<i32>} : memref<128x64xf32, #tpu.memory_space<vmem>>, vector<1x16xf32>,
      %swap3A_483 = arith.index_cast %scan3A_463 : i32 to index
      %swap3A_484 = arith.constant 0 : index
      %swap3A_485 = tpu.vector_load %arg23[%swap3A_483, %swap3A_484] {strides = array<i32>} : memref<128x16xf32, #tpu.memory_space<vmem>>, vector<1x16xf32>,
      %swap3A_486 = vector.shape_cast %swap3A_485 : vector<1x16xf32> to vector<16xf32>
      %swap3A_487 = vector.shape_cast %broadcast_in_dim3A_10 : vector<16xf32> to vector<1x16xf32>
      tpu.vector_store %arg23[%swap3A_483, %swap3A_484], %swap3A_487 {strides = array<i32>} : memref<128x16xf32, #tpu.memory_space<vmem>>, vector<1x16xf32>,
      %add3A_488 = arith.constant 1.000000e+00 : f32
      %add3A_489 = vector.broadcast %add3A_488 : f32 to vector<16xf32>
      %add3A_490 = arith.addf %broadcast_in_dim3A_10, %add3A_489 : vector<16xf32>
      %swap3A_491 = arith.index_cast %scan3A_463 : i32 to index
      %swap3A_492 = arith.constant 0 : index
      %swap3A_493 = tpu.vector_load %arg22[%swap3A_491, %swap3A_492] {strides = array<i32>} : memref<128x16xf32, #tpu.memory_space<vmem>>, vector<1x16xf32>,
      %swap3A_494 = vector.shape_cast %swap3A_493 : vector<1x16xf32> to vector<16xf32>
      %swap3A_495 = vector.shape_cast %add3A_490 : vector<16xf32> to vector<1x16xf32>
      tpu.vector_store %arg22[%swap3A_491, %swap3A_492], %swap3A_495 {strides = array<i32>} : memref<128x16xf32, #tpu.memory_space<vmem>>, vector<1x16xf32>,
    }
    %scan3A_15 = arith.constant 128 : i32
    %mul3A_16 = arith.constant 640 : i32
    %mul3A_17 = arith.muli %arg1, %mul3A_16 : i32
    %add3A_18 = arith.constant 0 : i32
    %add3A_19 = arith.addi %mul3A_17, %add3A_18 : i32
    "tpu.region"() ({
      %run_scoped3A = tpu.sem_alloc : memref<!tpu.dma_semaphore, #tpu.memory_space<semaphore_mem>>
      %dma_start3A_463 = arith.constant 0 : i32
      %dma_start3A_464 = tpu.memref_slice %arg13[%add3A_19, %dma_start3A_463] : memref<10240x64xf32, #tpu.memory_space<vmem_shared>> -> memref<128x64xf32, #tpu.memory_space<vmem_shared>>
      %dma_start3A_465 = arith.constant 0 : i32
      %dma_start3A_466 = tpu.memref_slice %arg13[%add3A_19, %dma_start3A_465] : memref<10240x64xf32, #tpu.memory_space<vmem_shared>> -> memref<128x64xf32, #tpu.memory_space<vmem_shared>>
      tpu.enqueue_dma source(%arg9 : memref<128x64xf32, #tpu.memory_space<vmem>>) target(%dma_start3A_466 : memref<128x64xf32, #tpu.memory_space<vmem_shared>>) target_semaphore(%run_scoped3A : memref<!tpu.dma_semaphore, #tpu.memory_space<semaphore_mem>>)
      %dma_wait3A_467 = arith.constant 0 : i32
      %dma_wait3A_468 = tpu.memref_slice %arg13[%add3A_19, %dma_wait3A_467] : memref<10240x64xf32, #tpu.memory_space<vmem_shared>> -> memref<128x64xf32, #tpu.memory_space<vmem_shared>>
      %dma_wait3A_469 = arith.constant 0 : i32
      %dma_wait3A_470 = tpu.memref_slice %arg13[%add3A_19, %dma_wait3A_469] : memref<10240x64xf32, #tpu.memory_space<vmem_shared>> -> memref<128x64xf32, #tpu.memory_space<vmem_shared>>
      tpu.wait_dma2 semaphore(%run_scoped3A : memref<!tpu.dma_semaphore, #tpu.memory_space<semaphore_mem>>) src(%arg9 : memref<128x64xf32, #tpu.memory_space<vmem>>) dst(%dma_wait3A_470 : memref<128x64xf32, #tpu.memory_space<vmem_shared>>)
      tpu.yield
    }) : () -> ()
    %mul3A_20 = arith.constant 640 : i32
    %mul3A_21 = arith.muli %arg1, %mul3A_20 : i32
    %add3A_22 = arith.constant 0 : i32
    %add3A_23 = arith.addi %mul3A_21, %add3A_22 : i32
    "tpu.region"() ({
      %run_scoped3A = tpu.sem_alloc : memref<!tpu.dma_semaphore, #tpu.memory_space<semaphore_mem>>
      %dma_start3A_463 = arith.constant 0 : i32
      %dma_start3A_464 = tpu.memref_slice %arg24[%add3A_23, %dma_start3A_463] : memref<10240x16xf32, #tpu.memory_space<vmem_shared>> -> memref<128x16xf32, #tpu.memory_space<vmem_shared>>
      %dma_start3A_465 = arith.constant 0 : i32
      %dma_start3A_466 = tpu.memref_slice %arg24[%add3A_23, %dma_start3A_465] : memref<10240x16xf32, #tpu.memory_space<vmem_shared>> -> memref<128x16xf32, #tpu.memory_space<vmem_shared>>
      tpu.enqueue_dma source(%arg23 : memref<128x16xf32, #tpu.memory_space<vmem>>) target(%dma_start3A_466 : memref<128x16xf32, #tpu.memory_space<vmem_shared>>) target_semaphore(%run_scoped3A : memref<!tpu.dma_semaphore, #tpu.memory_space<semaphore_mem>>)
      %dma_wait3A_467 = arith.constant 0 : i32
      %dma_wait3A_468 = tpu.memref_slice %arg24[%add3A_23, %dma_wait3A_467] : memref<10240x16xf32, #tpu.memory_space<vmem_shared>> -> memref<128x16xf32, #tpu.memory_space<vmem_shared>>
      %dma_wait3A_469 = arith.constant 0 : i32
      %dma_wait3A_470 = tpu.memref_slice %arg24[%add3A_23, %dma_wait3A_469] : memref<10240x16xf32, #tpu.memory_space<vmem_shared>> -> memref<128x16xf32, #tpu.memory_space<vmem_shared>>
      tpu.wait_dma2 semaphore(%run_scoped3A : memref<!tpu.dma_semaphore, #tpu.memory_space<semaphore_mem>>) src(%arg23 : memref<128x16xf32, #tpu.memory_space<vmem>>) dst(%dma_wait3A_470 : memref<128x16xf32, #tpu.memory_space<vmem_shared>>)
      tpu.yield
    }) : () -> ()
    %mul3A_24 = arith.constant 640 : i32
    %mul3A_25 = arith.muli %arg1, %mul3A_24 : i32
    %add3A_26 = arith.constant 128 : i32
    %add3A_27 = arith.addi %mul3A_25, %add3A_26 : i32
    "tpu.region"() ({
      %run_scoped3A = tpu.sem_alloc : memref<!tpu.dma_semaphore, #tpu.memory_space<semaphore_mem>>
      %dma_start3A_463 = arith.constant 0 : i32
      %dma_start3A_464 = tpu.memref_slice %arg13[%add3A_27, %dma_start3A_463] : memref<10240x64xf32, #tpu.memory_space<vmem_shared>> -> memref<128x64xf32, #tpu.memory_space<vmem_shared>>
      %dma_start3A_465 = arith.constant 0 : i32
      %dma_start3A_466 = tpu.memref_slice %arg13[%add3A_27, %dma_start3A_465] : memref<10240x64xf32, #tpu.memory_space<vmem_shared>> -> memref<128x64xf32, #tpu.memory_space<vmem_shared>>
      tpu.enqueue_dma source(%arg9 : memref<128x64xf32, #tpu.memory_space<vmem>>) target(%dma_start3A_466 : memref<128x64xf32, #tpu.memory_space<vmem_shared>>) target_semaphore(%run_scoped3A : memref<!tpu.dma_semaphore, #tpu.memory_space<semaphore_mem>>)
      %dma_wait3A_467 = arith.constant 0 : i32
      %dma_wait3A_468 = tpu.memref_slice %arg13[%add3A_27, %dma_wait3A_467] : memref<10240x64xf32, #tpu.memory_space<vmem_shared>> -> memref<128x64xf32, #tpu.memory_space<vmem_shared>>
      %dma_wait3A_469 = arith.constant 0 : i32
      %dma_wait3A_470 = tpu.memref_slice %arg13[%add3A_27, %dma_wait3A_469] : memref<10240x64xf32, #tpu.memory_space<vmem_shared>> -> memref<128x64xf32, #tpu.memory_space<vmem_shared>>
      tpu.wait_dma2 semaphore(%run_scoped3A : memref<!tpu.dma_semaphore, #tpu.memory_space<semaphore_mem>>) src(%arg9 : memref<128x64xf32, #tpu.memory_space<vmem>>) dst(%dma_wait3A_470 : memref<128x64xf32, #tpu.memory_space<vmem_shared>>)
      tpu.yield
    }) : () -> ()
    %mul3A_28 = arith.constant 640 : i32
    %mul3A_29 = arith.muli %arg1, %mul3A_28 : i32
    %add3A_30 = arith.constant 128 : i32
    %add3A_31 = arith.addi %mul3A_29, %add3A_30 : i32
    "tpu.region"() ({
      %run_scoped3A = tpu.sem_alloc : memref<!tpu.dma_semaphore, #tpu.memory_space<semaphore_mem>>
      %dma_start3A_463 = arith.constant 0 : i32
      %dma_start3A_464 = tpu.memref_slice %arg24[%add3A_31, %dma_start3A_463] : memref<10240x16xf32, #tpu.memory_space<vmem_shared>> -> memref<128x16xf32, #tpu.memory_space<vmem_shared>>
      %dma_start3A_465 = arith.constant 0 : i32
      %dma_start3A_466 = tpu.memref_slice %arg24[%add3A_31, %dma_start3A_465] : memref<10240x16xf32, #tpu.memory_space<vmem_shared>> -> memref<128x16xf32, #tpu.memory_space<vmem_shared>>
      tpu.enqueue_dma source(%arg23 : memref<128x16xf32, #tpu.memory_space<vmem>>) target(%dma_start3A_466 : memref<128x16xf32, #tpu.memory_space<vmem_shared>>) target_semaphore(%run_scoped3A : memref<!tpu.dma_semaphore, #tpu.memory_space<semaphore_mem>>)
      %dma_wait3A_467 = arith.constant 0 : i32
      %dma_wait3A_468 = tpu.memref_slice %arg24[%add3A_31, %dma_wait3A_467] : memref<10240x16xf32, #tpu.memory_space<vmem_shared>> -> memref<128x16xf32, #tpu.memory_space<vmem_shared>>
      %dma_wait3A_469 = arith.constant 0 : i32
      %dma_wait3A_470 = tpu.memref_slice %arg24[%add3A_31, %dma_wait3A_469] : memref<10240x16xf32, #tpu.memory_space<vmem_shared>> -> memref<128x16xf32, #tpu.memory_space<vmem_shared>>
      tpu.wait_dma2 semaphore(%run_scoped3A : memref<!tpu.dma_semaphore, #tpu.memory_space<semaphore_mem>>) src(%arg23 : memref<128x16xf32, #tpu.memory_space<vmem>>) dst(%dma_wait3A_470 : memref<128x16xf32, #tpu.memory_space<vmem_shared>>)
      tpu.yield
    }) : () -> ()
    %mul3A_32 = arith.constant 640 : i32
    %mul3A_33 = arith.muli %arg1, %mul3A_32 : i32
    %add3A_34 = arith.constant 256 : i32
    %add3A_35 = arith.addi %mul3A_33, %add3A_34 : i32
    "tpu.region"() ({
      %run_scoped3A = tpu.sem_alloc : memref<!tpu.dma_semaphore, #tpu.memory_space<semaphore_mem>>
      %dma_start3A_463 = arith.constant 0 : i32
      %dma_start3A_464 = tpu.memref_slice %arg13[%add3A_35, %dma_start3A_463] : memref<10240x64xf32, #tpu.memory_space<vmem_shared>> -> memref<128x64xf32, #tpu.memory_space<vmem_shared>>
      %dma_start3A_465 = arith.constant 0 : i32
      %dma_start3A_466 = tpu.memref_slice %arg13[%add3A_35, %dma_start3A_465] : memref<10240x64xf32, #tpu.memory_space<vmem_shared>> -> memref<128x64xf32, #tpu.memory_space<vmem_shared>>
      tpu.enqueue_dma source(%arg9 : memref<128x64xf32, #tpu.memory_space<vmem>>) target(%dma_start3A_466 : memref<128x64xf32, #tpu.memory_space<vmem_shared>>) target_semaphore(%run_scoped3A : memref<!tpu.dma_semaphore, #tpu.memory_space<semaphore_mem>>)
      %dma_wait3A_467 = arith.constant 0 : i32
      %dma_wait3A_468 = tpu.memref_slice %arg13[%add3A_35, %dma_wait3A_467] : memref<10240x64xf32, #tpu.memory_space<vmem_shared>> -> memref<128x64xf32, #tpu.memory_space<vmem_shared>>
      %dma_wait3A_469 = arith.constant 0 : i32
      %dma_wait3A_470 = tpu.memref_slice %arg13[%add3A_35, %dma_wait3A_469] : memref<10240x64xf32, #tpu.memory_space<vmem_shared>> -> memref<128x64xf32, #tpu.memory_space<vmem_shared>>
      tpu.wait_dma2 semaphore(%run_scoped3A : memref<!tpu.dma_semaphore, #tpu.memory_space<semaphore_mem>>) src(%arg9 : memref<128x64xf32, #tpu.memory_space<vmem>>) dst(%dma_wait3A_470 : memref<128x64xf32, #tpu.memory_space<vmem_shared>>)
      tpu.yield
    }) : () -> ()
    %mul3A_36 = arith.constant 640 : i32
    %mul3A_37 = arith.muli %arg1, %mul3A_36 : i32
    %add3A_38 = arith.constant 256 : i32
    %add3A_39 = arith.addi %mul3A_37, %add3A_38 : i32
    "tpu.region"() ({
      %run_scoped3A = tpu.sem_alloc : memref<!tpu.dma_semaphore, #tpu.memory_space<semaphore_mem>>
      %dma_start3A_463 = arith.constant 0 : i32
      %dma_start3A_464 = tpu.memref_slice %arg24[%add3A_39, %dma_start3A_463] : memref<10240x16xf32, #tpu.memory_space<vmem_shared>> -> memref<128x16xf32, #tpu.memory_space<vmem_shared>>
      %dma_start3A_465 = arith.constant 0 : i32
      %dma_start3A_466 = tpu.memref_slice %arg24[%add3A_39, %dma_start3A_465] : memref<10240x16xf32, #tpu.memory_space<vmem_shared>> -> memref<128x16xf32, #tpu.memory_space<vmem_shared>>
      tpu.enqueue_dma source(%arg23 : memref<128x16xf32, #tpu.memory_space<vmem>>) target(%dma_start3A_466 : memref<128x16xf32, #tpu.memory_space<vmem_shared>>) target_semaphore(%run_scoped3A : memref<!tpu.dma_semaphore, #tpu.memory_space<semaphore_mem>>)
      %dma_wait3A_467 = arith.constant 0 : i32
      %dma_wait3A_468 = tpu.memref_slice %arg24[%add3A_39, %dma_wait3A_467] : memref<10240x16xf32, #tpu.memory_space<vmem_shared>> -> memref<128x16xf32, #tpu.memory_space<vmem_shared>>
      %dma_wait3A_469 = arith.constant 0 : i32
      %dma_wait3A_470 = tpu.memref_slice %arg24[%add3A_39, %dma_wait3A_469] : memref<10240x16xf32, #tpu.memory_space<vmem_shared>> -> memref<128x16xf32, #tpu.memory_space<vmem_shared>>
      tpu.wait_dma2 semaphore(%run_scoped3A : memref<!tpu.dma_semaphore, #tpu.memory_space<semaphore_mem>>) src(%arg23 : memref<128x16xf32, #tpu.memory_space<vmem>>) dst(%dma_wait3A_470 : memref<128x16xf32, #tpu.memory_space<vmem_shared>>)
      tpu.yield
    }) : () -> ()
    %mul3A_40 = arith.constant 640 : i32
    %mul3A_41 = arith.muli %arg1, %mul3A_40 : i32
    %add3A_42 = arith.constant 384 : i32
    %add3A_43 = arith.addi %mul3A_41, %add3A_42 : i32
    "tpu.region"() ({
      %run_scoped3A = tpu.sem_alloc : memref<!tpu.dma_semaphore, #tpu.memory_space<semaphore_mem>>
      %dma_start3A_463 = arith.constant 0 : i32
      %dma_start3A_464 = tpu.memref_slice %arg13[%add3A_43, %dma_start3A_463] : memref<10240x64xf32, #tpu.memory_space<vmem_shared>> -> memref<128x64xf32, #tpu.memory_space<vmem_shared>>
      %dma_start3A_465 = arith.constant 0 : i32
      %dma_start3A_466 = tpu.memref_slice %arg13[%add3A_43, %dma_start3A_465] : memref<10240x64xf32, #tpu.memory_space<vmem_shared>> -> memref<128x64xf32, #tpu.memory_space<vmem_shared>>
      tpu.enqueue_dma source(%arg9 : memref<128x64xf32, #tpu.memory_space<vmem>>) target(%dma_start3A_466 : memref<128x64xf32, #tpu.memory_space<vmem_shared>>) target_semaphore(%run_scoped3A : memref<!tpu.dma_semaphore, #tpu.memory_space<semaphore_mem>>)
      %dma_wait3A_467 = arith.constant 0 : i32
      %dma_wait3A_468 = tpu.memref_slice %arg13[%add3A_43, %dma_wait3A_467] : memref<10240x64xf32, #tpu.memory_space<vmem_shared>> -> memref<128x64xf32, #tpu.memory_space<vmem_shared>>
      %dma_wait3A_469 = arith.constant 0 : i32
      %dma_wait3A_470 = tpu.memref_slice %arg13[%add3A_43, %dma_wait3A_469] : memref<10240x64xf32, #tpu.memory_space<vmem_shared>> -> memref<128x64xf32, #tpu.memory_space<vmem_shared>>
      tpu.wait_dma2 semaphore(%run_scoped3A : memref<!tpu.dma_semaphore, #tpu.memory_space<semaphore_mem>>) src(%arg9 : memref<128x64xf32, #tpu.memory_space<vmem>>) dst(%dma_wait3A_470 : memref<128x64xf32, #tpu.memory_space<vmem_shared>>)
      tpu.yield
    }) : () -> ()
    %mul3A_44 = arith.constant 640 : i32
    %mul3A_45 = arith.muli %arg1, %mul3A_44 : i32
    %add3A_46 = arith.constant 384 : i32
    %add3A_47 = arith.addi %mul3A_45, %add3A_46 : i32
    "tpu.region"() ({
      %run_scoped3A = tpu.sem_alloc : memref<!tpu.dma_semaphore, #tpu.memory_space<semaphore_mem>>
      %dma_start3A_463 = arith.constant 0 : i32
      %dma_start3A_464 = tpu.memref_slice %arg24[%add3A_47, %dma_start3A_463] : memref<10240x16xf32, #tpu.memory_space<vmem_shared>> -> memref<128x16xf32, #tpu.memory_space<vmem_shared>>
      %dma_start3A_465 = arith.constant 0 : i32
      %dma_start3A_466 = tpu.memref_slice %arg24[%add3A_47, %dma_start3A_465] : memref<10240x16xf32, #tpu.memory_space<vmem_shared>> -> memref<128x16xf32, #tpu.memory_space<vmem_shared>>
      tpu.enqueue_dma source(%arg23 : memref<128x16xf32, #tpu.memory_space<vmem>>) target(%dma_start3A_466 : memref<128x16xf32, #tpu.memory_space<vmem_shared>>) target_semaphore(%run_scoped3A : memref<!tpu.dma_semaphore, #tpu.memory_space<semaphore_mem>>)
      %dma_wait3A_467 = arith.constant 0 : i32
      %dma_wait3A_468 = tpu.memref_slice %arg24[%add3A_47, %dma_wait3A_467] : memref<10240x16xf32, #tpu.memory_space<vmem_shared>> -> memref<128x16xf32, #tpu.memory_space<vmem_shared>>
      %dma_wait3A_469 = arith.constant 0 : i32
      %dma_wait3A_470 = tpu.memref_slice %arg24[%add3A_47, %dma_wait3A_469] : memref<10240x16xf32, #tpu.memory_space<vmem_shared>> -> memref<128x16xf32, #tpu.memory_space<vmem_shared>>
      tpu.wait_dma2 semaphore(%run_scoped3A : memref<!tpu.dma_semaphore, #tpu.memory_space<semaphore_mem>>) src(%arg23 : memref<128x16xf32, #tpu.memory_space<vmem>>) dst(%dma_wait3A_470 : memref<128x16xf32, #tpu.memory_space<vmem_shared>>)
      tpu.yield
    }) : () -> ()
    %mul3A_48 = arith.constant 640 : i32
    %mul3A_49 = arith.muli %arg1, %mul3A_48 : i32
    %add3A_50 = arith.constant 512 : i32
    %add3A_51 = arith.addi %mul3A_49, %add3A_50 : i32
    "tpu.region"() ({
      %run_scoped3A = tpu.sem_alloc : memref<!tpu.dma_semaphore, #tpu.memory_space<semaphore_mem>>
      %dma_start3A_463 = arith.constant 0 : i32
      %dma_start3A_464 = tpu.memref_slice %arg13[%add3A_51, %dma_start3A_463] : memref<10240x64xf32, #tpu.memory_space<vmem_shared>> -> memref<128x64xf32, #tpu.memory_space<vmem_shared>>
      %dma_start3A_465 = arith.constant 0 : i32
      %dma_start3A_466 = tpu.memref_slice %arg13[%add3A_51, %dma_start3A_465] : memref<10240x64xf32, #tpu.memory_space<vmem_shared>> -> memref<128x64xf32, #tpu.memory_space<vmem_shared>>
      tpu.enqueue_dma source(%arg9 : memref<128x64xf32, #tpu.memory_space<vmem>>) target(%dma_start3A_466 : memref<128x64xf32, #tpu.memory_space<vmem_shared>>) target_semaphore(%run_scoped3A : memref<!tpu.dma_semaphore, #tpu.memory_space<semaphore_mem>>)
      %dma_wait3A_467 = arith.constant 0 : i32
      %dma_wait3A_468 = tpu.memref_slice %arg13[%add3A_51, %dma_wait3A_467] : memref<10240x64xf32, #tpu.memory_space<vmem_shared>> -> memref<128x64xf32, #tpu.memory_space<vmem_shared>>
      %dma_wait3A_469 = arith.constant 0 : i32
      %dma_wait3A_470 = tpu.memref_slice %arg13[%add3A_51, %dma_wait3A_469] : memref<10240x64xf32, #tpu.memory_space<vmem_shared>> -> memref<128x64xf32, #tpu.memory_space<vmem_shared>>
      tpu.wait_dma2 semaphore(%run_scoped3A : memref<!tpu.dma_semaphore, #tpu.memory_space<semaphore_mem>>) src(%arg9 : memref<128x64xf32, #tpu.memory_space<vmem>>) dst(%dma_wait3A_470 : memref<128x64xf32, #tpu.memory_space<vmem_shared>>)
      tpu.yield
    }) : () -> ()
    %mul3A_52 = arith.constant 640 : i32
    %mul3A_53 = arith.muli %arg1, %mul3A_52 : i32
    %add3A_54 = arith.constant 512 : i32
    %add3A_55 = arith.addi %mul3A_53, %add3A_54 : i32
    "tpu.region"() ({
      %run_scoped3A = tpu.sem_alloc : memref<!tpu.dma_semaphore, #tpu.memory_space<semaphore_mem>>
      %dma_start3A_463 = arith.constant 0 : i32
      %dma_start3A_464 = tpu.memref_slice %arg24[%add3A_55, %dma_start3A_463] : memref<10240x16xf32, #tpu.memory_space<vmem_shared>> -> memref<128x16xf32, #tpu.memory_space<vmem_shared>>
      %dma_start3A_465 = arith.constant 0 : i32
      %dma_start3A_466 = tpu.memref_slice %arg24[%add3A_55, %dma_start3A_465] : memref<10240x16xf32, #tpu.memory_space<vmem_shared>> -> memref<128x16xf32, #tpu.memory_space<vmem_shared>>
      tpu.enqueue_dma source(%arg23 : memref<128x16xf32, #tpu.memory_space<vmem>>) target(%dma_start3A_466 : memref<128x16xf32, #tpu.memory_space<vmem_shared>>) target_semaphore(%run_scoped3A : memref<!tpu.dma_semaphore, #tpu.memory_space<semaphore_mem>>)
      %dma_wait3A_467 = arith.constant 0 : i32
      %dma_wait3A_468 = tpu.memref_slice %arg24[%add3A_55, %dma_wait3A_467] : memref<10240x16xf32, #tpu.memory_space<vmem_shared>> -> memref<128x16xf32, #tpu.memory_space<vmem_shared>>
      %dma_wait3A_469 = arith.constant 0 : i32
      %dma_wait3A_470 = tpu.memref_slice %arg24[%add3A_55, %dma_wait3A_469] : memref<10240x16xf32, #tpu.memory_space<vmem_shared>> -> memref<128x16xf32, #tpu.memory_space<vmem_shared>>
      tpu.wait_dma2 semaphore(%run_scoped3A : memref<!tpu.dma_semaphore, #tpu.memory_space<semaphore_mem>>) src(%arg23 : memref<128x16xf32, #tpu.memory_space<vmem>>) dst(%dma_wait3A_470 : memref<128x16xf32, #tpu.memory_space<vmem_shared>>)
      tpu.yield
    }) : () -> ()
    %eq3A_56 = arith.constant 0 : i32
    %eq3A_57 = arith.cmpi eq, %arg0, %eq3A_56 : i32
    %convert_element_type3A_58 = arith.extui %eq3A_57 : i1 to i32
    %cond3A_59 = arith.constant 0 : i32
    %cond3A_60 = arith.cmpi ne, %convert_element_type3A_58, %cond3A_59 : i32
    scf.if %cond3A_60 {
      %mul3A_463 = arith.constant 144 : i32
      %mul3A_464 = arith.muli %add3A, %mul3A_463 : i32
      %mul3A_465 = arith.constant 144 : i32
      %mul3A_466 = arith.muli %add3A, %mul3A_465 : i32
      %dma_wait3A_467 = arith.constant 0 : i32
      %dma_wait3A_468 = arith.constant 0 : i32
      %dma_wait3A_469 = tpu.memref_slice %arg7[%dma_wait3A_467, %dma_wait3A_468] : memref<144x128xi32, #tpu.memory_space<vmem>> -> memref<144x128xi32, #tpu.memory_space<vmem>>
      %dma_wait3A_470 = arith.constant 0 : i32
      %dma_wait3A_471 = tpu.memref_slice %arg3[%mul3A_464, %dma_wait3A_470] : memref<4608x128xi32, #tpu.memory_space<hbm>> -> memref<144x128xi32, #tpu.memory_space<hbm>>
      %dma_wait3A_472 = arith.constant 0 : i32
      %dma_wait3A_473 = arith.constant 0 : i32
      %dma_wait3A_474 = tpu.memref_slice %arg7[%dma_wait3A_472, %dma_wait3A_473] : memref<144x128xi32, #tpu.memory_space<vmem>> -> memref<144x128xi32, #tpu.memory_space<vmem>>
      %dma_wait3A_475 = arith.constant 0 : i32
      %dma_wait3A_476 = tpu.memref_slice %arg3[%mul3A_464, %dma_wait3A_475] : memref<4608x128xi32, #tpu.memory_space<hbm>> -> memref<144x128xi32, #tpu.memory_space<hbm>>
      tpu.wait_dma2 semaphore(%arg15 : memref<!tpu.dma_semaphore, #tpu.memory_space<semaphore_mem>>) src(%dma_wait3A_476 : memref<144x128xi32, #tpu.memory_space<hbm>>) dst(%dma_wait3A_474 : memref<144x128xi32, #tpu.memory_space<vmem>>)
      %dma_wait3A_477 = arith.constant 0 : i32
      %dma_wait3A_478 = arith.constant 0 : i32
      %dma_wait3A_479 = tpu.memref_slice %arg8[%dma_wait3A_477, %dma_wait3A_478] : memref<144x128xi32, #tpu.memory_space<vmem>> -> memref<144x128xi32, #tpu.memory_space<vmem>>
      %dma_wait3A_480 = arith.constant 0 : i32
      %dma_wait3A_481 = tpu.memref_slice %arg4[%mul3A_466, %dma_wait3A_480] : memref<4608x128xi32, #tpu.memory_space<hbm>> -> memref<144x128xi32, #tpu.memory_space<hbm>>
      %dma_wait3A_482 = arith.constant 0 : i32
      %dma_wait3A_483 = arith.constant 0 : i32
      %dma_wait3A_484 = tpu.memref_slice %arg8[%dma_wait3A_482, %dma_wait3A_483] : memref<144x128xi32, #tpu.memory_space<vmem>> -> memref<144x128xi32, #tpu.memory_space<vmem>>
      %dma_wait3A_485 = arith.constant 0 : i32
      %dma_wait3A_486 = tpu.memref_slice %arg4[%mul3A_466, %dma_wait3A_485] : memref<4608x128xi32, #tpu.memory_space<hbm>> -> memref<144x128xi32, #tpu.memory_space<hbm>>
      tpu.wait_dma2 semaphore(%arg16 : memref<!tpu.dma_semaphore, #tpu.memory_space<semaphore_mem>>) src(%dma_wait3A_486 : memref<144x128xi32, #tpu.memory_space<hbm>>) dst(%dma_wait3A_484 : memref<144x128xi32, #tpu.memory_space<vmem>>)
    } else {
    }
    %ne3A_61 = arith.constant 0 : i32
    %ne3A_62 = arith.cmpi ne, %arg0, %ne3A_61 : i32
    %convert_element_type3A_63 = arith.extui %ne3A_62 : i1 to i32
    %cond3A_64 = arith.constant 0 : i32
    %cond3A_65 = arith.cmpi ne, %convert_element_type3A_63, %cond3A_64 : i32
    scf.if %cond3A_65 {
      %mul3A_463 = arith.constant 144 : i32
      %mul3A_464 = arith.muli %add3A, %mul3A_463 : i32
      %mul3A_465 = arith.constant 144 : i32
      %mul3A_466 = arith.muli %add3A, %mul3A_465 : i32
      %dma_wait3A_467 = arith.constant 0 : i32
      %dma_wait3A_468 = arith.constant 0 : i32
      %dma_wait3A_469 = tpu.memref_slice %arg7[%dma_wait3A_467, %dma_wait3A_468] : memref<144x128xi32, #tpu.memory_space<vmem>> -> memref<16x128xi32, #tpu.memory_space<vmem>>
      %dma_wait3A_470 = arith.constant 0 : i32
      %dma_wait3A_471 = tpu.memref_slice %arg3[%mul3A_464, %dma_wait3A_470] : memref<4608x128xi32, #tpu.memory_space<hbm>> -> memref<16x128xi32, #tpu.memory_space<hbm>>
      %dma_wait3A_472 = arith.constant 0 : i32
      %dma_wait3A_473 = arith.constant 0 : i32
      %dma_wait3A_474 = tpu.memref_slice %arg7[%dma_wait3A_472, %dma_wait3A_473] : memref<144x128xi32, #tpu.memory_space<vmem>> -> memref<16x128xi32, #tpu.memory_space<vmem>>
      %dma_wait3A_475 = arith.constant 0 : i32
      %dma_wait3A_476 = tpu.memref_slice %arg3[%mul3A_464, %dma_wait3A_475] : memref<4608x128xi32, #tpu.memory_space<hbm>> -> memref<16x128xi32, #tpu.memory_space<hbm>>
      tpu.wait_dma2 semaphore(%arg15 : memref<!tpu.dma_semaphore, #tpu.memory_space<semaphore_mem>>) src(%dma_wait3A_476 : memref<16x128xi32, #tpu.memory_space<hbm>>) dst(%dma_wait3A_474 : memref<16x128xi32, #tpu.memory_space<vmem>>)
      %dma_wait3A_477 = arith.constant 0 : i32
      %dma_wait3A_478 = arith.constant 0 : i32
      %dma_wait3A_479 = tpu.memref_slice %arg8[%dma_wait3A_477, %dma_wait3A_478] : memref<144x128xi32, #tpu.memory_space<vmem>> -> memref<16x128xi32, #tpu.memory_space<vmem>>
      %dma_wait3A_480 = arith.constant 0 : i32
      %dma_wait3A_481 = tpu.memref_slice %arg4[%mul3A_466, %dma_wait3A_480] : memref<4608x128xi32, #tpu.memory_space<hbm>> -> memref<16x128xi32, #tpu.memory_space<hbm>>
      %dma_wait3A_482 = arith.constant 0 : i32
      %dma_wait3A_483 = arith.constant 0 : i32
      %dma_wait3A_484 = tpu.memref_slice %arg8[%dma_wait3A_482, %dma_wait3A_483] : memref<144x128xi32, #tpu.memory_space<vmem>> -> memref<16x128xi32, #tpu.memory_space<vmem>>
      %dma_wait3A_485 = arith.constant 0 : i32
      %dma_wait3A_486 = tpu.memref_slice %arg4[%mul3A_466, %dma_wait3A_485] : memref<4608x128xi32, #tpu.memory_space<hbm>> -> memref<16x128xi32, #tpu.memory_space<hbm>>
      tpu.wait_dma2 semaphore(%arg16 : memref<!tpu.dma_semaphore, #tpu.memory_space<semaphore_mem>>) src(%dma_wait3A_486 : memref<16x128xi32, #tpu.memory_space<hbm>>) dst(%dma_wait3A_484 : memref<16x128xi32, #tpu.memory_space<vmem>>)
    } else {
    }
    %barrier3A = arith.constant 0 : index
    tpu.barrier barrier_id(%barrier3A)
    %dma_start3A = arith.constant 0 : i32
    %dma_start3A_66 = arith.constant 0 : i32
    %dma_start3A_67 = tpu.memref_slice %arg7[%dma_start3A, %dma_start3A_66] : memref<144x128xi32, #tpu.memory_space<vmem>> -> memref<1x128xi32, #tpu.memory_space<vmem>>
    %dma_start3A_68 = tpu.memref_squeeze %dma_start3A_67 : memref<1x128xi32, #tpu.memory_space<vmem>> -> memref<128xi32, #tpu.memory_space<vmem>>
    %dma_start3A_69 = arith.constant 0 : i32
    %dma_start3A_70 = arith.constant 0 : i32
    %dma_start3A_71 = tpu.memref_slice %arg2[%dma_start3A_69, %dma_start3A_70] : memref<10000x64xf32, #tpu.memory_space<hbm>> -> memref<10000x64xf32, #tpu.memory_space<hbm>>
    tpu.enqueue_indirect_dma source(%dma_start3A_71 : memref<10000x64xf32, #tpu.memory_space<hbm>>) target(%arg9 : memref<128x64xf32, #tpu.memory_space<vmem>>) offsets(%dma_start3A_68 : memref<128xi32, #tpu.memory_space<vmem>>) semaphore(%arg14 : memref<!tpu.dma_semaphore, #tpu.memory_space<semaphore_mem>>)
    %dma_start3A_72 = arith.constant 1 : i32
    %dma_start3A_73 = arith.constant 0 : i32
    %dma_start3A_74 = tpu.memref_slice %arg7[%dma_start3A_72, %dma_start3A_73] : memref<144x128xi32, #tpu.memory_space<vmem>> -> memref<1x128xi32, #tpu.memory_space<vmem>>
    %dma_start3A_75 = tpu.memref_squeeze %dma_start3A_74 : memref<1x128xi32, #tpu.memory_space<vmem>> -> memref<128xi32, #tpu.memory_space<vmem>>
    %dma_start3A_76 = arith.constant 0 : i32
    %dma_start3A_77 = arith.constant 0 : i32
    %dma_start3A_78 = tpu.memref_slice %arg2[%dma_start3A_76, %dma_start3A_77] : memref<10000x64xf32, #tpu.memory_space<hbm>> -> memref<10000x64xf32, #tpu.memory_space<hbm>>
    tpu.enqueue_indirect_dma source(%dma_start3A_78 : memref<10000x64xf32, #tpu.memory_space<hbm>>) target(%arg10 : memref<128x64xf32, #tpu.memory_space<vmem>>) offsets(%dma_start3A_75 : memref<128xi32, #tpu.memory_space<vmem>>) semaphore(%arg15 : memref<!tpu.dma_semaphore, #tpu.memory_space<semaphore_mem>>)
    %dma_wait3A = arith.constant 0 : i32
    %dma_wait3A_79 = arith.constant 0 : i32
    %dma_wait3A_80 = tpu.memref_slice %arg7[%dma_wait3A, %dma_wait3A_79] : memref<144x128xi32, #tpu.memory_space<vmem>> -> memref<1x128xi32, #tpu.memory_space<vmem>>
    %dma_wait3A_81 = tpu.memref_squeeze %dma_wait3A_80 : memref<1x128xi32, #tpu.memory_space<vmem>> -> memref<128xi32, #tpu.memory_space<vmem>>
    %dma_wait3A_82 = arith.constant 0 : i32
    %dma_wait3A_83 = arith.constant 0 : i32
    %dma_wait3A_84 = tpu.memref_slice %arg2[%dma_wait3A_82, %dma_wait3A_83] : memref<10000x64xf32, #tpu.memory_space<hbm>> -> memref<10000x64xf32, #tpu.memory_space<hbm>>
    tpu.wait_indirect_dma semaphore(%arg14 : memref<!tpu.dma_semaphore, #tpu.memory_space<semaphore_mem>>) src(%dma_wait3A_84 : memref<10000x64xf32, #tpu.memory_space<hbm>>) dst(%arg9 : memref<128x64xf32, #tpu.memory_space<vmem>>)
    %dma_start3A_85 = arith.constant 0 : i32
    %dma_start3A_86 = arith.constant 0 : i32
    %dma_start3A_87 = tpu.memref_slice %arg8[%dma_start3A_85, %dma_start3A_86] : memref<144x128xi32, #tpu.memory_space<vmem>> -> memref<1x128xi32, #tpu.memory_space<vmem>>
    %dma_start3A_88 = tpu.memref_squeeze %dma_start3A_87 : memref<1x128xi32, #tpu.memory_space<vmem>> -> memref<128xi32, #tpu.memory_space<vmem>>
    %dma_start3A_89 = arith.constant 0 : i32
    %dma_start3A_90 = arith.constant 0 : i32
    %dma_start3A_91 = tpu.memref_slice %arg13[%dma_start3A_89, %dma_start3A_90] : memref<10240x64xf32, #tpu.memory_space<vmem_shared>> -> memref<10240x64xf32, #tpu.memory_space<vmem_shared>>
    tpu.enqueue_indirect_dma source(%arg9 : memref<128x64xf32, #tpu.memory_space<vmem>>) target(%dma_start3A_91 : memref<10240x64xf32, #tpu.memory_space<vmem_shared>>) offsets(%dma_start3A_88 : memref<128xi32, #tpu.memory_space<vmem>>) semaphore(%arg18 : memref<!tpu.dma_semaphore, #tpu.memory_space<semaphore_mem>>) {add = true}
    %dma_start3A_92 = arith.constant 0 : i32
    %dma_start3A_93 = arith.constant 0 : i32
    %dma_start3A_94 = tpu.memref_slice %arg8[%dma_start3A_92, %dma_start3A_93] : memref<144x128xi32, #tpu.memory_space<vmem>> -> memref<1x128xi32, #tpu.memory_space<vmem>>
    %dma_start3A_95 = tpu.memref_squeeze %dma_start3A_94 : memref<1x128xi32, #tpu.memory_space<vmem>> -> memref<128xi32, #tpu.memory_space<vmem>>
    %dma_start3A_96 = arith.constant 0 : i32
    %dma_start3A_97 = arith.constant 0 : i32
    %dma_start3A_98 = tpu.memref_slice %arg24[%dma_start3A_96, %dma_start3A_97] : memref<10240x16xf32, #tpu.memory_space<vmem_shared>> -> memref<10240x16xf32, #tpu.memory_space<vmem_shared>>
    tpu.enqueue_indirect_dma source(%arg22 : memref<128x16xf32, #tpu.memory_space<vmem>>) target(%dma_start3A_98 : memref<10240x16xf32, #tpu.memory_space<vmem_shared>>) offsets(%dma_start3A_95 : memref<128xi32, #tpu.memory_space<vmem>>) semaphore(%arg25 : memref<!tpu.dma_semaphore, #tpu.memory_space<semaphore_mem>>) {add = true}
    %dma_start3A_99 = arith.constant 2 : i32
    %dma_start3A_100 = arith.constant 0 : i32
    %dma_start3A_101 = tpu.memref_slice %arg7[%dma_start3A_99, %dma_start3A_100] : memref<144x128xi32, #tpu.memory_space<vmem>> -> memref<1x128xi32, #tpu.memory_space<vmem>>
    %dma_start3A_102 = tpu.memref_squeeze %dma_start3A_101 : memref<1x128xi32, #tpu.memory_space<vmem>> -> memref<128xi32, #tpu.memory_space<vmem>>
    %dma_start3A_103 = arith.constant 0 : i32
    %dma_start3A_104 = arith.constant 0 : i32
    %dma_start3A_105 = tpu.memref_slice %arg2[%dma_start3A_103, %dma_start3A_104] : memref<10000x64xf32, #tpu.memory_space<hbm>> -> memref<10000x64xf32, #tpu.memory_space<hbm>>
    tpu.enqueue_indirect_dma source(%dma_start3A_105 : memref<10000x64xf32, #tpu.memory_space<hbm>>) target(%arg11 : memref<128x64xf32, #tpu.memory_space<vmem>>) offsets(%dma_start3A_102 : memref<128xi32, #tpu.memory_space<vmem>>) semaphore(%arg16 : memref<!tpu.dma_semaphore, #tpu.memory_space<semaphore_mem>>)
    %dma_wait3A_106 = arith.constant 1 : i32
    %dma_wait3A_107 = arith.constant 0 : i32
    %dma_wait3A_108 = tpu.memref_slice %arg7[%dma_wait3A_106, %dma_wait3A_107] : memref<144x128xi32, #tpu.memory_space<vmem>> -> memref<1x128xi32, #tpu.memory_space<vmem>>
    %dma_wait3A_109 = tpu.memref_squeeze %dma_wait3A_108 : memref<1x128xi32, #tpu.memory_space<vmem>> -> memref<128xi32, #tpu.memory_space<vmem>>
    %dma_wait3A_110 = arith.constant 0 : i32
    %dma_wait3A_111 = arith.constant 0 : i32
    %dma_wait3A_112 = tpu.memref_slice %arg2[%dma_wait3A_110, %dma_wait3A_111] : memref<10000x64xf32, #tpu.memory_space<hbm>> -> memref<10000x64xf32, #tpu.memory_space<hbm>>
    tpu.wait_indirect_dma semaphore(%arg15 : memref<!tpu.dma_semaphore, #tpu.memory_space<semaphore_mem>>) src(%dma_wait3A_112 : memref<10000x64xf32, #tpu.memory_space<hbm>>) dst(%arg10 : memref<128x64xf32, #tpu.memory_space<vmem>>)
    %dma_start3A_113 = arith.constant 1 : i32
    %dma_start3A_114 = arith.constant 0 : i32
    %dma_start3A_115 = tpu.memref_slice %arg8[%dma_start3A_113, %dma_start3A_114] : memref<144x128xi32, #tpu.memory_space<vmem>> -> memref<1x128xi32, #tpu.memory_space<vmem>>
    %dma_start3A_116 = tpu.memref_squeeze %dma_start3A_115 : memref<1x128xi32, #tpu.memory_space<vmem>> -> memref<128xi32, #tpu.memory_space<vmem>>
    %dma_start3A_117 = arith.constant 0 : i32
    %dma_start3A_118 = arith.constant 0 : i32
    %dma_start3A_119 = tpu.memref_slice %arg13[%dma_start3A_117, %dma_start3A_118] : memref<10240x64xf32, #tpu.memory_space<vmem_shared>> -> memref<10240x64xf32, #tpu.memory_space<vmem_shared>>
    tpu.enqueue_indirect_dma source(%arg10 : memref<128x64xf32, #tpu.memory_space<vmem>>) target(%dma_start3A_119 : memref<10240x64xf32, #tpu.memory_space<vmem_shared>>) offsets(%dma_start3A_116 : memref<128xi32, #tpu.memory_space<vmem>>) semaphore(%arg19 : memref<!tpu.dma_semaphore, #tpu.memory_space<semaphore_mem>>) {add = true}
    %dma_start3A_120 = arith.constant 1 : i32
    %dma_start3A_121 = arith.constant 0 : i32
    %dma_start3A_122 = tpu.memref_slice %arg8[%dma_start3A_120, %dma_start3A_121] : memref<144x128xi32, #tpu.memory_space<vmem>> -> memref<1x128xi32, #tpu.memory_space<vmem>>
    %dma_start3A_123 = tpu.memref_squeeze %dma_start3A_122 : memref<1x128xi32, #tpu.memory_space<vmem>> -> memref<128xi32, #tpu.memory_space<vmem>>
    %dma_start3A_124 = arith.constant 0 : i32
    %dma_start3A_125 = arith.constant 0 : i32
    %dma_start3A_126 = tpu.memref_slice %arg24[%dma_start3A_124, %dma_start3A_125] : memref<10240x16xf32, #tpu.memory_space<vmem_shared>> -> memref<10240x16xf32, #tpu.memory_space<vmem_shared>>
    tpu.enqueue_indirect_dma source(%arg22 : memref<128x16xf32, #tpu.memory_space<vmem>>) target(%dma_start3A_126 : memref<10240x16xf32, #tpu.memory_space<vmem_shared>>) offsets(%dma_start3A_123 : memref<128xi32, #tpu.memory_space<vmem>>) semaphore(%arg26 : memref<!tpu.dma_semaphore, #tpu.memory_space<semaphore_mem>>) {add = true}
    %dma_start3A_127 = arith.constant 3 : i32
    %dma_start3A_128 = arith.constant 0 : i32
    %dma_start3A_129 = tpu.memref_slice %arg7[%dma_start3A_127, %dma_start3A_128] : memref<144x128xi32, #tpu.memory_space<vmem>> -> memref<1x128xi32, #tpu.memory_space<vmem>>
    %dma_start3A_130 = tpu.memref_squeeze %dma_start3A_129 : memref<1x128xi32, #tpu.memory_space<vmem>> -> memref<128xi32, #tpu.memory_space<vmem>>
    %dma_start3A_131 = arith.constant 0 : i32
    %dma_start3A_132 = arith.constant 0 : i32
    %dma_start3A_133 = tpu.memref_slice %arg2[%dma_start3A_131, %dma_start3A_132] : memref<10000x64xf32, #tpu.memory_space<hbm>> -> memref<10000x64xf32, #tpu.memory_space<hbm>>
    tpu.enqueue_indirect_dma source(%dma_start3A_133 : memref<10000x64xf32, #tpu.memory_space<hbm>>) target(%arg12 : memref<128x64xf32, #tpu.memory_space<vmem>>) offsets(%dma_start3A_130 : memref<128xi32, #tpu.memory_space<vmem>>) semaphore(%arg17 : memref<!tpu.dma_semaphore, #tpu.memory_space<semaphore_mem>>)
    %dma_wait3A_134 = arith.constant 2 : i32
    %dma_wait3A_135 = arith.constant 0 : i32
    %dma_wait3A_136 = tpu.memref_slice %arg7[%dma_wait3A_134, %dma_wait3A_135] : memref<144x128xi32, #tpu.memory_space<vmem>> -> memref<1x128xi32, #tpu.memory_space<vmem>>
    %dma_wait3A_137 = tpu.memref_squeeze %dma_wait3A_136 : memref<1x128xi32, #tpu.memory_space<vmem>> -> memref<128xi32, #tpu.memory_space<vmem>>
    %dma_wait3A_138 = arith.constant 0 : i32
    %dma_wait3A_139 = arith.constant 0 : i32
    %dma_wait3A_140 = tpu.memref_slice %arg2[%dma_wait3A_138, %dma_wait3A_139] : memref<10000x64xf32, #tpu.memory_space<hbm>> -> memref<10000x64xf32, #tpu.memory_space<hbm>>
    tpu.wait_indirect_dma semaphore(%arg16 : memref<!tpu.dma_semaphore, #tpu.memory_space<semaphore_mem>>) src(%dma_wait3A_140 : memref<10000x64xf32, #tpu.memory_space<hbm>>) dst(%arg11 : memref<128x64xf32, #tpu.memory_space<vmem>>)
    %dma_start3A_141 = arith.constant 2 : i32
    %dma_start3A_142 = arith.constant 0 : i32
    %dma_start3A_143 = tpu.memref_slice %arg8[%dma_start3A_141, %dma_start3A_142] : memref<144x128xi32, #tpu.memory_space<vmem>> -> memref<1x128xi32, #tpu.memory_space<vmem>>
    %dma_start3A_144 = tpu.memref_squeeze %dma_start3A_143 : memref<1x128xi32, #tpu.memory_space<vmem>> -> memref<128xi32, #tpu.memory_space<vmem>>
    %dma_start3A_145 = arith.constant 0 : i32
    %dma_start3A_146 = arith.constant 0 : i32
    %dma_start3A_147 = tpu.memref_slice %arg13[%dma_start3A_145, %dma_start3A_146] : memref<10240x64xf32, #tpu.memory_space<vmem_shared>> -> memref<10240x64xf32, #tpu.memory_space<vmem_shared>>
    tpu.enqueue_indirect_dma source(%arg11 : memref<128x64xf32, #tpu.memory_space<vmem>>) target(%dma_start3A_147 : memref<10240x64xf32, #tpu.memory_space<vmem_shared>>) offsets(%dma_start3A_144 : memref<128xi32, #tpu.memory_space<vmem>>) semaphore(%arg20 : memref<!tpu.dma_semaphore, #tpu.memory_space<semaphore_mem>>) {add = true}
    %dma_wait3A_148 = arith.constant 0 : i32
    %dma_wait3A_149 = arith.constant 0 : i32
    %dma_wait3A_150 = tpu.memref_slice %arg8[%dma_wait3A_148, %dma_wait3A_149] : memref<144x128xi32, #tpu.memory_space<vmem>> -> memref<1x128xi32, #tpu.memory_space<vmem>>
    %dma_wait3A_151 = tpu.memref_squeeze %dma_wait3A_150 : memref<1x128xi32, #tpu.memory_space<vmem>> -> memref<128xi32, #tpu.memory_space<vmem>>
    %dma_wait3A_152 = arith.constant 0 : i32
    %dma_wait3A_153 = arith.constant 0 : i32
    %dma_wait3A_154 = tpu.memref_slice %arg24[%dma_wait3A_152, %dma_wait3A_153] : memref<10240x16xf32, #tpu.memory_space<vmem_shared>> -> memref<10240x16xf32, #tpu.memory_space<vmem_shared>>
    tpu.wait_indirect_dma semaphore(%arg25 : memref<!tpu.dma_semaphore, #tpu.memory_space<semaphore_mem>>) src(%arg22 : memref<128x16xf32, #tpu.memory_space<vmem>>) dst(%dma_wait3A_154 : memref<10240x16xf32, #tpu.memory_space<vmem_shared>>)
    %dma_start3A_155 = arith.constant 2 : i32
    %dma_start3A_156 = arith.constant 0 : i32
    %dma_start3A_157 = tpu.memref_slice %arg8[%dma_start3A_155, %dma_start3A_156] : memref<144x128xi32, #tpu.memory_space<vmem>> -> memref<1x128xi32, #tpu.memory_space<vmem>>
    %dma_start3A_158 = tpu.memref_squeeze %dma_start3A_157 : memref<1x128xi32, #tpu.memory_space<vmem>> -> memref<128xi32, #tpu.memory_space<vmem>>
    %dma_start3A_159 = arith.constant 0 : i32
    %dma_start3A_160 = arith.constant 0 : i32
    %dma_start3A_161 = tpu.memref_slice %arg24[%dma_start3A_159, %dma_start3A_160] : memref<10240x16xf32, #tpu.memory_space<vmem_shared>> -> memref<10240x16xf32, #tpu.memory_space<vmem_shared>>
    tpu.enqueue_indirect_dma source(%arg22 : memref<128x16xf32, #tpu.memory_space<vmem>>) target(%dma_start3A_161 : memref<10240x16xf32, #tpu.memory_space<vmem_shared>>) offsets(%dma_start3A_158 : memref<128xi32, #tpu.memory_space<vmem>>) semaphore(%arg25 : memref<!tpu.dma_semaphore, #tpu.memory_space<semaphore_mem>>) {add = true}
    %dma_wait3A_162 = arith.constant 0 : i32
    %dma_wait3A_163 = arith.constant 0 : i32
    %dma_wait3A_164 = tpu.memref_slice %arg8[%dma_wait3A_162, %dma_wait3A_163] : memref<144x128xi32, #tpu.memory_space<vmem>> -> memref<1x128xi32, #tpu.memory_space<vmem>>
    %dma_wait3A_165 = tpu.memref_squeeze %dma_wait3A_164 : memref<1x128xi32, #tpu.memory_space<vmem>> -> memref<128xi32, #tpu.memory_space<vmem>>
    %dma_wait3A_166 = arith.constant 0 : i32
    %dma_wait3A_167 = arith.constant 0 : i32
    %dma_wait3A_168 = tpu.memref_slice %arg13[%dma_wait3A_166, %dma_wait3A_167] : memref<10240x64xf32, #tpu.memory_space<vmem_shared>> -> memref<10240x64xf32, #tpu.memory_space<vmem_shared>>
    tpu.wait_indirect_dma semaphore(%arg18 : memref<!tpu.dma_semaphore, #tpu.memory_space<semaphore_mem>>) src(%arg9 : memref<128x64xf32, #tpu.memory_space<vmem>>) dst(%dma_wait3A_168 : memref<10240x64xf32, #tpu.memory_space<vmem_shared>>)
    %dma_start3A_169 = arith.constant 4 : i32
    %dma_start3A_170 = arith.constant 0 : i32
    %dma_start3A_171 = tpu.memref_slice %arg7[%dma_start3A_169, %dma_start3A_170] : memref<144x128xi32, #tpu.memory_space<vmem>> -> memref<1x128xi32, #tpu.memory_space<vmem>>
    %dma_start3A_172 = tpu.memref_squeeze %dma_start3A_171 : memref<1x128xi32, #tpu.memory_space<vmem>> -> memref<128xi32, #tpu.memory_space<vmem>>
    %dma_start3A_173 = arith.constant 0 : i32
    %dma_start3A_174 = arith.constant 0 : i32
    %dma_start3A_175 = tpu.memref_slice %arg2[%dma_start3A_173, %dma_start3A_174] : memref<10000x64xf32, #tpu.memory_space<hbm>> -> memref<10000x64xf32, #tpu.memory_space<hbm>>
    tpu.enqueue_indirect_dma source(%dma_start3A_175 : memref<10000x64xf32, #tpu.memory_space<hbm>>) target(%arg9 : memref<128x64xf32, #tpu.memory_space<vmem>>) offsets(%dma_start3A_172 : memref<128xi32, #tpu.memory_space<vmem>>) semaphore(%arg14 : memref<!tpu.dma_semaphore, #tpu.memory_space<semaphore_mem>>)
    %dma_wait3A_176 = arith.constant 3 : i32
    %dma_wait3A_177 = arith.constant 0 : i32
    %dma_wait3A_178 = tpu.memref_slice %arg7[%dma_wait3A_176, %dma_wait3A_177] : memref<144x128xi32, #tpu.memory_space<vmem>> -> memref<1x128xi32, #tpu.memory_space<vmem>>
    %dma_wait3A_179 = tpu.memref_squeeze %dma_wait3A_178 : memref<1x128xi32, #tpu.memory_space<vmem>> -> memref<128xi32, #tpu.memory_space<vmem>>
    %dma_wait3A_180 = arith.constant 0 : i32
    %dma_wait3A_181 = arith.constant 0 : i32
    %dma_wait3A_182 = tpu.memref_slice %arg2[%dma_wait3A_180, %dma_wait3A_181] : memref<10000x64xf32, #tpu.memory_space<hbm>> -> memref<10000x64xf32, #tpu.memory_space<hbm>>
    tpu.wait_indirect_dma semaphore(%arg17 : memref<!tpu.dma_semaphore, #tpu.memory_space<semaphore_mem>>) src(%dma_wait3A_182 : memref<10000x64xf32, #tpu.memory_space<hbm>>) dst(%arg12 : memref<128x64xf32, #tpu.memory_space<vmem>>)
    %dma_start3A_183 = arith.constant 3 : i32
    %dma_start3A_184 = arith.constant 0 : i32
    %dma_start3A_185 = tpu.memref_slice %arg8[%dma_start3A_183, %dma_start3A_184] : memref<144x128xi32, #tpu.memory_space<vmem>> -> memref<1x128xi32, #tpu.memory_space<vmem>>
    %dma_start3A_186 = tpu.memref_squeeze %dma_start3A_185 : memref<1x128xi32, #tpu.memory_space<vmem>> -> memref<128xi32, #tpu.memory_space<vmem>>
    %dma_start3A_187 = arith.constant 0 : i32
    %dma_start3A_188 = arith.constant 0 : i32
    %dma_start3A_189 = tpu.memref_slice %arg13[%dma_start3A_187, %dma_start3A_188] : memref<10240x64xf32, #tpu.memory_space<vmem_shared>> -> memref<10240x64xf32, #tpu.memory_space<vmem_shared>>
    tpu.enqueue_indirect_dma source(%arg12 : memref<128x64xf32, #tpu.memory_space<vmem>>) target(%dma_start3A_189 : memref<10240x64xf32, #tpu.memory_space<vmem_shared>>) offsets(%dma_start3A_186 : memref<128xi32, #tpu.memory_space<vmem>>) semaphore(%arg21 : memref<!tpu.dma_semaphore, #tpu.memory_space<semaphore_mem>>) {add = true}
    %dma_wait3A_190 = arith.constant 1 : i32
    %dma_wait3A_191 = arith.constant 0 : i32
    %dma_wait3A_192 = tpu.memref_slice %arg8[%dma_wait3A_190, %dma_wait3A_191] : memref<144x128xi32, #tpu.memory_space<vmem>> -> memref<1x128xi32, #tpu.memory_space<vmem>>
    %dma_wait3A_193 = tpu.memref_squeeze %dma_wait3A_192 : memref<1x128xi32, #tpu.memory_space<vmem>> -> memref<128xi32, #tpu.memory_space<vmem>>
    %dma_wait3A_194 = arith.constant 0 : i32
    %dma_wait3A_195 = arith.constant 0 : i32
    %dma_wait3A_196 = tpu.memref_slice %arg24[%dma_wait3A_194, %dma_wait3A_195] : memref<10240x16xf32, #tpu.memory_space<vmem_shared>> -> memref<10240x16xf32, #tpu.memory_space<vmem_shared>>
    tpu.wait_indirect_dma semaphore(%arg26 : memref<!tpu.dma_semaphore, #tpu.memory_space<semaphore_mem>>) src(%arg22 : memref<128x16xf32, #tpu.memory_space<vmem>>) dst(%dma_wait3A_196 : memref<10240x16xf32, #tpu.memory_space<vmem_shared>>)
    %dma_start3A_197 = arith.constant 3 : i32
    %dma_start3A_198 = arith.constant 0 : i32
    %dma_start3A_199 = tpu.memref_slice %arg8[%dma_start3A_197, %dma_start3A_198] : memref<144x128xi32, #tpu.memory_space<vmem>> -> memref<1x128xi32, #tpu.memory_space<vmem>>
    %dma_start3A_200 = tpu.memref_squeeze %dma_start3A_199 : memref<1x128xi32, #tpu.memory_space<vmem>> -> memref<128xi32, #tpu.memory_space<vmem>>
    %dma_start3A_201 = arith.constant 0 : i32
    %dma_start3A_202 = arith.constant 0 : i32
    %dma_start3A_203 = tpu.memref_slice %arg24[%dma_start3A_201, %dma_start3A_202] : memref<10240x16xf32, #tpu.memory_space<vmem_shared>> -> memref<10240x16xf32, #tpu.memory_space<vmem_shared>>
    tpu.enqueue_indirect_dma source(%arg22 : memref<128x16xf32, #tpu.memory_space<vmem>>) target(%dma_start3A_203 : memref<10240x16xf32, #tpu.memory_space<vmem_shared>>) offsets(%dma_start3A_200 : memref<128xi32, #tpu.memory_space<vmem>>) semaphore(%arg26 : memref<!tpu.dma_semaphore, #tpu.memory_space<semaphore_mem>>) {add = true}
    %dma_wait3A_204 = arith.constant 1 : i32
    %dma_wait3A_205 = arith.constant 0 : i32
    %dma_wait3A_206 = tpu.memref_slice %arg8[%dma_wait3A_204, %dma_wait3A_205] : memref<144x128xi32, #tpu.memory_space<vmem>> -> memref<1x128xi32, #tpu.memory_space<vmem>>
    %dma_wait3A_207 = tpu.memref_squeeze %dma_wait3A_206 : memref<1x128xi32, #tpu.memory_space<vmem>> -> memref<128xi32, #tpu.memory_space<vmem>>
    %dma_wait3A_208 = arith.constant 0 : i32
    %dma_wait3A_209 = arith.constant 0 : i32
    %dma_wait3A_210 = tpu.memref_slice %arg13[%dma_wait3A_208, %dma_wait3A_209] : memref<10240x64xf32, #tpu.memory_space<vmem_shared>> -> memref<10240x64xf32, #tpu.memory_space<vmem_shared>>
    tpu.wait_indirect_dma semaphore(%arg19 : memref<!tpu.dma_semaphore, #tpu.memory_space<semaphore_mem>>) src(%arg10 : memref<128x64xf32, #tpu.memory_space<vmem>>) dst(%dma_wait3A_210 : memref<10240x64xf32, #tpu.memory_space<vmem_shared>>)
    %dma_start3A_211 = arith.constant 5 : i32
    %dma_start3A_212 = arith.constant 0 : i32
    %dma_start3A_213 = tpu.memref_slice %arg7[%dma_start3A_211, %dma_start3A_212] : memref<144x128xi32, #tpu.memory_space<vmem>> -> memref<1x128xi32, #tpu.memory_space<vmem>>
    %dma_start3A_214 = tpu.memref_squeeze %dma_start3A_213 : memref<1x128xi32, #tpu.memory_space<vmem>> -> memref<128xi32, #tpu.memory_space<vmem>>
    %dma_start3A_215 = arith.constant 0 : i32
    %dma_start3A_216 = arith.constant 0 : i32
    %dma_start3A_217 = tpu.memref_slice %arg2[%dma_start3A_215, %dma_start3A_216] : memref<10000x64xf32, #tpu.memory_space<hbm>> -> memref<10000x64xf32, #tpu.memory_space<hbm>>
    tpu.enqueue_indirect_dma source(%dma_start3A_217 : memref<10000x64xf32, #tpu.memory_space<hbm>>) target(%arg10 : memref<128x64xf32, #tpu.memory_space<vmem>>) offsets(%dma_start3A_214 : memref<128xi32, #tpu.memory_space<vmem>>) semaphore(%arg15 : memref<!tpu.dma_semaphore, #tpu.memory_space<semaphore_mem>>)
    %sub3A = arith.constant 1 : i32
    %sub3A_218 = arith.subi %select_n3A, %sub3A : i32
    %while3A = arith.constant 0 : i32
    %while3A_219 = arith.constant 1 : i32
    %while3A_220 = arith.subi %sub3A_218, %while3A_219 : i32
    %while3A_221 = arith.addi %while3A_219, %while3A_220 : i32
    %while3A_222 = arith.constant 1 : i32
    %while3A_223 = arith.divsi %while3A_220, %while3A_222 : i32
    %while3A_224 = arith.muli %while3A_223, %while3A_222 : i32
    %while3A_225 = arith.addi %while3A_219, %while3A_224 : i32
    %while3A_226 = arith.constant 1 : i32
    scf.for %while3A_463 = %while3A_219 to %while3A_225 step %while3A_226  : i32 {
      %mul3A_464 = arith.constant 4 : i32
      %mul3A_465 = arith.muli %while3A_463, %mul3A_464 : i32
      %add3A_466 = arith.constant 0 : i32
      %add3A_467 = arith.addi %mul3A_465, %add3A_466 : i32
      %dma_wait3A_468 = arith.constant 0 : i32
      %dma_wait3A_469 = tpu.memref_slice %arg7[%add3A_467, %dma_wait3A_468] : memref<144x128xi32, #tpu.memory_space<vmem>> -> memref<1x128xi32, #tpu.memory_space<vmem>>
      %dma_wait3A_470 = tpu.memref_squeeze %dma_wait3A_469 : memref<1x128xi32, #tpu.memory_space<vmem>> -> memref<128xi32, #tpu.memory_space<vmem>>
      %dma_wait3A_471 = arith.constant 0 : i32
      %dma_wait3A_472 = arith.constant 0 : i32
      %dma_wait3A_473 = tpu.memref_slice %arg2[%dma_wait3A_471, %dma_wait3A_472] : memref<10000x64xf32, #tpu.memory_space<hbm>> -> memref<10000x64xf32, #tpu.memory_space<hbm>>
      tpu.wait_indirect_dma semaphore(%arg14 : memref<!tpu.dma_semaphore, #tpu.memory_space<semaphore_mem>>) src(%dma_wait3A_473 : memref<10000x64xf32, #tpu.memory_space<hbm>>) dst(%arg9 : memref<128x64xf32, #tpu.memory_space<vmem>>)
      %dma_start3A_474 = arith.constant 0 : i32
      %dma_start3A_475 = tpu.memref_slice %arg8[%add3A_467, %dma_start3A_474] : memref<144x128xi32, #tpu.memory_space<vmem>> -> memref<1x128xi32, #tpu.memory_space<vmem>>
      %dma_start3A_476 = tpu.memref_squeeze %dma_start3A_475 : memref<1x128xi32, #tpu.memory_space<vmem>> -> memref<128xi32, #tpu.memory_space<vmem>>
      %dma_start3A_477 = arith.constant 0 : i32
      %dma_start3A_478 = arith.constant 0 : i32
      %dma_start3A_479 = tpu.memref_slice %arg13[%dma_start3A_477, %dma_start3A_478] : memref<10240x64xf32, #tpu.memory_space<vmem_shared>> -> memref<10240x64xf32, #tpu.memory_space<vmem_shared>>
      tpu.enqueue_indirect_dma source(%arg9 : memref<128x64xf32, #tpu.memory_space<vmem>>) target(%dma_start3A_479 : memref<10240x64xf32, #tpu.memory_space<vmem_shared>>) offsets(%dma_start3A_476 : memref<128xi32, #tpu.memory_space<vmem>>) semaphore(%arg18 : memref<!tpu.dma_semaphore, #tpu.memory_space<semaphore_mem>>) {add = true}
      %sub3A_480 = arith.constant 2 : i32
      %sub3A_481 = arith.subi %add3A_467, %sub3A_480 : i32
      %dma_wait3A_482 = arith.constant 0 : i32
      %dma_wait3A_483 = tpu.memref_slice %arg8[%sub3A_481, %dma_wait3A_482] : memref<144x128xi32, #tpu.memory_space<vmem>> -> memref<1x128xi32, #tpu.memory_space<vmem>>
      %dma_wait3A_484 = tpu.memref_squeeze %dma_wait3A_483 : memref<1x128xi32, #tpu.memory_space<vmem>> -> memref<128xi32, #tpu.memory_space<vmem>>
      %dma_wait3A_485 = arith.constant 0 : i32
      %dma_wait3A_486 = arith.constant 0 : i32
      %dma_wait3A_487 = tpu.memref_slice %arg24[%dma_wait3A_485, %dma_wait3A_486] : memref<10240x16xf32, #tpu.memory_space<vmem_shared>> -> memref<10240x16xf32, #tpu.memory_space<vmem_shared>>
      tpu.wait_indirect_dma semaphore(%arg25 : memref<!tpu.dma_semaphore, #tpu.memory_space<semaphore_mem>>) src(%arg22 : memref<128x16xf32, #tpu.memory_space<vmem>>) dst(%dma_wait3A_487 : memref<10240x16xf32, #tpu.memory_space<vmem_shared>>)
      %dma_start3A_488 = arith.constant 0 : i32
      %dma_start3A_489 = tpu.memref_slice %arg8[%add3A_467, %dma_start3A_488] : memref<144x128xi32, #tpu.memory_space<vmem>> -> memref<1x128xi32, #tpu.memory_space<vmem>>
      %dma_start3A_490 = tpu.memref_squeeze %dma_start3A_489 : memref<1x128xi32, #tpu.memory_space<vmem>> -> memref<128xi32, #tpu.memory_space<vmem>>
      %dma_start3A_491 = arith.constant 0 : i32
      %dma_start3A_492 = arith.constant 0 : i32
      %dma_start3A_493 = tpu.memref_slice %arg24[%dma_start3A_491, %dma_start3A_492] : memref<10240x16xf32, #tpu.memory_space<vmem_shared>> -> memref<10240x16xf32, #tpu.memory_space<vmem_shared>>
      tpu.enqueue_indirect_dma source(%arg22 : memref<128x16xf32, #tpu.memory_space<vmem>>) target(%dma_start3A_493 : memref<10240x16xf32, #tpu.memory_space<vmem_shared>>) offsets(%dma_start3A_490 : memref<128xi32, #tpu.memory_space<vmem>>) semaphore(%arg25 : memref<!tpu.dma_semaphore, #tpu.memory_space<semaphore_mem>>) {add = true}
      %sub3A_494 = arith.constant 2 : i32
      %sub3A_495 = arith.subi %add3A_467, %sub3A_494 : i32
      %dma_wait3A_496 = arith.constant 0 : i32
      %dma_wait3A_497 = tpu.memref_slice %arg8[%sub3A_495, %dma_wait3A_496] : memref<144x128xi32, #tpu.memory_space<vmem>> -> memref<1x128xi32, #tpu.memory_space<vmem>>
      %dma_wait3A_498 = tpu.memref_squeeze %dma_wait3A_497 : memref<1x128xi32, #tpu.memory_space<vmem>> -> memref<128xi32, #tpu.memory_space<vmem>>
      %dma_wait3A_499 = arith.constant 0 : i32
      %dma_wait3A_500 = arith.constant 0 : i32
      %dma_wait3A_501 = tpu.memref_slice %arg13[%dma_wait3A_499, %dma_wait3A_500] : memref<10240x64xf32, #tpu.memory_space<vmem_shared>> -> memref<10240x64xf32, #tpu.memory_space<vmem_shared>>
      tpu.wait_indirect_dma semaphore(%arg20 : memref<!tpu.dma_semaphore, #tpu.memory_space<semaphore_mem>>) src(%arg11 : memref<128x64xf32, #tpu.memory_space<vmem>>) dst(%dma_wait3A_501 : memref<10240x64xf32, #tpu.memory_space<vmem_shared>>)
      %add3A_502 = arith.constant 2 : i32
      %add3A_503 = arith.addi %add3A_467, %add3A_502 : i32
      %dma_start3A_504 = arith.constant 0 : i32
      %dma_start3A_505 = tpu.memref_slice %arg7[%add3A_503, %dma_start3A_504] : memref<144x128xi32, #tpu.memory_space<vmem>> -> memref<1x128xi32, #tpu.memory_space<vmem>>
      %dma_start3A_506 = tpu.memref_squeeze %dma_start3A_505 : memref<1x128xi32, #tpu.memory_space<vmem>> -> memref<128xi32, #tpu.memory_space<vmem>>
      %dma_start3A_507 = arith.constant 0 : i32
      %dma_start3A_508 = arith.constant 0 : i32
      %dma_start3A_509 = tpu.memref_slice %arg2[%dma_start3A_507, %dma_start3A_508] : memref<10000x64xf32, #tpu.memory_space<hbm>> -> memref<10000x64xf32, #tpu.memory_space<hbm>>
      tpu.enqueue_indirect_dma source(%dma_start3A_509 : memref<10000x64xf32, #tpu.memory_space<hbm>>) target(%arg11 : memref<128x64xf32, #tpu.memory_space<vmem>>) offsets(%dma_start3A_506 : memref<128xi32, #tpu.memory_space<vmem>>) semaphore(%arg16 : memref<!tpu.dma_semaphore, #tpu.memory_space<semaphore_mem>>)
      %add3A_510 = arith.constant 1 : i32
      %add3A_511 = arith.addi %mul3A_465, %add3A_510 : i32
      %dma_wait3A_512 = arith.constant 0 : i32
      %dma_wait3A_513 = tpu.memref_slice %arg7[%add3A_511, %dma_wait3A_512] : memref<144x128xi32, #tpu.memory_space<vmem>> -> memref<1x128xi32, #tpu.memory_space<vmem>>
      %dma_wait3A_514 = tpu.memref_squeeze %dma_wait3A_513 : memref<1x128xi32, #tpu.memory_space<vmem>> -> memref<128xi32, #tpu.memory_space<vmem>>
      %dma_wait3A_515 = arith.constant 0 : i32
      %dma_wait3A_516 = arith.constant 0 : i32
      %dma_wait3A_517 = tpu.memref_slice %arg2[%dma_wait3A_515, %dma_wait3A_516] : memref<10000x64xf32, #tpu.memory_space<hbm>> -> memref<10000x64xf32, #tpu.memory_space<hbm>>
      tpu.wait_indirect_dma semaphore(%arg15 : memref<!tpu.dma_semaphore, #tpu.memory_space<semaphore_mem>>) src(%dma_wait3A_517 : memref<10000x64xf32, #tpu.memory_space<hbm>>) dst(%arg10 : memref<128x64xf32, #tpu.memory_space<vmem>>)
      %dma_start3A_518 = arith.constant 0 : i32
      %dma_start3A_519 = tpu.memref_slice %arg8[%add3A_511, %dma_start3A_518] : memref<144x128xi32, #tpu.memory_space<vmem>> -> memref<1x128xi32, #tpu.memory_space<vmem>>
      %dma_start3A_520 = tpu.memref_squeeze %dma_start3A_519 : memref<1x128xi32, #tpu.memory_space<vmem>> -> memref<128xi32, #tpu.memory_space<vmem>>
      %dma_start3A_521 = arith.constant 0 : i32
      %dma_start3A_522 = arith.constant 0 : i32
      %dma_start3A_523 = tpu.memref_slice %arg13[%dma_start3A_521, %dma_start3A_522] : memref<10240x64xf32, #tpu.memory_space<vmem_shared>> -> memref<10240x64xf32, #tpu.memory_space<vmem_shared>>
      tpu.enqueue_indirect_dma source(%arg10 : memref<128x64xf32, #tpu.memory_space<vmem>>) target(%dma_start3A_523 : memref<10240x64xf32, #tpu.memory_space<vmem_shared>>) offsets(%dma_start3A_520 : memref<128xi32, #tpu.memory_space<vmem>>) semaphore(%arg19 : memref<!tpu.dma_semaphore, #tpu.memory_space<semaphore_mem>>) {add = true}
      %sub3A_524 = arith.constant 2 : i32
      %sub3A_525 = arith.subi %add3A_511, %sub3A_524 : i32
      %dma_wait3A_526 = arith.constant 0 : i32
      %dma_wait3A_527 = tpu.memref_slice %arg8[%sub3A_525, %dma_wait3A_526] : memref<144x128xi32, #tpu.memory_space<vmem>> -> memref<1x128xi32, #tpu.memory_space<vmem>>
      %dma_wait3A_528 = tpu.memref_squeeze %dma_wait3A_527 : memref<1x128xi32, #tpu.memory_space<vmem>> -> memref<128xi32, #tpu.memory_space<vmem>>
      %dma_wait3A_529 = arith.constant 0 : i32
      %dma_wait3A_530 = arith.constant 0 : i32
      %dma_wait3A_531 = tpu.memref_slice %arg24[%dma_wait3A_529, %dma_wait3A_530] : memref<10240x16xf32, #tpu.memory_space<vmem_shared>> -> memref<10240x16xf32, #tpu.memory_space<vmem_shared>>
      tpu.wait_indirect_dma semaphore(%arg26 : memref<!tpu.dma_semaphore, #tpu.memory_space<semaphore_mem>>) src(%arg22 : memref<128x16xf32, #tpu.memory_space<vmem>>) dst(%dma_wait3A_531 : memref<10240x16xf32, #tpu.memory_space<vmem_shared>>)
      %dma_start3A_532 = arith.constant 0 : i32
      %dma_start3A_533 = tpu.memref_slice %arg8[%add3A_511, %dma_start3A_532] : memref<144x128xi32, #tpu.memory_space<vmem>> -> memref<1x128xi32, #tpu.memory_space<vmem>>
      %dma_start3A_534 = tpu.memref_squeeze %dma_start3A_533 : memref<1x128xi32, #tpu.memory_space<vmem>> -> memref<128xi32, #tpu.memory_space<vmem>>
      %dma_start3A_535 = arith.constant 0 : i32
      %dma_start3A_536 = arith.constant 0 : i32
      %dma_start3A_537 = tpu.memref_slice %arg24[%dma_start3A_535, %dma_start3A_536] : memref<10240x16xf32, #tpu.memory_space<vmem_shared>> -> memref<10240x16xf32, #tpu.memory_space<vmem_shared>>
      tpu.enqueue_indirect_dma source(%arg22 : memref<128x16xf32, #tpu.memory_space<vmem>>) target(%dma_start3A_537 : memref<10240x16xf32, #tpu.memory_space<vmem_shared>>) offsets(%dma_start3A_534 : memref<128xi32, #tpu.memory_space<vmem>>) semaphore(%arg26 : memref<!tpu.dma_semaphore, #tpu.memory_space<semaphore_mem>>) {add = true}
      %sub3A_538 = arith.constant 2 : i32
      %sub3A_539 = arith.subi %add3A_511, %sub3A_538 : i32
      %dma_wait3A_540 = arith.constant 0 : i32
      %dma_wait3A_541 = tpu.memref_slice %arg8[%sub3A_539, %dma_wait3A_540] : memref<144x128xi32, #tpu.memory_space<vmem>> -> memref<1x128xi32, #tpu.memory_space<vmem>>
      %dma_wait3A_542 = tpu.memref_squeeze %dma_wait3A_541 : memref<1x128xi32, #tpu.memory_space<vmem>> -> memref<128xi32, #tpu.memory_space<vmem>>
      %dma_wait3A_543 = arith.constant 0 : i32
      %dma_wait3A_544 = arith.constant 0 : i32
      %dma_wait3A_545 = tpu.memref_slice %arg13[%dma_wait3A_543, %dma_wait3A_544] : memref<10240x64xf32, #tpu.memory_space<vmem_shared>> -> memref<10240x64xf32, #tpu.memory_space<vmem_shared>>
      tpu.wait_indirect_dma semaphore(%arg21 : memref<!tpu.dma_semaphore, #tpu.memory_space<semaphore_mem>>) src(%arg12 : memref<128x64xf32, #tpu.memory_space<vmem>>) dst(%dma_wait3A_545 : memref<10240x64xf32, #tpu.memory_space<vmem_shared>>)
      %add3A_546 = arith.constant 2 : i32
      %add3A_547 = arith.addi %add3A_511, %add3A_546 : i32
      %dma_start3A_548 = arith.constant 0 : i32
      %dma_start3A_549 = tpu.memref_slice %arg7[%add3A_547, %dma_start3A_548] : memref<144x128xi32, #tpu.memory_space<vmem>> -> memref<1x128xi32, #tpu.memory_space<vmem>>
      %dma_start3A_550 = tpu.memref_squeeze %dma_start3A_549 : memref<1x128xi32, #tpu.memory_space<vmem>> -> memref<128xi32, #tpu.memory_space<vmem>>
      %dma_start3A_551 = arith.constant 0 : i32
      %dma_start3A_552 = arith.constant 0 : i32
      %dma_start3A_553 = tpu.memref_slice %arg2[%dma_start3A_551, %dma_start3A_552] : memref<10000x64xf32, #tpu.memory_space<hbm>> -> memref<10000x64xf32, #tpu.memory_space<hbm>>
      tpu.enqueue_indirect_dma source(%dma_start3A_553 : memref<10000x64xf32, #tpu.memory_space<hbm>>) target(%arg12 : memref<128x64xf32, #tpu.memory_space<vmem>>) offsets(%dma_start3A_550 : memref<128xi32, #tpu.memory_space<vmem>>) semaphore(%arg17 : memref<!tpu.dma_semaphore, #tpu.memory_space<semaphore_mem>>)
      %add3A_554 = arith.constant 2 : i32
      %add3A_555 = arith.addi %mul3A_465, %add3A_554 : i32
      %dma_wait3A_556 = arith.constant 0 : i32
      %dma_wait3A_557 = tpu.memref_slice %arg7[%add3A_555, %dma_wait3A_556] : memref<144x128xi32, #tpu.memory_space<vmem>> -> memref<1x128xi32, #tpu.memory_space<vmem>>
      %dma_wait3A_558 = tpu.memref_squeeze %dma_wait3A_557 : memref<1x128xi32, #tpu.memory_space<vmem>> -> memref<128xi32, #tpu.memory_space<vmem>>
      %dma_wait3A_559 = arith.constant 0 : i32
      %dma_wait3A_560 = arith.constant 0 : i32
      %dma_wait3A_561 = tpu.memref_slice %arg2[%dma_wait3A_559, %dma_wait3A_560] : memref<10000x64xf32, #tpu.memory_space<hbm>> -> memref<10000x64xf32, #tpu.memory_space<hbm>>
      tpu.wait_indirect_dma semaphore(%arg16 : memref<!tpu.dma_semaphore, #tpu.memory_space<semaphore_mem>>) src(%dma_wait3A_561 : memref<10000x64xf32, #tpu.memory_space<hbm>>) dst(%arg11 : memref<128x64xf32, #tpu.memory_space<vmem>>)
      %dma_start3A_562 = arith.constant 0 : i32
      %dma_start3A_563 = tpu.memref_slice %arg8[%add3A_555, %dma_start3A_562] : memref<144x128xi32, #tpu.memory_space<vmem>> -> memref<1x128xi32, #tpu.memory_space<vmem>>
      %dma_start3A_564 = tpu.memref_squeeze %dma_start3A_563 : memref<1x128xi32, #tpu.memory_space<vmem>> -> memref<128xi32, #tpu.memory_space<vmem>>
      %dma_start3A_565 = arith.constant 0 : i32
      %dma_start3A_566 = arith.constant 0 : i32
      %dma_start3A_567 = tpu.memref_slice %arg13[%dma_start3A_565, %dma_start3A_566] : memref<10240x64xf32, #tpu.memory_space<vmem_shared>> -> memref<10240x64xf32, #tpu.memory_space<vmem_shared>>
      tpu.enqueue_indirect_dma source(%arg11 : memref<128x64xf32, #tpu.memory_space<vmem>>) target(%dma_start3A_567 : memref<10240x64xf32, #tpu.memory_space<vmem_shared>>) offsets(%dma_start3A_564 : memref<128xi32, #tpu.memory_space<vmem>>) semaphore(%arg20 : memref<!tpu.dma_semaphore, #tpu.memory_space<semaphore_mem>>) {add = true}
      %sub3A_568 = arith.constant 2 : i32
      %sub3A_569 = arith.subi %add3A_555, %sub3A_568 : i32
      %dma_wait3A_570 = arith.constant 0 : i32
      %dma_wait3A_571 = tpu.memref_slice %arg8[%sub3A_569, %dma_wait3A_570] : memref<144x128xi32, #tpu.memory_space<vmem>> -> memref<1x128xi32, #tpu.memory_space<vmem>>
      %dma_wait3A_572 = tpu.memref_squeeze %dma_wait3A_571 : memref<1x128xi32, #tpu.memory_space<vmem>> -> memref<128xi32, #tpu.memory_space<vmem>>
      %dma_wait3A_573 = arith.constant 0 : i32
      %dma_wait3A_574 = arith.constant 0 : i32
      %dma_wait3A_575 = tpu.memref_slice %arg24[%dma_wait3A_573, %dma_wait3A_574] : memref<10240x16xf32, #tpu.memory_space<vmem_shared>> -> memref<10240x16xf32, #tpu.memory_space<vmem_shared>>
      tpu.wait_indirect_dma semaphore(%arg25 : memref<!tpu.dma_semaphore, #tpu.memory_space<semaphore_mem>>) src(%arg22 : memref<128x16xf32, #tpu.memory_space<vmem>>) dst(%dma_wait3A_575 : memref<10240x16xf32, #tpu.memory_space<vmem_shared>>)
      %dma_start3A_576 = arith.constant 0 : i32
      %dma_start3A_577 = tpu.memref_slice %arg8[%add3A_555, %dma_start3A_576] : memref<144x128xi32, #tpu.memory_space<vmem>> -> memref<1x128xi32, #tpu.memory_space<vmem>>
      %dma_start3A_578 = tpu.memref_squeeze %dma_start3A_577 : memref<1x128xi32, #tpu.memory_space<vmem>> -> memref<128xi32, #tpu.memory_space<vmem>>
      %dma_start3A_579 = arith.constant 0 : i32
      %dma_start3A_580 = arith.constant 0 : i32
      %dma_start3A_581 = tpu.memref_slice %arg24[%dma_start3A_579, %dma_start3A_580] : memref<10240x16xf32, #tpu.memory_space<vmem_shared>> -> memref<10240x16xf32, #tpu.memory_space<vmem_shared>>
      tpu.enqueue_indirect_dma source(%arg22 : memref<128x16xf32, #tpu.memory_space<vmem>>) target(%dma_start3A_581 : memref<10240x16xf32, #tpu.memory_space<vmem_shared>>) offsets(%dma_start3A_578 : memref<128xi32, #tpu.memory_space<vmem>>) semaphore(%arg25 : memref<!tpu.dma_semaphore, #tpu.memory_space<semaphore_mem>>) {add = true}
      %sub3A_582 = arith.constant 2 : i32
      %sub3A_583 = arith.subi %add3A_555, %sub3A_582 : i32
      %dma_wait3A_584 = arith.constant 0 : i32
      %dma_wait3A_585 = tpu.memref_slice %arg8[%sub3A_583, %dma_wait3A_584] : memref<144x128xi32, #tpu.memory_space<vmem>> -> memref<1x128xi32, #tpu.memory_space<vmem>>
      %dma_wait3A_586 = tpu.memref_squeeze %dma_wait3A_585 : memref<1x128xi32, #tpu.memory_space<vmem>> -> memref<128xi32, #tpu.memory_space<vmem>>
      %dma_wait3A_587 = arith.constant 0 : i32
      %dma_wait3A_588 = arith.constant 0 : i32
      %dma_wait3A_589 = tpu.memref_slice %arg13[%dma_wait3A_587, %dma_wait3A_588] : memref<10240x64xf32, #tpu.memory_space<vmem_shared>> -> memref<10240x64xf32, #tpu.memory_space<vmem_shared>>
      tpu.wait_indirect_dma semaphore(%arg18 : memref<!tpu.dma_semaphore, #tpu.memory_space<semaphore_mem>>) src(%arg9 : memref<128x64xf32, #tpu.memory_space<vmem>>) dst(%dma_wait3A_589 : memref<10240x64xf32, #tpu.memory_space<vmem_shared>>)
      %add3A_590 = arith.constant 2 : i32
      %add3A_591 = arith.addi %add3A_555, %add3A_590 : i32
      %dma_start3A_592 = arith.constant 0 : i32
      %dma_start3A_593 = tpu.memref_slice %arg7[%add3A_591, %dma_start3A_592] : memref<144x128xi32, #tpu.memory_space<vmem>> -> memref<1x128xi32, #tpu.memory_space<vmem>>
      %dma_start3A_594 = tpu.memref_squeeze %dma_start3A_593 : memref<1x128xi32, #tpu.memory_space<vmem>> -> memref<128xi32, #tpu.memory_space<vmem>>
      %dma_start3A_595 = arith.constant 0 : i32
      %dma_start3A_596 = arith.constant 0 : i32
      %dma_start3A_597 = tpu.memref_slice %arg2[%dma_start3A_595, %dma_start3A_596] : memref<10000x64xf32, #tpu.memory_space<hbm>> -> memref<10000x64xf32, #tpu.memory_space<hbm>>
      tpu.enqueue_indirect_dma source(%dma_start3A_597 : memref<10000x64xf32, #tpu.memory_space<hbm>>) target(%arg9 : memref<128x64xf32, #tpu.memory_space<vmem>>) offsets(%dma_start3A_594 : memref<128xi32, #tpu.memory_space<vmem>>) semaphore(%arg14 : memref<!tpu.dma_semaphore, #tpu.memory_space<semaphore_mem>>)
      %add3A_598 = arith.constant 3 : i32
      %add3A_599 = arith.addi %mul3A_465, %add3A_598 : i32
      %dma_wait3A_600 = arith.constant 0 : i32
      %dma_wait3A_601 = tpu.memref_slice %arg7[%add3A_599, %dma_wait3A_600] : memref<144x128xi32, #tpu.memory_space<vmem>> -> memref<1x128xi32, #tpu.memory_space<vmem>>
      %dma_wait3A_602 = tpu.memref_squeeze %dma_wait3A_601 : memref<1x128xi32, #tpu.memory_space<vmem>> -> memref<128xi32, #tpu.memory_space<vmem>>
      %dma_wait3A_603 = arith.constant 0 : i32
      %dma_wait3A_604 = arith.constant 0 : i32
      %dma_wait3A_605 = tpu.memref_slice %arg2[%dma_wait3A_603, %dma_wait3A_604] : memref<10000x64xf32, #tpu.memory_space<hbm>> -> memref<10000x64xf32, #tpu.memory_space<hbm>>
      tpu.wait_indirect_dma semaphore(%arg17 : memref<!tpu.dma_semaphore, #tpu.memory_space<semaphore_mem>>) src(%dma_wait3A_605 : memref<10000x64xf32, #tpu.memory_space<hbm>>) dst(%arg12 : memref<128x64xf32, #tpu.memory_space<vmem>>)
      %dma_start3A_606 = arith.constant 0 : i32
      %dma_start3A_607 = tpu.memref_slice %arg8[%add3A_599, %dma_start3A_606] : memref<144x128xi32, #tpu.memory_space<vmem>> -> memref<1x128xi32, #tpu.memory_space<vmem>>
      %dma_start3A_608 = tpu.memref_squeeze %dma_start3A_607 : memref<1x128xi32, #tpu.memory_space<vmem>> -> memref<128xi32, #tpu.memory_space<vmem>>
      %dma_start3A_609 = arith.constant 0 : i32
      %dma_start3A_610 = arith.constant 0 : i32
      %dma_start3A_611 = tpu.memref_slice %arg13[%dma_start3A_609, %dma_start3A_610] : memref<10240x64xf32, #tpu.memory_space<vmem_shared>> -> memref<10240x64xf32, #tpu.memory_space<vmem_shared>>
      tpu.enqueue_indirect_dma source(%arg12 : memref<128x64xf32, #tpu.memory_space<vmem>>) target(%dma_start3A_611 : memref<10240x64xf32, #tpu.memory_space<vmem_shared>>) offsets(%dma_start3A_608 : memref<128xi32, #tpu.memory_space<vmem>>) semaphore(%arg21 : memref<!tpu.dma_semaphore, #tpu.memory_space<semaphore_mem>>) {add = true}
      %sub3A_612 = arith.constant 2 : i32
      %sub3A_613 = arith.subi %add3A_599, %sub3A_612 : i32
      %dma_wait3A_614 = arith.constant 0 : i32
      %dma_wait3A_615 = tpu.memref_slice %arg8[%sub3A_613, %dma_wait3A_614] : memref<144x128xi32, #tpu.memory_space<vmem>> -> memref<1x128xi32, #tpu.memory_space<vmem>>
      %dma_wait3A_616 = tpu.memref_squeeze %dma_wait3A_615 : memref<1x128xi32, #tpu.memory_space<vmem>> -> memref<128xi32, #tpu.memory_space<vmem>>
      %dma_wait3A_617 = arith.constant 0 : i32
      %dma_wait3A_618 = arith.constant 0 : i32
      %dma_wait3A_619 = tpu.memref_slice %arg24[%dma_wait3A_617, %dma_wait3A_618] : memref<10240x16xf32, #tpu.memory_space<vmem_shared>> -> memref<10240x16xf32, #tpu.memory_space<vmem_shared>>
      tpu.wait_indirect_dma semaphore(%arg26 : memref<!tpu.dma_semaphore, #tpu.memory_space<semaphore_mem>>) src(%arg22 : memref<128x16xf32, #tpu.memory_space<vmem>>) dst(%dma_wait3A_619 : memref<10240x16xf32, #tpu.memory_space<vmem_shared>>)
      %dma_start3A_620 = arith.constant 0 : i32
      %dma_start3A_621 = tpu.memref_slice %arg8[%add3A_599, %dma_start3A_620] : memref<144x128xi32, #tpu.memory_space<vmem>> -> memref<1x128xi32, #tpu.memory_space<vmem>>
      %dma_start3A_622 = tpu.memref_squeeze %dma_start3A_621 : memref<1x128xi32, #tpu.memory_space<vmem>> -> memref<128xi32, #tpu.memory_space<vmem>>
      %dma_start3A_623 = arith.constant 0 : i32
      %dma_start3A_624 = arith.constant 0 : i32
      %dma_start3A_625 = tpu.memref_slice %arg24[%dma_start3A_623, %dma_start3A_624] : memref<10240x16xf32, #tpu.memory_space<vmem_shared>> -> memref<10240x16xf32, #tpu.memory_space<vmem_shared>>
      tpu.enqueue_indirect_dma source(%arg22 : memref<128x16xf32, #tpu.memory_space<vmem>>) target(%dma_start3A_625 : memref<10240x16xf32, #tpu.memory_space<vmem_shared>>) offsets(%dma_start3A_622 : memref<128xi32, #tpu.memory_space<vmem>>) semaphore(%arg26 : memref<!tpu.dma_semaphore, #tpu.memory_space<semaphore_mem>>) {add = true}
      %sub3A_626 = arith.constant 2 : i32
      %sub3A_627 = arith.subi %add3A_599, %sub3A_626 : i32
      %dma_wait3A_628 = arith.constant 0 : i32
      %dma_wait3A_629 = tpu.memref_slice %arg8[%sub3A_627, %dma_wait3A_628] : memref<144x128xi32, #tpu.memory_space<vmem>> -> memref<1x128xi32, #tpu.memory_space<vmem>>
      %dma_wait3A_630 = tpu.memref_squeeze %dma_wait3A_629 : memref<1x128xi32, #tpu.memory_space<vmem>> -> memref<128xi32, #tpu.memory_space<vmem>>
      %dma_wait3A_631 = arith.constant 0 : i32
      %dma_wait3A_632 = arith.constant 0 : i32
      %dma_wait3A_633 = tpu.memref_slice %arg13[%dma_wait3A_631, %dma_wait3A_632] : memref<10240x64xf32, #tpu.memory_space<vmem_shared>> -> memref<10240x64xf32, #tpu.memory_space<vmem_shared>>
      tpu.wait_indirect_dma semaphore(%arg19 : memref<!tpu.dma_semaphore, #tpu.memory_space<semaphore_mem>>) src(%arg10 : memref<128x64xf32, #tpu.memory_space<vmem>>) dst(%dma_wait3A_633 : memref<10240x64xf32, #tpu.memory_space<vmem_shared>>)
      %add3A_634 = arith.constant 2 : i32
      %add3A_635 = arith.addi %add3A_599, %add3A_634 : i32
      %dma_start3A_636 = arith.constant 0 : i32
      %dma_start3A_637 = tpu.memref_slice %arg7[%add3A_635, %dma_start3A_636] : memref<144x128xi32, #tpu.memory_space<vmem>> -> memref<1x128xi32, #tpu.memory_space<vmem>>
      %dma_start3A_638 = tpu.memref_squeeze %dma_start3A_637 : memref<1x128xi32, #tpu.memory_space<vmem>> -> memref<128xi32, #tpu.memory_space<vmem>>
      %dma_start3A_639 = arith.constant 0 : i32
      %dma_start3A_640 = arith.constant 0 : i32
      %dma_start3A_641 = tpu.memref_slice %arg2[%dma_start3A_639, %dma_start3A_640] : memref<10000x64xf32, #tpu.memory_space<hbm>> -> memref<10000x64xf32, #tpu.memory_space<hbm>>
      tpu.enqueue_indirect_dma source(%dma_start3A_641 : memref<10000x64xf32, #tpu.memory_space<hbm>>) target(%arg10 : memref<128x64xf32, #tpu.memory_space<vmem>>) offsets(%dma_start3A_638 : memref<128xi32, #tpu.memory_space<vmem>>) semaphore(%arg15 : memref<!tpu.dma_semaphore, #tpu.memory_space<semaphore_mem>>)
    }
    %while3A_227 = arith.constant 1 : i32
    scf.for %while3A_463 = %while3A_225 to %while3A_221 step %while3A_227  : i32 {
      %mul3A_464 = arith.constant 4 : i32
      %mul3A_465 = arith.muli %while3A_463, %mul3A_464 : i32
      %add3A_466 = arith.constant 0 : i32
      %add3A_467 = arith.addi %mul3A_465, %add3A_466 : i32
      %dma_wait3A_468 = arith.constant 0 : i32
      %dma_wait3A_469 = tpu.memref_slice %arg7[%add3A_467, %dma_wait3A_468] : memref<144x128xi32, #tpu.memory_space<vmem>> -> memref<1x128xi32, #tpu.memory_space<vmem>>
      %dma_wait3A_470 = tpu.memref_squeeze %dma_wait3A_469 : memref<1x128xi32, #tpu.memory_space<vmem>> -> memref<128xi32, #tpu.memory_space<vmem>>
      %dma_wait3A_471 = arith.constant 0 : i32
      %dma_wait3A_472 = arith.constant 0 : i32
      %dma_wait3A_473 = tpu.memref_slice %arg2[%dma_wait3A_471, %dma_wait3A_472] : memref<10000x64xf32, #tpu.memory_space<hbm>> -> memref<10000x64xf32, #tpu.memory_space<hbm>>
      tpu.wait_indirect_dma semaphore(%arg14 : memref<!tpu.dma_semaphore, #tpu.memory_space<semaphore_mem>>) src(%dma_wait3A_473 : memref<10000x64xf32, #tpu.memory_space<hbm>>) dst(%arg9 : memref<128x64xf32, #tpu.memory_space<vmem>>)
      %dma_start3A_474 = arith.constant 0 : i32
      %dma_start3A_475 = tpu.memref_slice %arg8[%add3A_467, %dma_start3A_474] : memref<144x128xi32, #tpu.memory_space<vmem>> -> memref<1x128xi32, #tpu.memory_space<vmem>>
      %dma_start3A_476 = tpu.memref_squeeze %dma_start3A_475 : memref<1x128xi32, #tpu.memory_space<vmem>> -> memref<128xi32, #tpu.memory_space<vmem>>
      %dma_start3A_477 = arith.constant 0 : i32
      %dma_start3A_478 = arith.constant 0 : i32
      %dma_start3A_479 = tpu.memref_slice %arg13[%dma_start3A_477, %dma_start3A_478] : memref<10240x64xf32, #tpu.memory_space<vmem_shared>> -> memref<10240x64xf32, #tpu.memory_space<vmem_shared>>
      tpu.enqueue_indirect_dma source(%arg9 : memref<128x64xf32, #tpu.memory_space<vmem>>) target(%dma_start3A_479 : memref<10240x64xf32, #tpu.memory_space<vmem_shared>>) offsets(%dma_start3A_476 : memref<128xi32, #tpu.memory_space<vmem>>) semaphore(%arg18 : memref<!tpu.dma_semaphore, #tpu.memory_space<semaphore_mem>>) {add = true}
      %sub3A_480 = arith.constant 2 : i32
      %sub3A_481 = arith.subi %add3A_467, %sub3A_480 : i32
      %dma_wait3A_482 = arith.constant 0 : i32
      %dma_wait3A_483 = tpu.memref_slice %arg8[%sub3A_481, %dma_wait3A_482] : memref<144x128xi32, #tpu.memory_space<vmem>> -> memref<1x128xi32, #tpu.memory_space<vmem>>
      %dma_wait3A_484 = tpu.memref_squeeze %dma_wait3A_483 : memref<1x128xi32, #tpu.memory_space<vmem>> -> memref<128xi32, #tpu.memory_space<vmem>>
      %dma_wait3A_485 = arith.constant 0 : i32
      %dma_wait3A_486 = arith.constant 0 : i32
      %dma_wait3A_487 = tpu.memref_slice %arg24[%dma_wait3A_485, %dma_wait3A_486] : memref<10240x16xf32, #tpu.memory_space<vmem_shared>> -> memref<10240x16xf32, #tpu.memory_space<vmem_shared>>
      tpu.wait_indirect_dma semaphore(%arg25 : memref<!tpu.dma_semaphore, #tpu.memory_space<semaphore_mem>>) src(%arg22 : memref<128x16xf32, #tpu.memory_space<vmem>>) dst(%dma_wait3A_487 : memref<10240x16xf32, #tpu.memory_space<vmem_shared>>)
      %dma_start3A_488 = arith.constant 0 : i32
      %dma_start3A_489 = tpu.memref_slice %arg8[%add3A_467, %dma_start3A_488] : memref<144x128xi32, #tpu.memory_space<vmem>> -> memref<1x128xi32, #tpu.memory_space<vmem>>
      %dma_start3A_490 = tpu.memref_squeeze %dma_start3A_489 : memref<1x128xi32, #tpu.memory_space<vmem>> -> memref<128xi32, #tpu.memory_space<vmem>>
      %dma_start3A_491 = arith.constant 0 : i32
      %dma_start3A_492 = arith.constant 0 : i32
      %dma_start3A_493 = tpu.memref_slice %arg24[%dma_start3A_491, %dma_start3A_492] : memref<10240x16xf32, #tpu.memory_space<vmem_shared>> -> memref<10240x16xf32, #tpu.memory_space<vmem_shared>>
      tpu.enqueue_indirect_dma source(%arg22 : memref<128x16xf32, #tpu.memory_space<vmem>>) target(%dma_start3A_493 : memref<10240x16xf32, #tpu.memory_space<vmem_shared>>) offsets(%dma_start3A_490 : memref<128xi32, #tpu.memory_space<vmem>>) semaphore(%arg25 : memref<!tpu.dma_semaphore, #tpu.memory_space<semaphore_mem>>) {add = true}
      %sub3A_494 = arith.constant 2 : i32
      %sub3A_495 = arith.subi %add3A_467, %sub3A_494 : i32
      %dma_wait3A_496 = arith.constant 0 : i32
      %dma_wait3A_497 = tpu.memref_slice %arg8[%sub3A_495, %dma_wait3A_496] : memref<144x128xi32, #tpu.memory_space<vmem>> -> memref<1x128xi32, #tpu.memory_space<vmem>>
      %dma_wait3A_498 = tpu.memref_squeeze %dma_wait3A_497 : memref<1x128xi32, #tpu.memory_space<vmem>> -> memref<128xi32, #tpu.memory_space<vmem>>
      %dma_wait3A_499 = arith.constant 0 : i32
      %dma_wait3A_500 = arith.constant 0 : i32
      %dma_wait3A_501 = tpu.memref_slice %arg13[%dma_wait3A_499, %dma_wait3A_500] : memref<10240x64xf32, #tpu.memory_space<vmem_shared>> -> memref<10240x64xf32, #tpu.memory_space<vmem_shared>>
      tpu.wait_indirect_dma semaphore(%arg20 : memref<!tpu.dma_semaphore, #tpu.memory_space<semaphore_mem>>) src(%arg11 : memref<128x64xf32, #tpu.memory_space<vmem>>) dst(%dma_wait3A_501 : memref<10240x64xf32, #tpu.memory_space<vmem_shared>>)
      %add3A_502 = arith.constant 2 : i32
      %add3A_503 = arith.addi %add3A_467, %add3A_502 : i32
      %dma_start3A_504 = arith.constant 0 : i32
      %dma_start3A_505 = tpu.memref_slice %arg7[%add3A_503, %dma_start3A_504] : memref<144x128xi32, #tpu.memory_space<vmem>> -> memref<1x128xi32, #tpu.memory_space<vmem>>
      %dma_start3A_506 = tpu.memref_squeeze %dma_start3A_505 : memref<1x128xi32, #tpu.memory_space<vmem>> -> memref<128xi32, #tpu.memory_space<vmem>>
      %dma_start3A_507 = arith.constant 0 : i32
      %dma_start3A_508 = arith.constant 0 : i32
      %dma_start3A_509 = tpu.memref_slice %arg2[%dma_start3A_507, %dma_start3A_508] : memref<10000x64xf32, #tpu.memory_space<hbm>> -> memref<10000x64xf32, #tpu.memory_space<hbm>>
      tpu.enqueue_indirect_dma source(%dma_start3A_509 : memref<10000x64xf32, #tpu.memory_space<hbm>>) target(%arg11 : memref<128x64xf32, #tpu.memory_space<vmem>>) offsets(%dma_start3A_506 : memref<128xi32, #tpu.memory_space<vmem>>) semaphore(%arg16 : memref<!tpu.dma_semaphore, #tpu.memory_space<semaphore_mem>>)
      %add3A_510 = arith.constant 1 : i32
      %add3A_511 = arith.addi %mul3A_465, %add3A_510 : i32
      %dma_wait3A_512 = arith.constant 0 : i32
      %dma_wait3A_513 = tpu.memref_slice %arg7[%add3A_511, %dma_wait3A_512] : memref<144x128xi32, #tpu.memory_space<vmem>> -> memref<1x128xi32, #tpu.memory_space<vmem>>
      %dma_wait3A_514 = tpu.memref_squeeze %dma_wait3A_513 : memref<1x128xi32, #tpu.memory_space<vmem>> -> memref<128xi32, #tpu.memory_space<vmem>>
      %dma_wait3A_515 = arith.constant 0 : i32
      %dma_wait3A_516 = arith.constant 0 : i32
      %dma_wait3A_517 = tpu.memref_slice %arg2[%dma_wait3A_515, %dma_wait3A_516] : memref<10000x64xf32, #tpu.memory_space<hbm>> -> memref<10000x64xf32, #tpu.memory_space<hbm>>
      tpu.wait_indirect_dma semaphore(%arg15 : memref<!tpu.dma_semaphore, #tpu.memory_space<semaphore_mem>>) src(%dma_wait3A_517 : memref<10000x64xf32, #tpu.memory_space<hbm>>) dst(%arg10 : memref<128x64xf32, #tpu.memory_space<vmem>>)
      %dma_start3A_518 = arith.constant 0 : i32
      %dma_start3A_519 = tpu.memref_slice %arg8[%add3A_511, %dma_start3A_518] : memref<144x128xi32, #tpu.memory_space<vmem>> -> memref<1x128xi32, #tpu.memory_space<vmem>>
      %dma_start3A_520 = tpu.memref_squeeze %dma_start3A_519 : memref<1x128xi32, #tpu.memory_space<vmem>> -> memref<128xi32, #tpu.memory_space<vmem>>
      %dma_start3A_521 = arith.constant 0 : i32
      %dma_start3A_522 = arith.constant 0 : i32
      %dma_start3A_523 = tpu.memref_slice %arg13[%dma_start3A_521, %dma_start3A_522] : memref<10240x64xf32, #tpu.memory_space<vmem_shared>> -> memref<10240x64xf32, #tpu.memory_space<vmem_shared>>
      tpu.enqueue_indirect_dma source(%arg10 : memref<128x64xf32, #tpu.memory_space<vmem>>) target(%dma_start3A_523 : memref<10240x64xf32, #tpu.memory_space<vmem_shared>>) offsets(%dma_start3A_520 : memref<128xi32, #tpu.memory_space<vmem>>) semaphore(%arg19 : memref<!tpu.dma_semaphore, #tpu.memory_space<semaphore_mem>>) {add = true}
      %sub3A_524 = arith.constant 2 : i32
      %sub3A_525 = arith.subi %add3A_511, %sub3A_524 : i32
      %dma_wait3A_526 = arith.constant 0 : i32
      %dma_wait3A_527 = tpu.memref_slice %arg8[%sub3A_525, %dma_wait3A_526] : memref<144x128xi32, #tpu.memory_space<vmem>> -> memref<1x128xi32, #tpu.memory_space<vmem>>
      %dma_wait3A_528 = tpu.memref_squeeze %dma_wait3A_527 : memref<1x128xi32, #tpu.memory_space<vmem>> -> memref<128xi32, #tpu.memory_space<vmem>>
      %dma_wait3A_529 = arith.constant 0 : i32
      %dma_wait3A_530 = arith.constant 0 : i32
      %dma_wait3A_531 = tpu.memref_slice %arg24[%dma_wait3A_529, %dma_wait3A_530] : memref<10240x16xf32, #tpu.memory_space<vmem_shared>> -> memref<10240x16xf32, #tpu.memory_space<vmem_shared>>
      tpu.wait_indirect_dma semaphore(%arg26 : memref<!tpu.dma_semaphore, #tpu.memory_space<semaphore_mem>>) src(%arg22 : memref<128x16xf32, #tpu.memory_space<vmem>>) dst(%dma_wait3A_531 : memref<10240x16xf32, #tpu.memory_space<vmem_shared>>)
      %dma_start3A_532 = arith.constant 0 : i32
      %dma_start3A_533 = tpu.memref_slice %arg8[%add3A_511, %dma_start3A_532] : memref<144x128xi32, #tpu.memory_space<vmem>> -> memref<1x128xi32, #tpu.memory_space<vmem>>
      %dma_start3A_534 = tpu.memref_squeeze %dma_start3A_533 : memref<1x128xi32, #tpu.memory_space<vmem>> -> memref<128xi32, #tpu.memory_space<vmem>>
      %dma_start3A_535 = arith.constant 0 : i32
      %dma_start3A_536 = arith.constant 0 : i32
      %dma_start3A_537 = tpu.memref_slice %arg24[%dma_start3A_535, %dma_start3A_536] : memref<10240x16xf32, #tpu.memory_space<vmem_shared>> -> memref<10240x16xf32, #tpu.memory_space<vmem_shared>>
      tpu.enqueue_indirect_dma source(%arg22 : memref<128x16xf32, #tpu.memory_space<vmem>>) target(%dma_start3A_537 : memref<10240x16xf32, #tpu.memory_space<vmem_shared>>) offsets(%dma_start3A_534 : memref<128xi32, #tpu.memory_space<vmem>>) semaphore(%arg26 : memref<!tpu.dma_semaphore, #tpu.memory_space<semaphore_mem>>) {add = true}
      %sub3A_538 = arith.constant 2 : i32
      %sub3A_539 = arith.subi %add3A_511, %sub3A_538 : i32
      %dma_wait3A_540 = arith.constant 0 : i32
      %dma_wait3A_541 = tpu.memref_slice %arg8[%sub3A_539, %dma_wait3A_540] : memref<144x128xi32, #tpu.memory_space<vmem>> -> memref<1x128xi32, #tpu.memory_space<vmem>>
      %dma_wait3A_542 = tpu.memref_squeeze %dma_wait3A_541 : memref<1x128xi32, #tpu.memory_space<vmem>> -> memref<128xi32, #tpu.memory_space<vmem>>
      %dma_wait3A_543 = arith.constant 0 : i32
      %dma_wait3A_544 = arith.constant 0 : i32
      %dma_wait3A_545 = tpu.memref_slice %arg13[%dma_wait3A_543, %dma_wait3A_544] : memref<10240x64xf32, #tpu.memory_space<vmem_shared>> -> memref<10240x64xf32, #tpu.memory_space<vmem_shared>>
      tpu.wait_indirect_dma semaphore(%arg21 : memref<!tpu.dma_semaphore, #tpu.memory_space<semaphore_mem>>) src(%arg12 : memref<128x64xf32, #tpu.memory_space<vmem>>) dst(%dma_wait3A_545 : memref<10240x64xf32, #tpu.memory_space<vmem_shared>>)
      %add3A_546 = arith.constant 2 : i32
      %add3A_547 = arith.addi %add3A_511, %add3A_546 : i32
      %dma_start3A_548 = arith.constant 0 : i32
      %dma_start3A_549 = tpu.memref_slice %arg7[%add3A_547, %dma_start3A_548] : memref<144x128xi32, #tpu.memory_space<vmem>> -> memref<1x128xi32, #tpu.memory_space<vmem>>
      %dma_start3A_550 = tpu.memref_squeeze %dma_start3A_549 : memref<1x128xi32, #tpu.memory_space<vmem>> -> memref<128xi32, #tpu.memory_space<vmem>>
      %dma_start3A_551 = arith.constant 0 : i32
      %dma_start3A_552 = arith.constant 0 : i32
      %dma_start3A_553 = tpu.memref_slice %arg2[%dma_start3A_551, %dma_start3A_552] : memref<10000x64xf32, #tpu.memory_space<hbm>> -> memref<10000x64xf32, #tpu.memory_space<hbm>>
      tpu.enqueue_indirect_dma source(%dma_start3A_553 : memref<10000x64xf32, #tpu.memory_space<hbm>>) target(%arg12 : memref<128x64xf32, #tpu.memory_space<vmem>>) offsets(%dma_start3A_550 : memref<128xi32, #tpu.memory_space<vmem>>) semaphore(%arg17 : memref<!tpu.dma_semaphore, #tpu.memory_space<semaphore_mem>>)
      %add3A_554 = arith.constant 2 : i32
      %add3A_555 = arith.addi %mul3A_465, %add3A_554 : i32
      %dma_wait3A_556 = arith.constant 0 : i32
      %dma_wait3A_557 = tpu.memref_slice %arg7[%add3A_555, %dma_wait3A_556] : memref<144x128xi32, #tpu.memory_space<vmem>> -> memref<1x128xi32, #tpu.memory_space<vmem>>
      %dma_wait3A_558 = tpu.memref_squeeze %dma_wait3A_557 : memref<1x128xi32, #tpu.memory_space<vmem>> -> memref<128xi32, #tpu.memory_space<vmem>>
      %dma_wait3A_559 = arith.constant 0 : i32
      %dma_wait3A_560 = arith.constant 0 : i32
      %dma_wait3A_561 = tpu.memref_slice %arg2[%dma_wait3A_559, %dma_wait3A_560] : memref<10000x64xf32, #tpu.memory_space<hbm>> -> memref<10000x64xf32, #tpu.memory_space<hbm>>
      tpu.wait_indirect_dma semaphore(%arg16 : memref<!tpu.dma_semaphore, #tpu.memory_space<semaphore_mem>>) src(%dma_wait3A_561 : memref<10000x64xf32, #tpu.memory_space<hbm>>) dst(%arg11 : memref<128x64xf32, #tpu.memory_space<vmem>>)
      %dma_start3A_562 = arith.constant 0 : i32
      %dma_start3A_563 = tpu.memref_slice %arg8[%add3A_555, %dma_start3A_562] : memref<144x128xi32, #tpu.memory_space<vmem>> -> memref<1x128xi32, #tpu.memory_space<vmem>>
      %dma_start3A_564 = tpu.memref_squeeze %dma_start3A_563 : memref<1x128xi32, #tpu.memory_space<vmem>> -> memref<128xi32, #tpu.memory_space<vmem>>
      %dma_start3A_565 = arith.constant 0 : i32
      %dma_start3A_566 = arith.constant 0 : i32
      %dma_start3A_567 = tpu.memref_slice %arg13[%dma_start3A_565, %dma_start3A_566] : memref<10240x64xf32, #tpu.memory_space<vmem_shared>> -> memref<10240x64xf32, #tpu.memory_space<vmem_shared>>
      tpu.enqueue_indirect_dma source(%arg11 : memref<128x64xf32, #tpu.memory_space<vmem>>) target(%dma_start3A_567 : memref<10240x64xf32, #tpu.memory_space<vmem_shared>>) offsets(%dma_start3A_564 : memref<128xi32, #tpu.memory_space<vmem>>) semaphore(%arg20 : memref<!tpu.dma_semaphore, #tpu.memory_space<semaphore_mem>>) {add = true}
      %sub3A_568 = arith.constant 2 : i32
      %sub3A_569 = arith.subi %add3A_555, %sub3A_568 : i32
      %dma_wait3A_570 = arith.constant 0 : i32
      %dma_wait3A_571 = tpu.memref_slice %arg8[%sub3A_569, %dma_wait3A_570] : memref<144x128xi32, #tpu.memory_space<vmem>> -> memref<1x128xi32, #tpu.memory_space<vmem>>
      %dma_wait3A_572 = tpu.memref_squeeze %dma_wait3A_571 : memref<1x128xi32, #tpu.memory_space<vmem>> -> memref<128xi32, #tpu.memory_space<vmem>>
      %dma_wait3A_573 = arith.constant 0 : i32
      %dma_wait3A_574 = arith.constant 0 : i32
      %dma_wait3A_575 = tpu.memref_slice %arg24[%dma_wait3A_573, %dma_wait3A_574] : memref<10240x16xf32, #tpu.memory_space<vmem_shared>> -> memref<10240x16xf32, #tpu.memory_space<vmem_shared>>
      tpu.wait_indirect_dma semaphore(%arg25 : memref<!tpu.dma_semaphore, #tpu.memory_space<semaphore_mem>>) src(%arg22 : memref<128x16xf32, #tpu.memory_space<vmem>>) dst(%dma_wait3A_575 : memref<10240x16xf32, #tpu.memory_space<vmem_shared>>)
      %dma_start3A_576 = arith.constant 0 : i32
      %dma_start3A_577 = tpu.memref_slice %arg8[%add3A_555, %dma_start3A_576] : memref<144x128xi32, #tpu.memory_space<vmem>> -> memref<1x128xi32, #tpu.memory_space<vmem>>
      %dma_start3A_578 = tpu.memref_squeeze %dma_start3A_577 : memref<1x128xi32, #tpu.memory_space<vmem>> -> memref<128xi32, #tpu.memory_space<vmem>>
      %dma_start3A_579 = arith.constant 0 : i32
      %dma_start3A_580 = arith.constant 0 : i32
      %dma_start3A_581 = tpu.memref_slice %arg24[%dma_start3A_579, %dma_start3A_580] : memref<10240x16xf32, #tpu.memory_space<vmem_shared>> -> memref<10240x16xf32, #tpu.memory_space<vmem_shared>>
      tpu.enqueue_indirect_dma source(%arg22 : memref<128x16xf32, #tpu.memory_space<vmem>>) target(%dma_start3A_581 : memref<10240x16xf32, #tpu.memory_space<vmem_shared>>) offsets(%dma_start3A_578 : memref<128xi32, #tpu.memory_space<vmem>>) semaphore(%arg25 : memref<!tpu.dma_semaphore, #tpu.memory_space<semaphore_mem>>) {add = true}
      %sub3A_582 = arith.constant 2 : i32
      %sub3A_583 = arith.subi %add3A_555, %sub3A_582 : i32
      %dma_wait3A_584 = arith.constant 0 : i32
      %dma_wait3A_585 = tpu.memref_slice %arg8[%sub3A_583, %dma_wait3A_584] : memref<144x128xi32, #tpu.memory_space<vmem>> -> memref<1x128xi32, #tpu.memory_space<vmem>>
      %dma_wait3A_586 = tpu.memref_squeeze %dma_wait3A_585 : memref<1x128xi32, #tpu.memory_space<vmem>> -> memref<128xi32, #tpu.memory_space<vmem>>
      %dma_wait3A_587 = arith.constant 0 : i32
      %dma_wait3A_588 = arith.constant 0 : i32
      %dma_wait3A_589 = tpu.memref_slice %arg13[%dma_wait3A_587, %dma_wait3A_588] : memref<10240x64xf32, #tpu.memory_space<vmem_shared>> -> memref<10240x64xf32, #tpu.memory_space<vmem_shared>>
      tpu.wait_indirect_dma semaphore(%arg18 : memref<!tpu.dma_semaphore, #tpu.memory_space<semaphore_mem>>) src(%arg9 : memref<128x64xf32, #tpu.memory_space<vmem>>) dst(%dma_wait3A_589 : memref<10240x64xf32, #tpu.memory_space<vmem_shared>>)
      %add3A_590 = arith.constant 2 : i32
      %add3A_591 = arith.addi %add3A_555, %add3A_590 : i32
      %dma_start3A_592 = arith.constant 0 : i32
      %dma_start3A_593 = tpu.memref_slice %arg7[%add3A_591, %dma_start3A_592] : memref<144x128xi32, #tpu.memory_space<vmem>> -> memref<1x128xi32, #tpu.memory_space<vmem>>
      %dma_start3A_594 = tpu.memref_squeeze %dma_start3A_593 : memref<1x128xi32, #tpu.memory_space<vmem>> -> memref<128xi32, #tpu.memory_space<vmem>>
      %dma_start3A_595 = arith.constant 0 : i32
      %dma_start3A_596 = arith.constant 0 : i32
      %dma_start3A_597 = tpu.memref_slice %arg2[%dma_start3A_595, %dma_start3A_596] : memref<10000x64xf32, #tpu.memory_space<hbm>> -> memref<10000x64xf32, #tpu.memory_space<hbm>>
      tpu.enqueue_indirect_dma source(%dma_start3A_597 : memref<10000x64xf32, #tpu.memory_space<hbm>>) target(%arg9 : memref<128x64xf32, #tpu.memory_space<vmem>>) offsets(%dma_start3A_594 : memref<128xi32, #tpu.memory_space<vmem>>) semaphore(%arg14 : memref<!tpu.dma_semaphore, #tpu.memory_space<semaphore_mem>>)
      %add3A_598 = arith.constant 3 : i32
      %add3A_599 = arith.addi %mul3A_465, %add3A_598 : i32
      %dma_wait3A_600 = arith.constant 0 : i32
      %dma_wait3A_601 = tpu.memref_slice %arg7[%add3A_599, %dma_wait3A_600] : memref<144x128xi32, #tpu.memory_space<vmem>> -> memref<1x128xi32, #tpu.memory_space<vmem>>
      %dma_wait3A_602 = tpu.memref_squeeze %dma_wait3A_601 : memref<1x128xi32, #tpu.memory_space<vmem>> -> memref<128xi32, #tpu.memory_space<vmem>>
      %dma_wait3A_603 = arith.constant 0 : i32
      %dma_wait3A_604 = arith.constant 0 : i32
      %dma_wait3A_605 = tpu.memref_slice %arg2[%dma_wait3A_603, %dma_wait3A_604] : memref<10000x64xf32, #tpu.memory_space<hbm>> -> memref<10000x64xf32, #tpu.memory_space<hbm>>
      tpu.wait_indirect_dma semaphore(%arg17 : memref<!tpu.dma_semaphore, #tpu.memory_space<semaphore_mem>>) src(%dma_wait3A_605 : memref<10000x64xf32, #tpu.memory_space<hbm>>) dst(%arg12 : memref<128x64xf32, #tpu.memory_space<vmem>>)
      %dma_start3A_606 = arith.constant 0 : i32
      %dma_start3A_607 = tpu.memref_slice %arg8[%add3A_599, %dma_start3A_606] : memref<144x128xi32, #tpu.memory_space<vmem>> -> memref<1x128xi32, #tpu.memory_space<vmem>>
      %dma_start3A_608 = tpu.memref_squeeze %dma_start3A_607 : memref<1x128xi32, #tpu.memory_space<vmem>> -> memref<128xi32, #tpu.memory_space<vmem>>
      %dma_start3A_609 = arith.constant 0 : i32
      %dma_start3A_610 = arith.constant 0 : i32
      %dma_start3A_611 = tpu.memref_slice %arg13[%dma_start3A_609, %dma_start3A_610] : memref<10240x64xf32, #tpu.memory_space<vmem_shared>> -> memref<10240x64xf32, #tpu.memory_space<vmem_shared>>
      tpu.enqueue_indirect_dma source(%arg12 : memref<128x64xf32, #tpu.memory_space<vmem>>) target(%dma_start3A_611 : memref<10240x64xf32, #tpu.memory_space<vmem_shared>>) offsets(%dma_start3A_608 : memref<128xi32, #tpu.memory_space<vmem>>) semaphore(%arg21 : memref<!tpu.dma_semaphore, #tpu.memory_space<semaphore_mem>>) {add = true}
      %sub3A_612 = arith.constant 2 : i32
      %sub3A_613 = arith.subi %add3A_599, %sub3A_612 : i32
      %dma_wait3A_614 = arith.constant 0 : i32
      %dma_wait3A_615 = tpu.memref_slice %arg8[%sub3A_613, %dma_wait3A_614] : memref<144x128xi32, #tpu.memory_space<vmem>> -> memref<1x128xi32, #tpu.memory_space<vmem>>
      %dma_wait3A_616 = tpu.memref_squeeze %dma_wait3A_615 : memref<1x128xi32, #tpu.memory_space<vmem>> -> memref<128xi32, #tpu.memory_space<vmem>>
      %dma_wait3A_617 = arith.constant 0 : i32
      %dma_wait3A_618 = arith.constant 0 : i32
      %dma_wait3A_619 = tpu.memref_slice %arg24[%dma_wait3A_617, %dma_wait3A_618] : memref<10240x16xf32, #tpu.memory_space<vmem_shared>> -> memref<10240x16xf32, #tpu.memory_space<vmem_shared>>
      tpu.wait_indirect_dma semaphore(%arg26 : memref<!tpu.dma_semaphore, #tpu.memory_space<semaphore_mem>>) src(%arg22 : memref<128x16xf32, #tpu.memory_space<vmem>>) dst(%dma_wait3A_619 : memref<10240x16xf32, #tpu.memory_space<vmem_shared>>)
      %dma_start3A_620 = arith.constant 0 : i32
      %dma_start3A_621 = tpu.memref_slice %arg8[%add3A_599, %dma_start3A_620] : memref<144x128xi32, #tpu.memory_space<vmem>> -> memref<1x128xi32, #tpu.memory_space<vmem>>
      %dma_start3A_622 = tpu.memref_squeeze %dma_start3A_621 : memref<1x128xi32, #tpu.memory_space<vmem>> -> memref<128xi32, #tpu.memory_space<vmem>>
      %dma_start3A_623 = arith.constant 0 : i32
      %dma_start3A_624 = arith.constant 0 : i32
      %dma_start3A_625 = tpu.memref_slice %arg24[%dma_start3A_623, %dma_start3A_624] : memref<10240x16xf32, #tpu.memory_space<vmem_shared>> -> memref<10240x16xf32, #tpu.memory_space<vmem_shared>>
      tpu.enqueue_indirect_dma source(%arg22 : memref<128x16xf32, #tpu.memory_space<vmem>>) target(%dma_start3A_625 : memref<10240x16xf32, #tpu.memory_space<vmem_shared>>) offsets(%dma_start3A_622 : memref<128xi32, #tpu.memory_space<vmem>>) semaphore(%arg26 : memref<!tpu.dma_semaphore, #tpu.memory_space<semaphore_mem>>) {add = true}
      %sub3A_626 = arith.constant 2 : i32
      %sub3A_627 = arith.subi %add3A_599, %sub3A_626 : i32
      %dma_wait3A_628 = arith.constant 0 : i32
      %dma_wait3A_629 = tpu.memref_slice %arg8[%sub3A_627, %dma_wait3A_628] : memref<144x128xi32, #tpu.memory_space<vmem>> -> memref<1x128xi32, #tpu.memory_space<vmem>>
      %dma_wait3A_630 = tpu.memref_squeeze %dma_wait3A_629 : memref<1x128xi32, #tpu.memory_space<vmem>> -> memref<128xi32, #tpu.memory_space<vmem>>
      %dma_wait3A_631 = arith.constant 0 : i32
      %dma_wait3A_632 = arith.constant 0 : i32
      %dma_wait3A_633 = tpu.memref_slice %arg13[%dma_wait3A_631, %dma_wait3A_632] : memref<10240x64xf32, #tpu.memory_space<vmem_shared>> -> memref<10240x64xf32, #tpu.memory_space<vmem_shared>>
      tpu.wait_indirect_dma semaphore(%arg19 : memref<!tpu.dma_semaphore, #tpu.memory_space<semaphore_mem>>) src(%arg10 : memref<128x64xf32, #tpu.memory_space<vmem>>) dst(%dma_wait3A_633 : memref<10240x64xf32, #tpu.memory_space<vmem_shared>>)
      %add3A_634 = arith.constant 2 : i32
      %add3A_635 = arith.addi %add3A_599, %add3A_634 : i32
      %dma_start3A_636 = arith.constant 0 : i32
      %dma_start3A_637 = tpu.memref_slice %arg7[%add3A_635, %dma_start3A_636] : memref<144x128xi32, #tpu.memory_space<vmem>> -> memref<1x128xi32, #tpu.memory_space<vmem>>
      %dma_start3A_638 = tpu.memref_squeeze %dma_start3A_637 : memref<1x128xi32, #tpu.memory_space<vmem>> -> memref<128xi32, #tpu.memory_space<vmem>>
      %dma_start3A_639 = arith.constant 0 : i32
      %dma_start3A_640 = arith.constant 0 : i32
      %dma_start3A_641 = tpu.memref_slice %arg2[%dma_start3A_639, %dma_start3A_640] : memref<10000x64xf32, #tpu.memory_space<hbm>> -> memref<10000x64xf32, #tpu.memory_space<hbm>>
      tpu.enqueue_indirect_dma source(%dma_start3A_641 : memref<10000x64xf32, #tpu.memory_space<hbm>>) target(%arg10 : memref<128x64xf32, #tpu.memory_space<vmem>>) offsets(%dma_start3A_638 : memref<128xi32, #tpu.memory_space<vmem>>) semaphore(%arg15 : memref<!tpu.dma_semaphore, #tpu.memory_space<semaphore_mem>>)
    }
    %sub3A_228 = arith.constant 1 : i32
    %sub3A_229 = arith.subi %select_n3A, %sub3A_228 : i32
    %mul3A_230 = arith.constant 4 : i32
    %mul3A_231 = arith.muli %sub3A_229, %mul3A_230 : i32
    %add3A_232 = arith.constant 0 : i32
    %add3A_233 = arith.addi %mul3A_231, %add3A_232 : i32
    %dma_wait3A_234 = arith.constant 0 : i32
    %dma_wait3A_235 = tpu.memref_slice %arg7[%add3A_233, %dma_wait3A_234] : memref<144x128xi32, #tpu.memory_space<vmem>> -> memref<1x128xi32, #tpu.memory_space<vmem>>
    %dma_wait3A_236 = tpu.memref_squeeze %dma_wait3A_235 : memref<1x128xi32, #tpu.memory_space<vmem>> -> memref<128xi32, #tpu.memory_space<vmem>>
    %dma_wait3A_237 = arith.constant 0 : i32
    %dma_wait3A_238 = arith.constant 0 : i32
    %dma_wait3A_239 = tpu.memref_slice %arg2[%dma_wait3A_237, %dma_wait3A_238] : memref<10000x64xf32, #tpu.memory_space<hbm>> -> memref<10000x64xf32, #tpu.memory_space<hbm>>
    tpu.wait_indirect_dma semaphore(%arg14 : memref<!tpu.dma_semaphore, #tpu.memory_space<semaphore_mem>>) src(%dma_wait3A_239 : memref<10000x64xf32, #tpu.memory_space<hbm>>) dst(%arg9 : memref<128x64xf32, #tpu.memory_space<vmem>>)
    %dma_start3A_240 = arith.constant 0 : i32
    %dma_start3A_241 = tpu.memref_slice %arg8[%add3A_233, %dma_start3A_240] : memref<144x128xi32, #tpu.memory_space<vmem>> -> memref<1x128xi32, #tpu.memory_space<vmem>>
    %dma_start3A_242 = tpu.memref_squeeze %dma_start3A_241 : memref<1x128xi32, #tpu.memory_space<vmem>> -> memref<128xi32, #tpu.memory_space<vmem>>
    %dma_start3A_243 = arith.constant 0 : i32
    %dma_start3A_244 = arith.constant 0 : i32
    %dma_start3A_245 = tpu.memref_slice %arg13[%dma_start3A_243, %dma_start3A_244] : memref<10240x64xf32, #tpu.memory_space<vmem_shared>> -> memref<10240x64xf32, #tpu.memory_space<vmem_shared>>
    tpu.enqueue_indirect_dma source(%arg9 : memref<128x64xf32, #tpu.memory_space<vmem>>) target(%dma_start3A_245 : memref<10240x64xf32, #tpu.memory_space<vmem_shared>>) offsets(%dma_start3A_242 : memref<128xi32, #tpu.memory_space<vmem>>) semaphore(%arg18 : memref<!tpu.dma_semaphore, #tpu.memory_space<semaphore_mem>>) {add = true}
    %sub3A_246 = arith.constant 2 : i32
    %sub3A_247 = arith.subi %add3A_233, %sub3A_246 : i32
    %dma_wait3A_248 = arith.constant 0 : i32
    %dma_wait3A_249 = tpu.memref_slice %arg8[%sub3A_247, %dma_wait3A_248] : memref<144x128xi32, #tpu.memory_space<vmem>> -> memref<1x128xi32, #tpu.memory_space<vmem>>
    %dma_wait3A_250 = tpu.memref_squeeze %dma_wait3A_249 : memref<1x128xi32, #tpu.memory_space<vmem>> -> memref<128xi32, #tpu.memory_space<vmem>>
    %dma_wait3A_251 = arith.constant 0 : i32
    %dma_wait3A_252 = arith.constant 0 : i32
    %dma_wait3A_253 = tpu.memref_slice %arg24[%dma_wait3A_251, %dma_wait3A_252] : memref<10240x16xf32, #tpu.memory_space<vmem_shared>> -> memref<10240x16xf32, #tpu.memory_space<vmem_shared>>
    tpu.wait_indirect_dma semaphore(%arg25 : memref<!tpu.dma_semaphore, #tpu.memory_space<semaphore_mem>>) src(%arg22 : memref<128x16xf32, #tpu.memory_space<vmem>>) dst(%dma_wait3A_253 : memref<10240x16xf32, #tpu.memory_space<vmem_shared>>)
    %dma_start3A_254 = arith.constant 0 : i32
    %dma_start3A_255 = tpu.memref_slice %arg8[%add3A_233, %dma_start3A_254] : memref<144x128xi32, #tpu.memory_space<vmem>> -> memref<1x128xi32, #tpu.memory_space<vmem>>
    %dma_start3A_256 = tpu.memref_squeeze %dma_start3A_255 : memref<1x128xi32, #tpu.memory_space<vmem>> -> memref<128xi32, #tpu.memory_space<vmem>>
    %dma_start3A_257 = arith.constant 0 : i32
    %dma_start3A_258 = arith.constant 0 : i32
    %dma_start3A_259 = tpu.memref_slice %arg24[%dma_start3A_257, %dma_start3A_258] : memref<10240x16xf32, #tpu.memory_space<vmem_shared>> -> memref<10240x16xf32, #tpu.memory_space<vmem_shared>>
    tpu.enqueue_indirect_dma source(%arg22 : memref<128x16xf32, #tpu.memory_space<vmem>>) target(%dma_start3A_259 : memref<10240x16xf32, #tpu.memory_space<vmem_shared>>) offsets(%dma_start3A_256 : memref<128xi32, #tpu.memory_space<vmem>>) semaphore(%arg25 : memref<!tpu.dma_semaphore, #tpu.memory_space<semaphore_mem>>) {add = true}
    %sub3A_260 = arith.constant 2 : i32
    %sub3A_261 = arith.subi %add3A_233, %sub3A_260 : i32
    %dma_wait3A_262 = arith.constant 0 : i32
    %dma_wait3A_263 = tpu.memref_slice %arg8[%sub3A_261, %dma_wait3A_262] : memref<144x128xi32, #tpu.memory_space<vmem>> -> memref<1x128xi32, #tpu.memory_space<vmem>>
    %dma_wait3A_264 = tpu.memref_squeeze %dma_wait3A_263 : memref<1x128xi32, #tpu.memory_space<vmem>> -> memref<128xi32, #tpu.memory_space<vmem>>
    %dma_wait3A_265 = arith.constant 0 : i32
    %dma_wait3A_266 = arith.constant 0 : i32
    %dma_wait3A_267 = tpu.memref_slice %arg13[%dma_wait3A_265, %dma_wait3A_266] : memref<10240x64xf32, #tpu.memory_space<vmem_shared>> -> memref<10240x64xf32, #tpu.memory_space<vmem_shared>>
    tpu.wait_indirect_dma semaphore(%arg20 : memref<!tpu.dma_semaphore, #tpu.memory_space<semaphore_mem>>) src(%arg11 : memref<128x64xf32, #tpu.memory_space<vmem>>) dst(%dma_wait3A_267 : memref<10240x64xf32, #tpu.memory_space<vmem_shared>>)
    %add3A_268 = arith.constant 2 : i32
    %add3A_269 = arith.addi %add3A_233, %add3A_268 : i32
    %dma_start3A_270 = arith.constant 0 : i32
    %dma_start3A_271 = tpu.memref_slice %arg7[%add3A_269, %dma_start3A_270] : memref<144x128xi32, #tpu.memory_space<vmem>> -> memref<1x128xi32, #tpu.memory_space<vmem>>
    %dma_start3A_272 = tpu.memref_squeeze %dma_start3A_271 : memref<1x128xi32, #tpu.memory_space<vmem>> -> memref<128xi32, #tpu.memory_space<vmem>>
    %dma_start3A_273 = arith.constant 0 : i32
    %dma_start3A_274 = arith.constant 0 : i32
    %dma_start3A_275 = tpu.memref_slice %arg2[%dma_start3A_273, %dma_start3A_274] : memref<10000x64xf32, #tpu.memory_space<hbm>> -> memref<10000x64xf32, #tpu.memory_space<hbm>>
    tpu.enqueue_indirect_dma source(%dma_start3A_275 : memref<10000x64xf32, #tpu.memory_space<hbm>>) target(%arg11 : memref<128x64xf32, #tpu.memory_space<vmem>>) offsets(%dma_start3A_272 : memref<128xi32, #tpu.memory_space<vmem>>) semaphore(%arg16 : memref<!tpu.dma_semaphore, #tpu.memory_space<semaphore_mem>>)
    %add3A_276 = arith.constant 1 : i32
    %add3A_277 = arith.addi %mul3A_231, %add3A_276 : i32
    %dma_wait3A_278 = arith.constant 0 : i32
    %dma_wait3A_279 = tpu.memref_slice %arg7[%add3A_277, %dma_wait3A_278] : memref<144x128xi32, #tpu.memory_space<vmem>> -> memref<1x128xi32, #tpu.memory_space<vmem>>
    %dma_wait3A_280 = tpu.memref_squeeze %dma_wait3A_279 : memref<1x128xi32, #tpu.memory_space<vmem>> -> memref<128xi32, #tpu.memory_space<vmem>>
    %dma_wait3A_281 = arith.constant 0 : i32
    %dma_wait3A_282 = arith.constant 0 : i32
    %dma_wait3A_283 = tpu.memref_slice %arg2[%dma_wait3A_281, %dma_wait3A_282] : memref<10000x64xf32, #tpu.memory_space<hbm>> -> memref<10000x64xf32, #tpu.memory_space<hbm>>
    tpu.wait_indirect_dma semaphore(%arg15 : memref<!tpu.dma_semaphore, #tpu.memory_space<semaphore_mem>>) src(%dma_wait3A_283 : memref<10000x64xf32, #tpu.memory_space<hbm>>) dst(%arg10 : memref<128x64xf32, #tpu.memory_space<vmem>>)
    %dma_start3A_284 = arith.constant 0 : i32
    %dma_start3A_285 = tpu.memref_slice %arg8[%add3A_277, %dma_start3A_284] : memref<144x128xi32, #tpu.memory_space<vmem>> -> memref<1x128xi32, #tpu.memory_space<vmem>>
    %dma_start3A_286 = tpu.memref_squeeze %dma_start3A_285 : memref<1x128xi32, #tpu.memory_space<vmem>> -> memref<128xi32, #tpu.memory_space<vmem>>
    %dma_start3A_287 = arith.constant 0 : i32
    %dma_start3A_288 = arith.constant 0 : i32
    %dma_start3A_289 = tpu.memref_slice %arg13[%dma_start3A_287, %dma_start3A_288] : memref<10240x64xf32, #tpu.memory_space<vmem_shared>> -> memref<10240x64xf32, #tpu.memory_space<vmem_shared>>
    tpu.enqueue_indirect_dma source(%arg10 : memref<128x64xf32, #tpu.memory_space<vmem>>) target(%dma_start3A_289 : memref<10240x64xf32, #tpu.memory_space<vmem_shared>>) offsets(%dma_start3A_286 : memref<128xi32, #tpu.memory_space<vmem>>) semaphore(%arg19 : memref<!tpu.dma_semaphore, #tpu.memory_space<semaphore_mem>>) {add = true}
    %sub3A_290 = arith.constant 2 : i32
    %sub3A_291 = arith.subi %add3A_277, %sub3A_290 : i32
    %dma_wait3A_292 = arith.constant 0 : i32
    %dma_wait3A_293 = tpu.memref_slice %arg8[%sub3A_291, %dma_wait3A_292] : memref<144x128xi32, #tpu.memory_space<vmem>> -> memref<1x128xi32, #tpu.memory_space<vmem>>
    %dma_wait3A_294 = tpu.memref_squeeze %dma_wait3A_293 : memref<1x128xi32, #tpu.memory_space<vmem>> -> memref<128xi32, #tpu.memory_space<vmem>>
    %dma_wait3A_295 = arith.constant 0 : i32
    %dma_wait3A_296 = arith.constant 0 : i32
    %dma_wait3A_297 = tpu.memref_slice %arg24[%dma_wait3A_295, %dma_wait3A_296] : memref<10240x16xf32, #tpu.memory_space<vmem_shared>> -> memref<10240x16xf32, #tpu.memory_space<vmem_shared>>
    tpu.wait_indirect_dma semaphore(%arg26 : memref<!tpu.dma_semaphore, #tpu.memory_space<semaphore_mem>>) src(%arg22 : memref<128x16xf32, #tpu.memory_space<vmem>>) dst(%dma_wait3A_297 : memref<10240x16xf32, #tpu.memory_space<vmem_shared>>)
    %dma_start3A_298 = arith.constant 0 : i32
    %dma_start3A_299 = tpu.memref_slice %arg8[%add3A_277, %dma_start3A_298] : memref<144x128xi32, #tpu.memory_space<vmem>> -> memref<1x128xi32, #tpu.memory_space<vmem>>
    %dma_start3A_300 = tpu.memref_squeeze %dma_start3A_299 : memref<1x128xi32, #tpu.memory_space<vmem>> -> memref<128xi32, #tpu.memory_space<vmem>>
    %dma_start3A_301 = arith.constant 0 : i32
    %dma_start3A_302 = arith.constant 0 : i32
    %dma_start3A_303 = tpu.memref_slice %arg24[%dma_start3A_301, %dma_start3A_302] : memref<10240x16xf32, #tpu.memory_space<vmem_shared>> -> memref<10240x16xf32, #tpu.memory_space<vmem_shared>>
    tpu.enqueue_indirect_dma source(%arg22 : memref<128x16xf32, #tpu.memory_space<vmem>>) target(%dma_start3A_303 : memref<10240x16xf32, #tpu.memory_space<vmem_shared>>) offsets(%dma_start3A_300 : memref<128xi32, #tpu.memory_space<vmem>>) semaphore(%arg26 : memref<!tpu.dma_semaphore, #tpu.memory_space<semaphore_mem>>) {add = true}
    %sub3A_304 = arith.constant 2 : i32
    %sub3A_305 = arith.subi %add3A_277, %sub3A_304 : i32
    %dma_wait3A_306 = arith.constant 0 : i32
    %dma_wait3A_307 = tpu.memref_slice %arg8[%sub3A_305, %dma_wait3A_306] : memref<144x128xi32, #tpu.memory_space<vmem>> -> memref<1x128xi32, #tpu.memory_space<vmem>>
    %dma_wait3A_308 = tpu.memref_squeeze %dma_wait3A_307 : memref<1x128xi32, #tpu.memory_space<vmem>> -> memref<128xi32, #tpu.memory_space<vmem>>
    %dma_wait3A_309 = arith.constant 0 : i32
    %dma_wait3A_310 = arith.constant 0 : i32
    %dma_wait3A_311 = tpu.memref_slice %arg13[%dma_wait3A_309, %dma_wait3A_310] : memref<10240x64xf32, #tpu.memory_space<vmem_shared>> -> memref<10240x64xf32, #tpu.memory_space<vmem_shared>>
    tpu.wait_indirect_dma semaphore(%arg21 : memref<!tpu.dma_semaphore, #tpu.memory_space<semaphore_mem>>) src(%arg12 : memref<128x64xf32, #tpu.memory_space<vmem>>) dst(%dma_wait3A_311 : memref<10240x64xf32, #tpu.memory_space<vmem_shared>>)
    %add3A_312 = arith.constant 2 : i32
    %add3A_313 = arith.addi %add3A_277, %add3A_312 : i32
    %dma_start3A_314 = arith.constant 0 : i32
    %dma_start3A_315 = tpu.memref_slice %arg7[%add3A_313, %dma_start3A_314] : memref<144x128xi32, #tpu.memory_space<vmem>> -> memref<1x128xi32, #tpu.memory_space<vmem>>
    %dma_start3A_316 = tpu.memref_squeeze %dma_start3A_315 : memref<1x128xi32, #tpu.memory_space<vmem>> -> memref<128xi32, #tpu.memory_space<vmem>>
    %dma_start3A_317 = arith.constant 0 : i32
    %dma_start3A_318 = arith.constant 0 : i32
    %dma_start3A_319 = tpu.memref_slice %arg2[%dma_start3A_317, %dma_start3A_318] : memref<10000x64xf32, #tpu.memory_space<hbm>> -> memref<10000x64xf32, #tpu.memory_space<hbm>>
    tpu.enqueue_indirect_dma source(%dma_start3A_319 : memref<10000x64xf32, #tpu.memory_space<hbm>>) target(%arg12 : memref<128x64xf32, #tpu.memory_space<vmem>>) offsets(%dma_start3A_316 : memref<128xi32, #tpu.memory_space<vmem>>) semaphore(%arg17 : memref<!tpu.dma_semaphore, #tpu.memory_space<semaphore_mem>>)
    %add3A_320 = arith.constant 2 : i32
    %add3A_321 = arith.addi %mul3A_231, %add3A_320 : i32
    %dma_wait3A_322 = arith.constant 0 : i32
    %dma_wait3A_323 = tpu.memref_slice %arg7[%add3A_321, %dma_wait3A_322] : memref<144x128xi32, #tpu.memory_space<vmem>> -> memref<1x128xi32, #tpu.memory_space<vmem>>
    %dma_wait3A_324 = tpu.memref_squeeze %dma_wait3A_323 : memref<1x128xi32, #tpu.memory_space<vmem>> -> memref<128xi32, #tpu.memory_space<vmem>>
    %dma_wait3A_325 = arith.constant 0 : i32
    %dma_wait3A_326 = arith.constant 0 : i32
    %dma_wait3A_327 = tpu.memref_slice %arg2[%dma_wait3A_325, %dma_wait3A_326] : memref<10000x64xf32, #tpu.memory_space<hbm>> -> memref<10000x64xf32, #tpu.memory_space<hbm>>
    tpu.wait_indirect_dma semaphore(%arg16 : memref<!tpu.dma_semaphore, #tpu.memory_space<semaphore_mem>>) src(%dma_wait3A_327 : memref<10000x64xf32, #tpu.memory_space<hbm>>) dst(%arg11 : memref<128x64xf32, #tpu.memory_space<vmem>>)
    %dma_start3A_328 = arith.constant 0 : i32
    %dma_start3A_329 = tpu.memref_slice %arg8[%add3A_321, %dma_start3A_328] : memref<144x128xi32, #tpu.memory_space<vmem>> -> memref<1x128xi32, #tpu.memory_space<vmem>>
    %dma_start3A_330 = tpu.memref_squeeze %dma_start3A_329 : memref<1x128xi32, #tpu.memory_space<vmem>> -> memref<128xi32, #tpu.memory_space<vmem>>
    %dma_start3A_331 = arith.constant 0 : i32
    %dma_start3A_332 = arith.constant 0 : i32
    %dma_start3A_333 = tpu.memref_slice %arg13[%dma_start3A_331, %dma_start3A_332] : memref<10240x64xf32, #tpu.memory_space<vmem_shared>> -> memref<10240x64xf32, #tpu.memory_space<vmem_shared>>
    tpu.enqueue_indirect_dma source(%arg11 : memref<128x64xf32, #tpu.memory_space<vmem>>) target(%dma_start3A_333 : memref<10240x64xf32, #tpu.memory_space<vmem_shared>>) offsets(%dma_start3A_330 : memref<128xi32, #tpu.memory_space<vmem>>) semaphore(%arg20 : memref<!tpu.dma_semaphore, #tpu.memory_space<semaphore_mem>>) {add = true}
    %sub3A_334 = arith.constant 2 : i32
    %sub3A_335 = arith.subi %add3A_321, %sub3A_334 : i32
    %dma_wait3A_336 = arith.constant 0 : i32
    %dma_wait3A_337 = tpu.memref_slice %arg8[%sub3A_335, %dma_wait3A_336] : memref<144x128xi32, #tpu.memory_space<vmem>> -> memref<1x128xi32, #tpu.memory_space<vmem>>
    %dma_wait3A_338 = tpu.memref_squeeze %dma_wait3A_337 : memref<1x128xi32, #tpu.memory_space<vmem>> -> memref<128xi32, #tpu.memory_space<vmem>>
    %dma_wait3A_339 = arith.constant 0 : i32
    %dma_wait3A_340 = arith.constant 0 : i32
    %dma_wait3A_341 = tpu.memref_slice %arg24[%dma_wait3A_339, %dma_wait3A_340] : memref<10240x16xf32, #tpu.memory_space<vmem_shared>> -> memref<10240x16xf32, #tpu.memory_space<vmem_shared>>
    tpu.wait_indirect_dma semaphore(%arg25 : memref<!tpu.dma_semaphore, #tpu.memory_space<semaphore_mem>>) src(%arg22 : memref<128x16xf32, #tpu.memory_space<vmem>>) dst(%dma_wait3A_341 : memref<10240x16xf32, #tpu.memory_space<vmem_shared>>)
    %dma_start3A_342 = arith.constant 0 : i32
    %dma_start3A_343 = tpu.memref_slice %arg8[%add3A_321, %dma_start3A_342] : memref<144x128xi32, #tpu.memory_space<vmem>> -> memref<1x128xi32, #tpu.memory_space<vmem>>
    %dma_start3A_344 = tpu.memref_squeeze %dma_start3A_343 : memref<1x128xi32, #tpu.memory_space<vmem>> -> memref<128xi32, #tpu.memory_space<vmem>>
    %dma_start3A_345 = arith.constant 0 : i32
    %dma_start3A_346 = arith.constant 0 : i32
    %dma_start3A_347 = tpu.memref_slice %arg24[%dma_start3A_345, %dma_start3A_346] : memref<10240x16xf32, #tpu.memory_space<vmem_shared>> -> memref<10240x16xf32, #tpu.memory_space<vmem_shared>>
    tpu.enqueue_indirect_dma source(%arg22 : memref<128x16xf32, #tpu.memory_space<vmem>>) target(%dma_start3A_347 : memref<10240x16xf32, #tpu.memory_space<vmem_shared>>) offsets(%dma_start3A_344 : memref<128xi32, #tpu.memory_space<vmem>>) semaphore(%arg25 : memref<!tpu.dma_semaphore, #tpu.memory_space<semaphore_mem>>) {add = true}
    %add3A_348 = arith.constant 3 : i32
    %add3A_349 = arith.addi %mul3A_231, %add3A_348 : i32
    %dma_wait3A_350 = arith.constant 0 : i32
    %dma_wait3A_351 = tpu.memref_slice %arg7[%add3A_349, %dma_wait3A_350] : memref<144x128xi32, #tpu.memory_space<vmem>> -> memref<1x128xi32, #tpu.memory_space<vmem>>
    %dma_wait3A_352 = tpu.memref_squeeze %dma_wait3A_351 : memref<1x128xi32, #tpu.memory_space<vmem>> -> memref<128xi32, #tpu.memory_space<vmem>>
    %dma_wait3A_353 = arith.constant 0 : i32
    %dma_wait3A_354 = arith.constant 0 : i32
    %dma_wait3A_355 = tpu.memref_slice %arg2[%dma_wait3A_353, %dma_wait3A_354] : memref<10000x64xf32, #tpu.memory_space<hbm>> -> memref<10000x64xf32, #tpu.memory_space<hbm>>
    tpu.wait_indirect_dma semaphore(%arg17 : memref<!tpu.dma_semaphore, #tpu.memory_space<semaphore_mem>>) src(%dma_wait3A_355 : memref<10000x64xf32, #tpu.memory_space<hbm>>) dst(%arg12 : memref<128x64xf32, #tpu.memory_space<vmem>>)
    %dma_start3A_356 = arith.constant 0 : i32
    %dma_start3A_357 = tpu.memref_slice %arg8[%add3A_349, %dma_start3A_356] : memref<144x128xi32, #tpu.memory_space<vmem>> -> memref<1x128xi32, #tpu.memory_space<vmem>>
    %dma_start3A_358 = tpu.memref_squeeze %dma_start3A_357 : memref<1x128xi32, #tpu.memory_space<vmem>> -> memref<128xi32, #tpu.memory_space<vmem>>
    %dma_start3A_359 = arith.constant 0 : i32
    %dma_start3A_360 = arith.constant 0 : i32
    %dma_start3A_361 = tpu.memref_slice %arg13[%dma_start3A_359, %dma_start3A_360] : memref<10240x64xf32, #tpu.memory_space<vmem_shared>> -> memref<10240x64xf32, #tpu.memory_space<vmem_shared>>
    tpu.enqueue_indirect_dma source(%arg12 : memref<128x64xf32, #tpu.memory_space<vmem>>) target(%dma_start3A_361 : memref<10240x64xf32, #tpu.memory_space<vmem_shared>>) offsets(%dma_start3A_358 : memref<128xi32, #tpu.memory_space<vmem>>) semaphore(%arg21 : memref<!tpu.dma_semaphore, #tpu.memory_space<semaphore_mem>>) {add = true}
    %sub3A_362 = arith.constant 2 : i32
    %sub3A_363 = arith.subi %add3A_349, %sub3A_362 : i32
    %dma_wait3A_364 = arith.constant 0 : i32
    %dma_wait3A_365 = tpu.memref_slice %arg8[%sub3A_363, %dma_wait3A_364] : memref<144x128xi32, #tpu.memory_space<vmem>> -> memref<1x128xi32, #tpu.memory_space<vmem>>
    %dma_wait3A_366 = tpu.memref_squeeze %dma_wait3A_365 : memref<1x128xi32, #tpu.memory_space<vmem>> -> memref<128xi32, #tpu.memory_space<vmem>>
    %dma_wait3A_367 = arith.constant 0 : i32
    %dma_wait3A_368 = arith.constant 0 : i32
    %dma_wait3A_369 = tpu.memref_slice %arg24[%dma_wait3A_367, %dma_wait3A_368] : memref<10240x16xf32, #tpu.memory_space<vmem_shared>> -> memref<10240x16xf32, #tpu.memory_space<vmem_shared>>
    tpu.wait_indirect_dma semaphore(%arg26 : memref<!tpu.dma_semaphore, #tpu.memory_space<semaphore_mem>>) src(%arg22 : memref<128x16xf32, #tpu.memory_space<vmem>>) dst(%dma_wait3A_369 : memref<10240x16xf32, #tpu.memory_space<vmem_shared>>)
    %dma_start3A_370 = arith.constant 0 : i32
    %dma_start3A_371 = tpu.memref_slice %arg8[%add3A_349, %dma_start3A_370] : memref<144x128xi32, #tpu.memory_space<vmem>> -> memref<1x128xi32, #tpu.memory_space<vmem>>
    %dma_start3A_372 = tpu.memref_squeeze %dma_start3A_371 : memref<1x128xi32, #tpu.memory_space<vmem>> -> memref<128xi32, #tpu.memory_space<vmem>>
    %dma_start3A_373 = arith.constant 0 : i32
    %dma_start3A_374 = arith.constant 0 : i32
    %dma_start3A_375 = tpu.memref_slice %arg24[%dma_start3A_373, %dma_start3A_374] : memref<10240x16xf32, #tpu.memory_space<vmem_shared>> -> memref<10240x16xf32, #tpu.memory_space<vmem_shared>>
    tpu.enqueue_indirect_dma source(%arg22 : memref<128x16xf32, #tpu.memory_space<vmem>>) target(%dma_start3A_375 : memref<10240x16xf32, #tpu.memory_space<vmem_shared>>) offsets(%dma_start3A_372 : memref<128xi32, #tpu.memory_space<vmem>>) semaphore(%arg26 : memref<!tpu.dma_semaphore, #tpu.memory_space<semaphore_mem>>) {add = true}
    %add3A_376 = arith.constant 0 : i32
    %add3A_377 = arith.addi %mul3A_231, %add3A_376 : i32
    %dma_wait3A_378 = arith.constant 0 : i32
    %dma_wait3A_379 = tpu.memref_slice %arg8[%add3A_377, %dma_wait3A_378] : memref<144x128xi32, #tpu.memory_space<vmem>> -> memref<1x128xi32, #tpu.memory_space<vmem>>
    %dma_wait3A_380 = tpu.memref_squeeze %dma_wait3A_379 : memref<1x128xi32, #tpu.memory_space<vmem>> -> memref<128xi32, #tpu.memory_space<vmem>>
    %dma_wait3A_381 = arith.constant 0 : i32
    %dma_wait3A_382 = arith.constant 0 : i32
    %dma_wait3A_383 = tpu.memref_slice %arg13[%dma_wait3A_381, %dma_wait3A_382] : memref<10240x64xf32, #tpu.memory_space<vmem_shared>> -> memref<10240x64xf32, #tpu.memory_space<vmem_shared>>
    tpu.wait_indirect_dma semaphore(%arg18 : memref<!tpu.dma_semaphore, #tpu.memory_space<semaphore_mem>>) src(%arg9 : memref<128x64xf32, #tpu.memory_space<vmem>>) dst(%dma_wait3A_383 : memref<10240x64xf32, #tpu.memory_space<vmem_shared>>)
    %add3A_384 = arith.constant 1 : i32
    %add3A_385 = arith.addi %mul3A_231, %add3A_384 : i32
    %dma_wait3A_386 = arith.constant 0 : i32
    %dma_wait3A_387 = tpu.memref_slice %arg8[%add3A_385, %dma_wait3A_386] : memref<144x128xi32, #tpu.memory_space<vmem>> -> memref<1x128xi32, #tpu.memory_space<vmem>>
    %dma_wait3A_388 = tpu.memref_squeeze %dma_wait3A_387 : memref<1x128xi32, #tpu.memory_space<vmem>> -> memref<128xi32, #tpu.memory_space<vmem>>
    %dma_wait3A_389 = arith.constant 0 : i32
    %dma_wait3A_390 = arith.constant 0 : i32
    %dma_wait3A_391 = tpu.memref_slice %arg13[%dma_wait3A_389, %dma_wait3A_390] : memref<10240x64xf32, #tpu.memory_space<vmem_shared>> -> memref<10240x64xf32, #tpu.memory_space<vmem_shared>>
    tpu.wait_indirect_dma semaphore(%arg19 : memref<!tpu.dma_semaphore, #tpu.memory_space<semaphore_mem>>) src(%arg10 : memref<128x64xf32, #tpu.memory_space<vmem>>) dst(%dma_wait3A_391 : memref<10240x64xf32, #tpu.memory_space<vmem_shared>>)
    %add3A_392 = arith.constant 2 : i32
    %add3A_393 = arith.addi %mul3A_231, %add3A_392 : i32
    %dma_wait3A_394 = arith.constant 0 : i32
    %dma_wait3A_395 = tpu.memref_slice %arg8[%add3A_393, %dma_wait3A_394] : memref<144x128xi32, #tpu.memory_space<vmem>> -> memref<1x128xi32, #tpu.memory_space<vmem>>
    %dma_wait3A_396 = tpu.memref_squeeze %dma_wait3A_395 : memref<1x128xi32, #tpu.memory_space<vmem>> -> memref<128xi32, #tpu.memory_space<vmem>>
    %dma_wait3A_397 = arith.constant 0 : i32
    %dma_wait3A_398 = arith.constant 0 : i32
    %dma_wait3A_399 = tpu.memref_slice %arg13[%dma_wait3A_397, %dma_wait3A_398] : memref<10240x64xf32, #tpu.memory_space<vmem_shared>> -> memref<10240x64xf32, #tpu.memory_space<vmem_shared>>
    tpu.wait_indirect_dma semaphore(%arg20 : memref<!tpu.dma_semaphore, #tpu.memory_space<semaphore_mem>>) src(%arg11 : memref<128x64xf32, #tpu.memory_space<vmem>>) dst(%dma_wait3A_399 : memref<10240x64xf32, #tpu.memory_space<vmem_shared>>)
    %add3A_400 = arith.constant 3 : i32
    %add3A_401 = arith.addi %mul3A_231, %add3A_400 : i32
    %dma_wait3A_402 = arith.constant 0 : i32
    %dma_wait3A_403 = tpu.memref_slice %arg8[%add3A_401, %dma_wait3A_402] : memref<144x128xi32, #tpu.memory_space<vmem>> -> memref<1x128xi32, #tpu.memory_space<vmem>>
    %dma_wait3A_404 = tpu.memref_squeeze %dma_wait3A_403 : memref<1x128xi32, #tpu.memory_space<vmem>> -> memref<128xi32, #tpu.memory_space<vmem>>
    %dma_wait3A_405 = arith.constant 0 : i32
    %dma_wait3A_406 = arith.constant 0 : i32
    %dma_wait3A_407 = tpu.memref_slice %arg13[%dma_wait3A_405, %dma_wait3A_406] : memref<10240x64xf32, #tpu.memory_space<vmem_shared>> -> memref<10240x64xf32, #tpu.memory_space<vmem_shared>>
    tpu.wait_indirect_dma semaphore(%arg21 : memref<!tpu.dma_semaphore, #tpu.memory_space<semaphore_mem>>) src(%arg12 : memref<128x64xf32, #tpu.memory_space<vmem>>) dst(%dma_wait3A_407 : memref<10240x64xf32, #tpu.memory_space<vmem_shared>>)
    %add3A_408 = arith.constant 4 : i32
    %add3A_409 = arith.addi %mul3A_231, %add3A_408 : i32
    %sub3A_410 = arith.constant 2 : i32
    %sub3A_411 = arith.subi %add3A_409, %sub3A_410 : i32
    %add3A_412 = arith.constant 0 : i32
    %add3A_413 = arith.addi %sub3A_411, %add3A_412 : i32
    %dma_wait3A_414 = arith.constant 0 : i32
    %dma_wait3A_415 = tpu.memref_slice %arg8[%add3A_413, %dma_wait3A_414] : memref<144x128xi32, #tpu.memory_space<vmem>> -> memref<1x128xi32, #tpu.memory_space<vmem>>
    %dma_wait3A_416 = tpu.memref_squeeze %dma_wait3A_415 : memref<1x128xi32, #tpu.memory_space<vmem>> -> memref<128xi32, #tpu.memory_space<vmem>>
    %dma_wait3A_417 = arith.constant 0 : i32
    %dma_wait3A_418 = arith.constant 0 : i32
    %dma_wait3A_419 = tpu.memref_slice %arg24[%dma_wait3A_417, %dma_wait3A_418] : memref<10240x16xf32, #tpu.memory_space<vmem_shared>> -> memref<10240x16xf32, #tpu.memory_space<vmem_shared>>
    tpu.wait_indirect_dma semaphore(%arg25 : memref<!tpu.dma_semaphore, #tpu.memory_space<semaphore_mem>>) src(%arg22 : memref<128x16xf32, #tpu.memory_space<vmem>>) dst(%dma_wait3A_419 : memref<10240x16xf32, #tpu.memory_space<vmem_shared>>)
    %add3A_420 = arith.constant 4 : i32
    %add3A_421 = arith.addi %mul3A_231, %add3A_420 : i32
    %sub3A_422 = arith.constant 2 : i32
    %sub3A_423 = arith.subi %add3A_421, %sub3A_422 : i32
    %add3A_424 = arith.constant 1 : i32
    %add3A_425 = arith.addi %sub3A_423, %add3A_424 : i32
    %dma_wait3A_426 = arith.constant 0 : i32
    %dma_wait3A_427 = tpu.memref_slice %arg8[%add3A_425, %dma_wait3A_426] : memref<144x128xi32, #tpu.memory_space<vmem>> -> memref<1x128xi32, #tpu.memory_space<vmem>>
    %dma_wait3A_428 = tpu.memref_squeeze %dma_wait3A_427 : memref<1x128xi32, #tpu.memory_space<vmem>> -> memref<128xi32, #tpu.memory_space<vmem>>
    %dma_wait3A_429 = arith.constant 0 : i32
    %dma_wait3A_430 = arith.constant 0 : i32
    %dma_wait3A_431 = tpu.memref_slice %arg24[%dma_wait3A_429, %dma_wait3A_430] : memref<10240x16xf32, #tpu.memory_space<vmem_shared>> -> memref<10240x16xf32, #tpu.memory_space<vmem_shared>>
    tpu.wait_indirect_dma semaphore(%arg26 : memref<!tpu.dma_semaphore, #tpu.memory_space<semaphore_mem>>) src(%arg22 : memref<128x16xf32, #tpu.memory_space<vmem>>) dst(%dma_wait3A_431 : memref<10240x16xf32, #tpu.memory_space<vmem_shared>>)
    %barrier3A_432 = arith.constant 0 : index
    tpu.barrier barrier_id(%barrier3A_432)
    %mul3A_433 = arith.constant 624 : i32
    %mul3A_434 = arith.muli %arg1, %mul3A_433 : i32
    %mul3A_435 = arith.constant 10000 : i32
    %mul3A_436 = arith.muli %arg0, %mul3A_435 : i32
    %mul3A_437 = arith.constant 624 : i32
    %mul3A_438 = arith.muli %arg1, %mul3A_437 : i32
    %add3A_439 = arith.addi %mul3A_436, %mul3A_438 : i32
    %mul3A_440 = arith.constant 624 : i32
    %mul3A_441 = arith.muli %arg1, %mul3A_440 : i32
    %mul3A_442 = arith.constant 10000 : i32
    %mul3A_443 = arith.muli %arg0, %mul3A_442 : i32
    %mul3A_444 = arith.constant 624 : i32
    %mul3A_445 = arith.muli %arg1, %mul3A_444 : i32
    %add3A_446 = arith.addi %mul3A_443, %mul3A_445 : i32
    %dma_start3A_447 = arith.constant 0 : i32
    %dma_start3A_448 = tpu.memref_slice %arg5[%add3A_439, %dma_start3A_447] : memref<20000x64xf32, #tpu.memory_space<hbm>> -> memref<640x64xf32, #tpu.memory_space<hbm>>
    %dma_start3A_449 = arith.constant 0 : i32
    %dma_start3A_450 = tpu.memref_slice %arg13[%mul3A_434, %dma_start3A_449] : memref<10240x64xf32, #tpu.memory_space<vmem_shared>> -> memref<640x64xf32, #tpu.memory_space<vmem_shared>>
    tpu.enqueue_dma source(%dma_start3A_450 : memref<640x64xf32, #tpu.memory_space<vmem_shared>>) target(%dma_start3A_448 : memref<640x64xf32, #tpu.memory_space<hbm>>) target_semaphore(%arg14 : memref<!tpu.dma_semaphore, #tpu.memory_space<semaphore_mem>>)
    %dma_start3A_451 = arith.constant 0 : i32
    %dma_start3A_452 = tpu.memref_slice %arg6[%add3A_446, %dma_start3A_451] : memref<20000x16xf32, #tpu.memory_space<hbm>> -> memref<640x16xf32, #tpu.memory_space<hbm>>
    %dma_start3A_453 = arith.constant 0 : i32
    %dma_start3A_454 = tpu.memref_slice %arg24[%mul3A_441, %dma_start3A_453] : memref<10240x16xf32, #tpu.memory_space<vmem_shared>> -> memref<640x16xf32, #tpu.memory_space<vmem_shared>>
    tpu.enqueue_dma source(%dma_start3A_454 : memref<640x16xf32, #tpu.memory_space<vmem_shared>>) target(%dma_start3A_452 : memref<640x16xf32, #tpu.memory_space<hbm>>) target_semaphore(%arg15 : memref<!tpu.dma_semaphore, #tpu.memory_space<semaphore_mem>>)
    %dma_wait3A_455 = arith.constant 0 : i32
    %dma_wait3A_456 = tpu.memref_slice %arg5[%add3A_439, %dma_wait3A_455] : memref<20000x64xf32, #tpu.memory_space<hbm>> -> memref<640x64xf32, #tpu.memory_space<hbm>>
    %dma_wait3A_457 = arith.constant 0 : i32
    %dma_wait3A_458 = tpu.memref_slice %arg13[%mul3A_434, %dma_wait3A_457] : memref<10240x64xf32, #tpu.memory_space<vmem_shared>> -> memref<640x64xf32, #tpu.memory_space<vmem_shared>>
    tpu.wait_dma2 semaphore(%arg14 : memref<!tpu.dma_semaphore, #tpu.memory_space<semaphore_mem>>) src(%dma_wait3A_458 : memref<640x64xf32, #tpu.memory_space<vmem_shared>>) dst(%dma_wait3A_456 : memref<640x64xf32, #tpu.memory_space<hbm>>)
    %dma_wait3A_459 = arith.constant 0 : i32
    %dma_wait3A_460 = tpu.memref_slice %arg6[%add3A_446, %dma_wait3A_459] : memref<20000x16xf32, #tpu.memory_space<hbm>> -> memref<640x16xf32, #tpu.memory_space<hbm>>
    %dma_wait3A_461 = arith.constant 0 : i32
    %dma_wait3A_462 = tpu.memref_slice %arg24[%mul3A_441, %dma_wait3A_461] : memref<10240x16xf32, #tpu.memory_space<vmem_shared>> -> memref<640x16xf32, #tpu.memory_space<vmem_shared>>
    tpu.wait_dma2 semaphore(%arg15 : memref<!tpu.dma_semaphore, #tpu.memory_space<semaphore_mem>>) src(%dma_wait3A_462 : memref<640x16xf32, #tpu.memory_space<vmem_shared>>) dst(%dma_wait3A_460 : memref<640x16xf32, #tpu.memory_space<hbm>>)
    return
  }
}

#map = affine_map<(d0, d1) -> (0, 0)>
module attributes {stable_mosaic.version = 14 : i64} {
  func.func @body(%arg0: i32, %arg1: i32, %arg2: memref<10000x64xf32, #tpu.memory_space<hbm>>, %arg3: memref<4608x128xi32, #tpu.memory_space<hbm>>, %arg4: memref<4608x128xi32, #tpu.memory_space<hbm>>, %arg5: memref<20000x64xf32, #tpu.memory_space<hbm>>, %arg6: memref<144x128xi32, #tpu.memory_space<vmem>>, %arg7: memref<144x128xi32, #tpu.memory_space<vmem>>, %arg8: memref<128x64xf32, #tpu.memory_space<vmem>>, %arg9: memref<128x64xf32, #tpu.memory_space<vmem>>, %arg10: memref<128x64xf32, #tpu.memory_space<vmem>>, %arg11: memref<128x64xf32, #tpu.memory_space<vmem>>, %arg12: memref<10240x64xf32, #tpu.memory_space<vmem_shared>>, %arg13: memref<!tpu.dma_semaphore, #tpu.memory_space<semaphore_mem>>, %arg14: memref<!tpu.dma_semaphore, #tpu.memory_space<semaphore_mem>>, %arg15: memref<!tpu.dma_semaphore, #tpu.memory_space<semaphore_mem>>, %arg16: memref<!tpu.dma_semaphore, #tpu.memory_space<semaphore_mem>>, %arg17: memref<!tpu.dma_semaphore, #tpu.memory_space<semaphore_mem>>, %arg18: memref<!tpu.dma_semaphore, #tpu.memory_space<semaphore_mem>>, %arg19: memref<!tpu.dma_semaphore, #tpu.memory_space<semaphore_mem>>, %arg20: memref<!tpu.dma_semaphore, #tpu.memory_space<semaphore_mem>>) attributes {dimension_semantics = [#tpu.dimension_semantics<core_parallel>, #tpu.dimension_semantics<subcore_parallel>], iteration_bounds = array<i64: 2, 16>, scalar_prefetch = 0 : i64, scratch_operands = 15 : i64, tpu.core_type = #tpu.core_type<sc_vector_subcore>, window_params = [{transform_indices = #map}, {transform_indices = #map}, {transform_indices = #map}, {transform_indices = #map}]} {
    %mul3A = arith.constant 2 : i32
    %mul3A_0 = arith.muli %arg1, %mul3A : i32
    %add3A = arith.addi %mul3A_0, %arg0 : i32
    %eq3A = arith.constant 0 : i32
    %eq3A_1 = arith.cmpi eq, %arg0, %eq3A : i32
    %jit3A = arith.constant 36 : i32
    %jit3A_2 = arith.constant 4 : i32
    %select_n3A = arith.select %eq3A_1, %jit3A, %jit3A_2 : i32
    %eq3A_3 = arith.constant 0 : i32
    %eq3A_4 = arith.cmpi eq, %arg0, %eq3A_3 : i32
    %convert_element_type3A = arith.extui %eq3A_4 : i1 to i32
    %cond3A = arith.constant 0 : i32
    %cond3A_5 = arith.cmpi ne, %convert_element_type3A, %cond3A : i32
    scf.if %cond3A_5 {
      %mul3A_306 = arith.constant 144 : i32
      %mul3A_307 = arith.muli %add3A, %mul3A_306 : i32
      %mul3A_308 = arith.constant 144 : i32
      %mul3A_309 = arith.muli %add3A, %mul3A_308 : i32
      %dma_start3A_310 = arith.constant 0 : i32
      %dma_start3A_311 = arith.constant 0 : i32
      %dma_start3A_312 = tpu.memref_slice %arg6[%dma_start3A_310, %dma_start3A_311] : memref<144x128xi32, #tpu.memory_space<vmem>> -> memref<144x128xi32, #tpu.memory_space<vmem>>
      %dma_start3A_313 = arith.constant 0 : i32
      %dma_start3A_314 = tpu.memref_slice %arg3[%mul3A_307, %dma_start3A_313] : memref<4608x128xi32, #tpu.memory_space<hbm>> -> memref<144x128xi32, #tpu.memory_space<hbm>>
      %dma_start3A_315 = arith.constant 0 : i32
      %dma_start3A_316 = arith.constant 0 : i32
      %dma_start3A_317 = tpu.memref_slice %arg6[%dma_start3A_315, %dma_start3A_316] : memref<144x128xi32, #tpu.memory_space<vmem>> -> memref<144x128xi32, #tpu.memory_space<vmem>>
      %dma_start3A_318 = arith.constant 0 : i32
      %dma_start3A_319 = tpu.memref_slice %arg3[%mul3A_307, %dma_start3A_318] : memref<4608x128xi32, #tpu.memory_space<hbm>> -> memref<144x128xi32, #tpu.memory_space<hbm>>
      tpu.enqueue_dma source(%dma_start3A_319 : memref<144x128xi32, #tpu.memory_space<hbm>>) target(%dma_start3A_317 : memref<144x128xi32, #tpu.memory_space<vmem>>) target_semaphore(%arg14 : memref<!tpu.dma_semaphore, #tpu.memory_space<semaphore_mem>>)
      %dma_start3A_320 = arith.constant 0 : i32
      %dma_start3A_321 = arith.constant 0 : i32
      %dma_start3A_322 = tpu.memref_slice %arg7[%dma_start3A_320, %dma_start3A_321] : memref<144x128xi32, #tpu.memory_space<vmem>> -> memref<144x128xi32, #tpu.memory_space<vmem>>
      %dma_start3A_323 = arith.constant 0 : i32
      %dma_start3A_324 = tpu.memref_slice %arg4[%mul3A_309, %dma_start3A_323] : memref<4608x128xi32, #tpu.memory_space<hbm>> -> memref<144x128xi32, #tpu.memory_space<hbm>>
      %dma_start3A_325 = arith.constant 0 : i32
      %dma_start3A_326 = arith.constant 0 : i32
      %dma_start3A_327 = tpu.memref_slice %arg7[%dma_start3A_325, %dma_start3A_326] : memref<144x128xi32, #tpu.memory_space<vmem>> -> memref<144x128xi32, #tpu.memory_space<vmem>>
      %dma_start3A_328 = arith.constant 0 : i32
      %dma_start3A_329 = tpu.memref_slice %arg4[%mul3A_309, %dma_start3A_328] : memref<4608x128xi32, #tpu.memory_space<hbm>> -> memref<144x128xi32, #tpu.memory_space<hbm>>
      tpu.enqueue_dma source(%dma_start3A_329 : memref<144x128xi32, #tpu.memory_space<hbm>>) target(%dma_start3A_327 : memref<144x128xi32, #tpu.memory_space<vmem>>) target_semaphore(%arg15 : memref<!tpu.dma_semaphore, #tpu.memory_space<semaphore_mem>>)
    } else {
    }
    %ne3A = arith.constant 0 : i32
    %ne3A_6 = arith.cmpi ne, %arg0, %ne3A : i32
    %convert_element_type3A_7 = arith.extui %ne3A_6 : i1 to i32
    %cond3A_8 = arith.constant 0 : i32
    %cond3A_9 = arith.cmpi ne, %convert_element_type3A_7, %cond3A_8 : i32
    scf.if %cond3A_9 {
      %mul3A_306 = arith.constant 144 : i32
      %mul3A_307 = arith.muli %add3A, %mul3A_306 : i32
      %mul3A_308 = arith.constant 144 : i32
      %mul3A_309 = arith.muli %add3A, %mul3A_308 : i32
      %dma_start3A_310 = arith.constant 0 : i32
      %dma_start3A_311 = arith.constant 0 : i32
      %dma_start3A_312 = tpu.memref_slice %arg6[%dma_start3A_310, %dma_start3A_311] : memref<144x128xi32, #tpu.memory_space<vmem>> -> memref<16x128xi32, #tpu.memory_space<vmem>>
      %dma_start3A_313 = arith.constant 0 : i32
      %dma_start3A_314 = tpu.memref_slice %arg3[%mul3A_307, %dma_start3A_313] : memref<4608x128xi32, #tpu.memory_space<hbm>> -> memref<16x128xi32, #tpu.memory_space<hbm>>
      %dma_start3A_315 = arith.constant 0 : i32
      %dma_start3A_316 = arith.constant 0 : i32
      %dma_start3A_317 = tpu.memref_slice %arg6[%dma_start3A_315, %dma_start3A_316] : memref<144x128xi32, #tpu.memory_space<vmem>> -> memref<16x128xi32, #tpu.memory_space<vmem>>
      %dma_start3A_318 = arith.constant 0 : i32
      %dma_start3A_319 = tpu.memref_slice %arg3[%mul3A_307, %dma_start3A_318] : memref<4608x128xi32, #tpu.memory_space<hbm>> -> memref<16x128xi32, #tpu.memory_space<hbm>>
      tpu.enqueue_dma source(%dma_start3A_319 : memref<16x128xi32, #tpu.memory_space<hbm>>) target(%dma_start3A_317 : memref<16x128xi32, #tpu.memory_space<vmem>>) target_semaphore(%arg14 : memref<!tpu.dma_semaphore, #tpu.memory_space<semaphore_mem>>)
      %dma_start3A_320 = arith.constant 0 : i32
      %dma_start3A_321 = arith.constant 0 : i32
      %dma_start3A_322 = tpu.memref_slice %arg7[%dma_start3A_320, %dma_start3A_321] : memref<144x128xi32, #tpu.memory_space<vmem>> -> memref<16x128xi32, #tpu.memory_space<vmem>>
      %dma_start3A_323 = arith.constant 0 : i32
      %dma_start3A_324 = tpu.memref_slice %arg4[%mul3A_309, %dma_start3A_323] : memref<4608x128xi32, #tpu.memory_space<hbm>> -> memref<16x128xi32, #tpu.memory_space<hbm>>
      %dma_start3A_325 = arith.constant 0 : i32
      %dma_start3A_326 = arith.constant 0 : i32
      %dma_start3A_327 = tpu.memref_slice %arg7[%dma_start3A_325, %dma_start3A_326] : memref<144x128xi32, #tpu.memory_space<vmem>> -> memref<16x128xi32, #tpu.memory_space<vmem>>
      %dma_start3A_328 = arith.constant 0 : i32
      %dma_start3A_329 = tpu.memref_slice %arg4[%mul3A_309, %dma_start3A_328] : memref<4608x128xi32, #tpu.memory_space<hbm>> -> memref<16x128xi32, #tpu.memory_space<hbm>>
      tpu.enqueue_dma source(%dma_start3A_329 : memref<16x128xi32, #tpu.memory_space<hbm>>) target(%dma_start3A_327 : memref<16x128xi32, #tpu.memory_space<vmem>>) target_semaphore(%arg15 : memref<!tpu.dma_semaphore, #tpu.memory_space<semaphore_mem>>)
    } else {
    }
    %broadcast_in_dim3A = arith.constant 0.000000e+00 : f32
    %broadcast_in_dim3A_10 = vector.broadcast %broadcast_in_dim3A : f32 to vector<16xf32>
    %scan3A = arith.constant 0 : i32
    %scan3A_11 = arith.constant 0 : i32
    %scan3A_12 = arith.constant 128 : i32
    %scan3A_13 = arith.addi %scan3A_11, %scan3A_12 : i32
    %scan3A_14 = arith.constant 1 : i32
    scf.for %scan3A_306 = %scan3A_11 to %scan3A_13 step %scan3A_14  : i32 {
      %swap3A = arith.index_cast %scan3A_306 : i32 to index
      %swap3A_307 = arith.constant 0 : index
      %swap3A_308 = tpu.vector_load %arg8[%swap3A, %swap3A_307] {strides = array<i32>} : memref<128x64xf32, #tpu.memory_space<vmem>>, vector<1x16xf32>,
      %swap3A_309 = vector.shape_cast %swap3A_308 : vector<1x16xf32> to vector<16xf32>
      %swap3A_310 = vector.shape_cast %broadcast_in_dim3A_10 : vector<16xf32> to vector<1x16xf32>
      tpu.vector_store %arg8[%swap3A, %swap3A_307], %swap3A_310 {strides = array<i32>} : memref<128x64xf32, #tpu.memory_space<vmem>>, vector<1x16xf32>,
      %swap3A_311 = arith.index_cast %scan3A_306 : i32 to index
      %swap3A_312 = arith.constant 16 : index
      %swap3A_313 = tpu.vector_load %arg8[%swap3A_311, %swap3A_312] {strides = array<i32>} : memref<128x64xf32, #tpu.memory_space<vmem>>, vector<1x16xf32>,
      %swap3A_314 = vector.shape_cast %swap3A_313 : vector<1x16xf32> to vector<16xf32>
      %swap3A_315 = vector.shape_cast %broadcast_in_dim3A_10 : vector<16xf32> to vector<1x16xf32>
      tpu.vector_store %arg8[%swap3A_311, %swap3A_312], %swap3A_315 {strides = array<i32>} : memref<128x64xf32, #tpu.memory_space<vmem>>, vector<1x16xf32>,
      %swap3A_316 = arith.index_cast %scan3A_306 : i32 to index
      %swap3A_317 = arith.constant 32 : index
      %swap3A_318 = tpu.vector_load %arg8[%swap3A_316, %swap3A_317] {strides = array<i32>} : memref<128x64xf32, #tpu.memory_space<vmem>>, vector<1x16xf32>,
      %swap3A_319 = vector.shape_cast %swap3A_318 : vector<1x16xf32> to vector<16xf32>
      %swap3A_320 = vector.shape_cast %broadcast_in_dim3A_10 : vector<16xf32> to vector<1x16xf32>
      tpu.vector_store %arg8[%swap3A_316, %swap3A_317], %swap3A_320 {strides = array<i32>} : memref<128x64xf32, #tpu.memory_space<vmem>>, vector<1x16xf32>,
      %swap3A_321 = arith.index_cast %scan3A_306 : i32 to index
      %swap3A_322 = arith.constant 48 : index
      %swap3A_323 = tpu.vector_load %arg8[%swap3A_321, %swap3A_322] {strides = array<i32>} : memref<128x64xf32, #tpu.memory_space<vmem>>, vector<1x16xf32>,
      %swap3A_324 = vector.shape_cast %swap3A_323 : vector<1x16xf32> to vector<16xf32>
      %swap3A_325 = vector.shape_cast %broadcast_in_dim3A_10 : vector<16xf32> to vector<1x16xf32>
      tpu.vector_store %arg8[%swap3A_321, %swap3A_322], %swap3A_325 {strides = array<i32>} : memref<128x64xf32, #tpu.memory_space<vmem>>, vector<1x16xf32>,
    }
    %scan3A_15 = arith.constant 128 : i32
    %mul3A_16 = arith.constant 640 : i32
    %mul3A_17 = arith.muli %arg1, %mul3A_16 : i32
    %add3A_18 = arith.constant 0 : i32
    %add3A_19 = arith.addi %mul3A_17, %add3A_18 : i32
    "tpu.region"() ({
      %run_scoped3A = tpu.sem_alloc : memref<!tpu.dma_semaphore, #tpu.memory_space<semaphore_mem>>
      %dma_start3A_306 = arith.constant 0 : i32
      %dma_start3A_307 = tpu.memref_slice %arg12[%add3A_19, %dma_start3A_306] : memref<10240x64xf32, #tpu.memory_space<vmem_shared>> -> memref<128x64xf32, #tpu.memory_space<vmem_shared>>
      %dma_start3A_308 = arith.constant 0 : i32
      %dma_start3A_309 = tpu.memref_slice %arg12[%add3A_19, %dma_start3A_308] : memref<10240x64xf32, #tpu.memory_space<vmem_shared>> -> memref<128x64xf32, #tpu.memory_space<vmem_shared>>
      tpu.enqueue_dma source(%arg8 : memref<128x64xf32, #tpu.memory_space<vmem>>) target(%dma_start3A_309 : memref<128x64xf32, #tpu.memory_space<vmem_shared>>) target_semaphore(%run_scoped3A : memref<!tpu.dma_semaphore, #tpu.memory_space<semaphore_mem>>)
      %dma_wait3A_310 = arith.constant 0 : i32
      %dma_wait3A_311 = tpu.memref_slice %arg12[%add3A_19, %dma_wait3A_310] : memref<10240x64xf32, #tpu.memory_space<vmem_shared>> -> memref<128x64xf32, #tpu.memory_space<vmem_shared>>
      %dma_wait3A_312 = arith.constant 0 : i32
      %dma_wait3A_313 = tpu.memref_slice %arg12[%add3A_19, %dma_wait3A_312] : memref<10240x64xf32, #tpu.memory_space<vmem_shared>> -> memref<128x64xf32, #tpu.memory_space<vmem_shared>>
      tpu.wait_dma2 semaphore(%run_scoped3A : memref<!tpu.dma_semaphore, #tpu.memory_space<semaphore_mem>>) src(%arg8 : memref<128x64xf32, #tpu.memory_space<vmem>>) dst(%dma_wait3A_313 : memref<128x64xf32, #tpu.memory_space<vmem_shared>>)
      tpu.yield
    }) : () -> ()
    %mul3A_20 = arith.constant 640 : i32
    %mul3A_21 = arith.muli %arg1, %mul3A_20 : i32
    %add3A_22 = arith.constant 128 : i32
    %add3A_23 = arith.addi %mul3A_21, %add3A_22 : i32
    "tpu.region"() ({
      %run_scoped3A = tpu.sem_alloc : memref<!tpu.dma_semaphore, #tpu.memory_space<semaphore_mem>>
      %dma_start3A_306 = arith.constant 0 : i32
      %dma_start3A_307 = tpu.memref_slice %arg12[%add3A_23, %dma_start3A_306] : memref<10240x64xf32, #tpu.memory_space<vmem_shared>> -> memref<128x64xf32, #tpu.memory_space<vmem_shared>>
      %dma_start3A_308 = arith.constant 0 : i32
      %dma_start3A_309 = tpu.memref_slice %arg12[%add3A_23, %dma_start3A_308] : memref<10240x64xf32, #tpu.memory_space<vmem_shared>> -> memref<128x64xf32, #tpu.memory_space<vmem_shared>>
      tpu.enqueue_dma source(%arg8 : memref<128x64xf32, #tpu.memory_space<vmem>>) target(%dma_start3A_309 : memref<128x64xf32, #tpu.memory_space<vmem_shared>>) target_semaphore(%run_scoped3A : memref<!tpu.dma_semaphore, #tpu.memory_space<semaphore_mem>>)
      %dma_wait3A_310 = arith.constant 0 : i32
      %dma_wait3A_311 = tpu.memref_slice %arg12[%add3A_23, %dma_wait3A_310] : memref<10240x64xf32, #tpu.memory_space<vmem_shared>> -> memref<128x64xf32, #tpu.memory_space<vmem_shared>>
      %dma_wait3A_312 = arith.constant 0 : i32
      %dma_wait3A_313 = tpu.memref_slice %arg12[%add3A_23, %dma_wait3A_312] : memref<10240x64xf32, #tpu.memory_space<vmem_shared>> -> memref<128x64xf32, #tpu.memory_space<vmem_shared>>
      tpu.wait_dma2 semaphore(%run_scoped3A : memref<!tpu.dma_semaphore, #tpu.memory_space<semaphore_mem>>) src(%arg8 : memref<128x64xf32, #tpu.memory_space<vmem>>) dst(%dma_wait3A_313 : memref<128x64xf32, #tpu.memory_space<vmem_shared>>)
      tpu.yield
    }) : () -> ()
    %mul3A_24 = arith.constant 640 : i32
    %mul3A_25 = arith.muli %arg1, %mul3A_24 : i32
    %add3A_26 = arith.constant 256 : i32
    %add3A_27 = arith.addi %mul3A_25, %add3A_26 : i32
    "tpu.region"() ({
      %run_scoped3A = tpu.sem_alloc : memref<!tpu.dma_semaphore, #tpu.memory_space<semaphore_mem>>
      %dma_start3A_306 = arith.constant 0 : i32
      %dma_start3A_307 = tpu.memref_slice %arg12[%add3A_27, %dma_start3A_306] : memref<10240x64xf32, #tpu.memory_space<vmem_shared>> -> memref<128x64xf32, #tpu.memory_space<vmem_shared>>
      %dma_start3A_308 = arith.constant 0 : i32
      %dma_start3A_309 = tpu.memref_slice %arg12[%add3A_27, %dma_start3A_308] : memref<10240x64xf32, #tpu.memory_space<vmem_shared>> -> memref<128x64xf32, #tpu.memory_space<vmem_shared>>
      tpu.enqueue_dma source(%arg8 : memref<128x64xf32, #tpu.memory_space<vmem>>) target(%dma_start3A_309 : memref<128x64xf32, #tpu.memory_space<vmem_shared>>) target_semaphore(%run_scoped3A : memref<!tpu.dma_semaphore, #tpu.memory_space<semaphore_mem>>)
      %dma_wait3A_310 = arith.constant 0 : i32
      %dma_wait3A_311 = tpu.memref_slice %arg12[%add3A_27, %dma_wait3A_310] : memref<10240x64xf32, #tpu.memory_space<vmem_shared>> -> memref<128x64xf32, #tpu.memory_space<vmem_shared>>
      %dma_wait3A_312 = arith.constant 0 : i32
      %dma_wait3A_313 = tpu.memref_slice %arg12[%add3A_27, %dma_wait3A_312] : memref<10240x64xf32, #tpu.memory_space<vmem_shared>> -> memref<128x64xf32, #tpu.memory_space<vmem_shared>>
      tpu.wait_dma2 semaphore(%run_scoped3A : memref<!tpu.dma_semaphore, #tpu.memory_space<semaphore_mem>>) src(%arg8 : memref<128x64xf32, #tpu.memory_space<vmem>>) dst(%dma_wait3A_313 : memref<128x64xf32, #tpu.memory_space<vmem_shared>>)
      tpu.yield
    }) : () -> ()
    %mul3A_28 = arith.constant 640 : i32
    %mul3A_29 = arith.muli %arg1, %mul3A_28 : i32
    %add3A_30 = arith.constant 384 : i32
    %add3A_31 = arith.addi %mul3A_29, %add3A_30 : i32
    "tpu.region"() ({
      %run_scoped3A = tpu.sem_alloc : memref<!tpu.dma_semaphore, #tpu.memory_space<semaphore_mem>>
      %dma_start3A_306 = arith.constant 0 : i32
      %dma_start3A_307 = tpu.memref_slice %arg12[%add3A_31, %dma_start3A_306] : memref<10240x64xf32, #tpu.memory_space<vmem_shared>> -> memref<128x64xf32, #tpu.memory_space<vmem_shared>>
      %dma_start3A_308 = arith.constant 0 : i32
      %dma_start3A_309 = tpu.memref_slice %arg12[%add3A_31, %dma_start3A_308] : memref<10240x64xf32, #tpu.memory_space<vmem_shared>> -> memref<128x64xf32, #tpu.memory_space<vmem_shared>>
      tpu.enqueue_dma source(%arg8 : memref<128x64xf32, #tpu.memory_space<vmem>>) target(%dma_start3A_309 : memref<128x64xf32, #tpu.memory_space<vmem_shared>>) target_semaphore(%run_scoped3A : memref<!tpu.dma_semaphore, #tpu.memory_space<semaphore_mem>>)
      %dma_wait3A_310 = arith.constant 0 : i32
      %dma_wait3A_311 = tpu.memref_slice %arg12[%add3A_31, %dma_wait3A_310] : memref<10240x64xf32, #tpu.memory_space<vmem_shared>> -> memref<128x64xf32, #tpu.memory_space<vmem_shared>>
      %dma_wait3A_312 = arith.constant 0 : i32
      %dma_wait3A_313 = tpu.memref_slice %arg12[%add3A_31, %dma_wait3A_312] : memref<10240x64xf32, #tpu.memory_space<vmem_shared>> -> memref<128x64xf32, #tpu.memory_space<vmem_shared>>
      tpu.wait_dma2 semaphore(%run_scoped3A : memref<!tpu.dma_semaphore, #tpu.memory_space<semaphore_mem>>) src(%arg8 : memref<128x64xf32, #tpu.memory_space<vmem>>) dst(%dma_wait3A_313 : memref<128x64xf32, #tpu.memory_space<vmem_shared>>)
      tpu.yield
    }) : () -> ()
    %mul3A_32 = arith.constant 640 : i32
    %mul3A_33 = arith.muli %arg1, %mul3A_32 : i32
    %add3A_34 = arith.constant 512 : i32
    %add3A_35 = arith.addi %mul3A_33, %add3A_34 : i32
    "tpu.region"() ({
      %run_scoped3A = tpu.sem_alloc : memref<!tpu.dma_semaphore, #tpu.memory_space<semaphore_mem>>
      %dma_start3A_306 = arith.constant 0 : i32
      %dma_start3A_307 = tpu.memref_slice %arg12[%add3A_35, %dma_start3A_306] : memref<10240x64xf32, #tpu.memory_space<vmem_shared>> -> memref<128x64xf32, #tpu.memory_space<vmem_shared>>
      %dma_start3A_308 = arith.constant 0 : i32
      %dma_start3A_309 = tpu.memref_slice %arg12[%add3A_35, %dma_start3A_308] : memref<10240x64xf32, #tpu.memory_space<vmem_shared>> -> memref<128x64xf32, #tpu.memory_space<vmem_shared>>
      tpu.enqueue_dma source(%arg8 : memref<128x64xf32, #tpu.memory_space<vmem>>) target(%dma_start3A_309 : memref<128x64xf32, #tpu.memory_space<vmem_shared>>) target_semaphore(%run_scoped3A : memref<!tpu.dma_semaphore, #tpu.memory_space<semaphore_mem>>)
      %dma_wait3A_310 = arith.constant 0 : i32
      %dma_wait3A_311 = tpu.memref_slice %arg12[%add3A_35, %dma_wait3A_310] : memref<10240x64xf32, #tpu.memory_space<vmem_shared>> -> memref<128x64xf32, #tpu.memory_space<vmem_shared>>
      %dma_wait3A_312 = arith.constant 0 : i32
      %dma_wait3A_313 = tpu.memref_slice %arg12[%add3A_35, %dma_wait3A_312] : memref<10240x64xf32, #tpu.memory_space<vmem_shared>> -> memref<128x64xf32, #tpu.memory_space<vmem_shared>>
      tpu.wait_dma2 semaphore(%run_scoped3A : memref<!tpu.dma_semaphore, #tpu.memory_space<semaphore_mem>>) src(%arg8 : memref<128x64xf32, #tpu.memory_space<vmem>>) dst(%dma_wait3A_313 : memref<128x64xf32, #tpu.memory_space<vmem_shared>>)
      tpu.yield
    }) : () -> ()
    %eq3A_36 = arith.constant 0 : i32
    %eq3A_37 = arith.cmpi eq, %arg0, %eq3A_36 : i32
    %convert_element_type3A_38 = arith.extui %eq3A_37 : i1 to i32
    %cond3A_39 = arith.constant 0 : i32
    %cond3A_40 = arith.cmpi ne, %convert_element_type3A_38, %cond3A_39 : i32
    scf.if %cond3A_40 {
      %mul3A_306 = arith.constant 144 : i32
      %mul3A_307 = arith.muli %add3A, %mul3A_306 : i32
      %mul3A_308 = arith.constant 144 : i32
      %mul3A_309 = arith.muli %add3A, %mul3A_308 : i32
      %dma_wait3A_310 = arith.constant 0 : i32
      %dma_wait3A_311 = arith.constant 0 : i32
      %dma_wait3A_312 = tpu.memref_slice %arg6[%dma_wait3A_310, %dma_wait3A_311] : memref<144x128xi32, #tpu.memory_space<vmem>> -> memref<144x128xi32, #tpu.memory_space<vmem>>
      %dma_wait3A_313 = arith.constant 0 : i32
      %dma_wait3A_314 = tpu.memref_slice %arg3[%mul3A_307, %dma_wait3A_313] : memref<4608x128xi32, #tpu.memory_space<hbm>> -> memref<144x128xi32, #tpu.memory_space<hbm>>
      %dma_wait3A_315 = arith.constant 0 : i32
      %dma_wait3A_316 = arith.constant 0 : i32
      %dma_wait3A_317 = tpu.memref_slice %arg6[%dma_wait3A_315, %dma_wait3A_316] : memref<144x128xi32, #tpu.memory_space<vmem>> -> memref<144x128xi32, #tpu.memory_space<vmem>>
      %dma_wait3A_318 = arith.constant 0 : i32
      %dma_wait3A_319 = tpu.memref_slice %arg3[%mul3A_307, %dma_wait3A_318] : memref<4608x128xi32, #tpu.memory_space<hbm>> -> memref<144x128xi32, #tpu.memory_space<hbm>>
      tpu.wait_dma2 semaphore(%arg14 : memref<!tpu.dma_semaphore, #tpu.memory_space<semaphore_mem>>) src(%dma_wait3A_319 : memref<144x128xi32, #tpu.memory_space<hbm>>) dst(%dma_wait3A_317 : memref<144x128xi32, #tpu.memory_space<vmem>>)
      %dma_wait3A_320 = arith.constant 0 : i32
      %dma_wait3A_321 = arith.constant 0 : i32
      %dma_wait3A_322 = tpu.memref_slice %arg7[%dma_wait3A_320, %dma_wait3A_321] : memref<144x128xi32, #tpu.memory_space<vmem>> -> memref<144x128xi32, #tpu.memory_space<vmem>>
      %dma_wait3A_323 = arith.constant 0 : i32
      %dma_wait3A_324 = tpu.memref_slice %arg4[%mul3A_309, %dma_wait3A_323] : memref<4608x128xi32, #tpu.memory_space<hbm>> -> memref<144x128xi32, #tpu.memory_space<hbm>>
      %dma_wait3A_325 = arith.constant 0 : i32
      %dma_wait3A_326 = arith.constant 0 : i32
      %dma_wait3A_327 = tpu.memref_slice %arg7[%dma_wait3A_325, %dma_wait3A_326] : memref<144x128xi32, #tpu.memory_space<vmem>> -> memref<144x128xi32, #tpu.memory_space<vmem>>
      %dma_wait3A_328 = arith.constant 0 : i32
      %dma_wait3A_329 = tpu.memref_slice %arg4[%mul3A_309, %dma_wait3A_328] : memref<4608x128xi32, #tpu.memory_space<hbm>> -> memref<144x128xi32, #tpu.memory_space<hbm>>
      tpu.wait_dma2 semaphore(%arg15 : memref<!tpu.dma_semaphore, #tpu.memory_space<semaphore_mem>>) src(%dma_wait3A_329 : memref<144x128xi32, #tpu.memory_space<hbm>>) dst(%dma_wait3A_327 : memref<144x128xi32, #tpu.memory_space<vmem>>)
    } else {
    }
    %ne3A_41 = arith.constant 0 : i32
    %ne3A_42 = arith.cmpi ne, %arg0, %ne3A_41 : i32
    %convert_element_type3A_43 = arith.extui %ne3A_42 : i1 to i32
    %cond3A_44 = arith.constant 0 : i32
    %cond3A_45 = arith.cmpi ne, %convert_element_type3A_43, %cond3A_44 : i32
    scf.if %cond3A_45 {
      %mul3A_306 = arith.constant 144 : i32
      %mul3A_307 = arith.muli %add3A, %mul3A_306 : i32
      %mul3A_308 = arith.constant 144 : i32
      %mul3A_309 = arith.muli %add3A, %mul3A_308 : i32
      %dma_wait3A_310 = arith.constant 0 : i32
      %dma_wait3A_311 = arith.constant 0 : i32
      %dma_wait3A_312 = tpu.memref_slice %arg6[%dma_wait3A_310, %dma_wait3A_311] : memref<144x128xi32, #tpu.memory_space<vmem>> -> memref<16x128xi32, #tpu.memory_space<vmem>>
      %dma_wait3A_313 = arith.constant 0 : i32
      %dma_wait3A_314 = tpu.memref_slice %arg3[%mul3A_307, %dma_wait3A_313] : memref<4608x128xi32, #tpu.memory_space<hbm>> -> memref<16x128xi32, #tpu.memory_space<hbm>>
      %dma_wait3A_315 = arith.constant 0 : i32
      %dma_wait3A_316 = arith.constant 0 : i32
      %dma_wait3A_317 = tpu.memref_slice %arg6[%dma_wait3A_315, %dma_wait3A_316] : memref<144x128xi32, #tpu.memory_space<vmem>> -> memref<16x128xi32, #tpu.memory_space<vmem>>
      %dma_wait3A_318 = arith.constant 0 : i32
      %dma_wait3A_319 = tpu.memref_slice %arg3[%mul3A_307, %dma_wait3A_318] : memref<4608x128xi32, #tpu.memory_space<hbm>> -> memref<16x128xi32, #tpu.memory_space<hbm>>
      tpu.wait_dma2 semaphore(%arg14 : memref<!tpu.dma_semaphore, #tpu.memory_space<semaphore_mem>>) src(%dma_wait3A_319 : memref<16x128xi32, #tpu.memory_space<hbm>>) dst(%dma_wait3A_317 : memref<16x128xi32, #tpu.memory_space<vmem>>)
      %dma_wait3A_320 = arith.constant 0 : i32
      %dma_wait3A_321 = arith.constant 0 : i32
      %dma_wait3A_322 = tpu.memref_slice %arg7[%dma_wait3A_320, %dma_wait3A_321] : memref<144x128xi32, #tpu.memory_space<vmem>> -> memref<16x128xi32, #tpu.memory_space<vmem>>
      %dma_wait3A_323 = arith.constant 0 : i32
      %dma_wait3A_324 = tpu.memref_slice %arg4[%mul3A_309, %dma_wait3A_323] : memref<4608x128xi32, #tpu.memory_space<hbm>> -> memref<16x128xi32, #tpu.memory_space<hbm>>
      %dma_wait3A_325 = arith.constant 0 : i32
      %dma_wait3A_326 = arith.constant 0 : i32
      %dma_wait3A_327 = tpu.memref_slice %arg7[%dma_wait3A_325, %dma_wait3A_326] : memref<144x128xi32, #tpu.memory_space<vmem>> -> memref<16x128xi32, #tpu.memory_space<vmem>>
      %dma_wait3A_328 = arith.constant 0 : i32
      %dma_wait3A_329 = tpu.memref_slice %arg4[%mul3A_309, %dma_wait3A_328] : memref<4608x128xi32, #tpu.memory_space<hbm>> -> memref<16x128xi32, #tpu.memory_space<hbm>>
      tpu.wait_dma2 semaphore(%arg15 : memref<!tpu.dma_semaphore, #tpu.memory_space<semaphore_mem>>) src(%dma_wait3A_329 : memref<16x128xi32, #tpu.memory_space<hbm>>) dst(%dma_wait3A_327 : memref<16x128xi32, #tpu.memory_space<vmem>>)
    } else {
    }
    %barrier3A = arith.constant 0 : index
    tpu.barrier barrier_id(%barrier3A)
    %dma_start3A = arith.constant 0 : i32
    %dma_start3A_46 = arith.constant 0 : i32
    %dma_start3A_47 = tpu.memref_slice %arg6[%dma_start3A, %dma_start3A_46] : memref<144x128xi32, #tpu.memory_space<vmem>> -> memref<1x128xi32, #tpu.memory_space<vmem>>
    %dma_start3A_48 = tpu.memref_squeeze %dma_start3A_47 : memref<1x128xi32, #tpu.memory_space<vmem>> -> memref<128xi32, #tpu.memory_space<vmem>>
    %dma_start3A_49 = arith.constant 0 : i32
    %dma_start3A_50 = arith.constant 0 : i32
    %dma_start3A_51 = tpu.memref_slice %arg2[%dma_start3A_49, %dma_start3A_50] : memref<10000x64xf32, #tpu.memory_space<hbm>> -> memref<10000x64xf32, #tpu.memory_space<hbm>>
    tpu.enqueue_indirect_dma source(%dma_start3A_51 : memref<10000x64xf32, #tpu.memory_space<hbm>>) target(%arg8 : memref<128x64xf32, #tpu.memory_space<vmem>>) offsets(%dma_start3A_48 : memref<128xi32, #tpu.memory_space<vmem>>) semaphore(%arg13 : memref<!tpu.dma_semaphore, #tpu.memory_space<semaphore_mem>>)
    %dma_start3A_52 = arith.constant 1 : i32
    %dma_start3A_53 = arith.constant 0 : i32
    %dma_start3A_54 = tpu.memref_slice %arg6[%dma_start3A_52, %dma_start3A_53] : memref<144x128xi32, #tpu.memory_space<vmem>> -> memref<1x128xi32, #tpu.memory_space<vmem>>
    %dma_start3A_55 = tpu.memref_squeeze %dma_start3A_54 : memref<1x128xi32, #tpu.memory_space<vmem>> -> memref<128xi32, #tpu.memory_space<vmem>>
    %dma_start3A_56 = arith.constant 0 : i32
    %dma_start3A_57 = arith.constant 0 : i32
    %dma_start3A_58 = tpu.memref_slice %arg2[%dma_start3A_56, %dma_start3A_57] : memref<10000x64xf32, #tpu.memory_space<hbm>> -> memref<10000x64xf32, #tpu.memory_space<hbm>>
    tpu.enqueue_indirect_dma source(%dma_start3A_58 : memref<10000x64xf32, #tpu.memory_space<hbm>>) target(%arg9 : memref<128x64xf32, #tpu.memory_space<vmem>>) offsets(%dma_start3A_55 : memref<128xi32, #tpu.memory_space<vmem>>) semaphore(%arg14 : memref<!tpu.dma_semaphore, #tpu.memory_space<semaphore_mem>>)
    %dma_wait3A = arith.constant 0 : i32
    %dma_wait3A_59 = arith.constant 0 : i32
    %dma_wait3A_60 = tpu.memref_slice %arg6[%dma_wait3A, %dma_wait3A_59] : memref<144x128xi32, #tpu.memory_space<vmem>> -> memref<1x128xi32, #tpu.memory_space<vmem>>
    %dma_wait3A_61 = tpu.memref_squeeze %dma_wait3A_60 : memref<1x128xi32, #tpu.memory_space<vmem>> -> memref<128xi32, #tpu.memory_space<vmem>>
    %dma_wait3A_62 = arith.constant 0 : i32
    %dma_wait3A_63 = arith.constant 0 : i32
    %dma_wait3A_64 = tpu.memref_slice %arg2[%dma_wait3A_62, %dma_wait3A_63] : memref<10000x64xf32, #tpu.memory_space<hbm>> -> memref<10000x64xf32, #tpu.memory_space<hbm>>
    tpu.wait_indirect_dma semaphore(%arg13 : memref<!tpu.dma_semaphore, #tpu.memory_space<semaphore_mem>>) src(%dma_wait3A_64 : memref<10000x64xf32, #tpu.memory_space<hbm>>) dst(%arg8 : memref<128x64xf32, #tpu.memory_space<vmem>>)
    %dma_start3A_65 = arith.constant 0 : i32
    %dma_start3A_66 = arith.constant 0 : i32
    %dma_start3A_67 = tpu.memref_slice %arg7[%dma_start3A_65, %dma_start3A_66] : memref<144x128xi32, #tpu.memory_space<vmem>> -> memref<1x128xi32, #tpu.memory_space<vmem>>
    %dma_start3A_68 = tpu.memref_squeeze %dma_start3A_67 : memref<1x128xi32, #tpu.memory_space<vmem>> -> memref<128xi32, #tpu.memory_space<vmem>>
    %dma_start3A_69 = arith.constant 0 : i32
    %dma_start3A_70 = arith.constant 0 : i32
    %dma_start3A_71 = tpu.memref_slice %arg12[%dma_start3A_69, %dma_start3A_70] : memref<10240x64xf32, #tpu.memory_space<vmem_shared>> -> memref<10240x64xf32, #tpu.memory_space<vmem_shared>>
    tpu.enqueue_indirect_dma source(%arg8 : memref<128x64xf32, #tpu.memory_space<vmem>>) target(%dma_start3A_71 : memref<10240x64xf32, #tpu.memory_space<vmem_shared>>) offsets(%dma_start3A_68 : memref<128xi32, #tpu.memory_space<vmem>>) semaphore(%arg17 : memref<!tpu.dma_semaphore, #tpu.memory_space<semaphore_mem>>) {add = true}
    %dma_start3A_72 = arith.constant 2 : i32
    %dma_start3A_73 = arith.constant 0 : i32
    %dma_start3A_74 = tpu.memref_slice %arg6[%dma_start3A_72, %dma_start3A_73] : memref<144x128xi32, #tpu.memory_space<vmem>> -> memref<1x128xi32, #tpu.memory_space<vmem>>
    %dma_start3A_75 = tpu.memref_squeeze %dma_start3A_74 : memref<1x128xi32, #tpu.memory_space<vmem>> -> memref<128xi32, #tpu.memory_space<vmem>>
    %dma_start3A_76 = arith.constant 0 : i32
    %dma_start3A_77 = arith.constant 0 : i32
    %dma_start3A_78 = tpu.memref_slice %arg2[%dma_start3A_76, %dma_start3A_77] : memref<10000x64xf32, #tpu.memory_space<hbm>> -> memref<10000x64xf32, #tpu.memory_space<hbm>>
    tpu.enqueue_indirect_dma source(%dma_start3A_78 : memref<10000x64xf32, #tpu.memory_space<hbm>>) target(%arg10 : memref<128x64xf32, #tpu.memory_space<vmem>>) offsets(%dma_start3A_75 : memref<128xi32, #tpu.memory_space<vmem>>) semaphore(%arg15 : memref<!tpu.dma_semaphore, #tpu.memory_space<semaphore_mem>>)
    %dma_wait3A_79 = arith.constant 1 : i32
    %dma_wait3A_80 = arith.constant 0 : i32
    %dma_wait3A_81 = tpu.memref_slice %arg6[%dma_wait3A_79, %dma_wait3A_80] : memref<144x128xi32, #tpu.memory_space<vmem>> -> memref<1x128xi32, #tpu.memory_space<vmem>>
    %dma_wait3A_82 = tpu.memref_squeeze %dma_wait3A_81 : memref<1x128xi32, #tpu.memory_space<vmem>> -> memref<128xi32, #tpu.memory_space<vmem>>
    %dma_wait3A_83 = arith.constant 0 : i32
    %dma_wait3A_84 = arith.constant 0 : i32
    %dma_wait3A_85 = tpu.memref_slice %arg2[%dma_wait3A_83, %dma_wait3A_84] : memref<10000x64xf32, #tpu.memory_space<hbm>> -> memref<10000x64xf32, #tpu.memory_space<hbm>>
    tpu.wait_indirect_dma semaphore(%arg14 : memref<!tpu.dma_semaphore, #tpu.memory_space<semaphore_mem>>) src(%dma_wait3A_85 : memref<10000x64xf32, #tpu.memory_space<hbm>>) dst(%arg9 : memref<128x64xf32, #tpu.memory_space<vmem>>)
    %dma_start3A_86 = arith.constant 1 : i32
    %dma_start3A_87 = arith.constant 0 : i32
    %dma_start3A_88 = tpu.memref_slice %arg7[%dma_start3A_86, %dma_start3A_87] : memref<144x128xi32, #tpu.memory_space<vmem>> -> memref<1x128xi32, #tpu.memory_space<vmem>>
    %dma_start3A_89 = tpu.memref_squeeze %dma_start3A_88 : memref<1x128xi32, #tpu.memory_space<vmem>> -> memref<128xi32, #tpu.memory_space<vmem>>
    %dma_start3A_90 = arith.constant 0 : i32
    %dma_start3A_91 = arith.constant 0 : i32
    %dma_start3A_92 = tpu.memref_slice %arg12[%dma_start3A_90, %dma_start3A_91] : memref<10240x64xf32, #tpu.memory_space<vmem_shared>> -> memref<10240x64xf32, #tpu.memory_space<vmem_shared>>
    tpu.enqueue_indirect_dma source(%arg9 : memref<128x64xf32, #tpu.memory_space<vmem>>) target(%dma_start3A_92 : memref<10240x64xf32, #tpu.memory_space<vmem_shared>>) offsets(%dma_start3A_89 : memref<128xi32, #tpu.memory_space<vmem>>) semaphore(%arg18 : memref<!tpu.dma_semaphore, #tpu.memory_space<semaphore_mem>>) {add = true}
    %dma_start3A_93 = arith.constant 3 : i32
    %dma_start3A_94 = arith.constant 0 : i32
    %dma_start3A_95 = tpu.memref_slice %arg6[%dma_start3A_93, %dma_start3A_94] : memref<144x128xi32, #tpu.memory_space<vmem>> -> memref<1x128xi32, #tpu.memory_space<vmem>>
    %dma_start3A_96 = tpu.memref_squeeze %dma_start3A_95 : memref<1x128xi32, #tpu.memory_space<vmem>> -> memref<128xi32, #tpu.memory_space<vmem>>
    %dma_start3A_97 = arith.constant 0 : i32
    %dma_start3A_98 = arith.constant 0 : i32
    %dma_start3A_99 = tpu.memref_slice %arg2[%dma_start3A_97, %dma_start3A_98] : memref<10000x64xf32, #tpu.memory_space<hbm>> -> memref<10000x64xf32, #tpu.memory_space<hbm>>
    tpu.enqueue_indirect_dma source(%dma_start3A_99 : memref<10000x64xf32, #tpu.memory_space<hbm>>) target(%arg11 : memref<128x64xf32, #tpu.memory_space<vmem>>) offsets(%dma_start3A_96 : memref<128xi32, #tpu.memory_space<vmem>>) semaphore(%arg16 : memref<!tpu.dma_semaphore, #tpu.memory_space<semaphore_mem>>)
    %dma_wait3A_100 = arith.constant 2 : i32
    %dma_wait3A_101 = arith.constant 0 : i32
    %dma_wait3A_102 = tpu.memref_slice %arg6[%dma_wait3A_100, %dma_wait3A_101] : memref<144x128xi32, #tpu.memory_space<vmem>> -> memref<1x128xi32, #tpu.memory_space<vmem>>
    %dma_wait3A_103 = tpu.memref_squeeze %dma_wait3A_102 : memref<1x128xi32, #tpu.memory_space<vmem>> -> memref<128xi32, #tpu.memory_space<vmem>>
    %dma_wait3A_104 = arith.constant 0 : i32
    %dma_wait3A_105 = arith.constant 0 : i32
    %dma_wait3A_106 = tpu.memref_slice %arg2[%dma_wait3A_104, %dma_wait3A_105] : memref<10000x64xf32, #tpu.memory_space<hbm>> -> memref<10000x64xf32, #tpu.memory_space<hbm>>
    tpu.wait_indirect_dma semaphore(%arg15 : memref<!tpu.dma_semaphore, #tpu.memory_space<semaphore_mem>>) src(%dma_wait3A_106 : memref<10000x64xf32, #tpu.memory_space<hbm>>) dst(%arg10 : memref<128x64xf32, #tpu.memory_space<vmem>>)
    %dma_start3A_107 = arith.constant 2 : i32
    %dma_start3A_108 = arith.constant 0 : i32
    %dma_start3A_109 = tpu.memref_slice %arg7[%dma_start3A_107, %dma_start3A_108] : memref<144x128xi32, #tpu.memory_space<vmem>> -> memref<1x128xi32, #tpu.memory_space<vmem>>
    %dma_start3A_110 = tpu.memref_squeeze %dma_start3A_109 : memref<1x128xi32, #tpu.memory_space<vmem>> -> memref<128xi32, #tpu.memory_space<vmem>>
    %dma_start3A_111 = arith.constant 0 : i32
    %dma_start3A_112 = arith.constant 0 : i32
    %dma_start3A_113 = tpu.memref_slice %arg12[%dma_start3A_111, %dma_start3A_112] : memref<10240x64xf32, #tpu.memory_space<vmem_shared>> -> memref<10240x64xf32, #tpu.memory_space<vmem_shared>>
    tpu.enqueue_indirect_dma source(%arg10 : memref<128x64xf32, #tpu.memory_space<vmem>>) target(%dma_start3A_113 : memref<10240x64xf32, #tpu.memory_space<vmem_shared>>) offsets(%dma_start3A_110 : memref<128xi32, #tpu.memory_space<vmem>>) semaphore(%arg19 : memref<!tpu.dma_semaphore, #tpu.memory_space<semaphore_mem>>) {add = true}
    %dma_wait3A_114 = arith.constant 0 : i32
    %dma_wait3A_115 = arith.constant 0 : i32
    %dma_wait3A_116 = tpu.memref_slice %arg7[%dma_wait3A_114, %dma_wait3A_115] : memref<144x128xi32, #tpu.memory_space<vmem>> -> memref<1x128xi32, #tpu.memory_space<vmem>>
    %dma_wait3A_117 = tpu.memref_squeeze %dma_wait3A_116 : memref<1x128xi32, #tpu.memory_space<vmem>> -> memref<128xi32, #tpu.memory_space<vmem>>
    %dma_wait3A_118 = arith.constant 0 : i32
    %dma_wait3A_119 = arith.constant 0 : i32
    %dma_wait3A_120 = tpu.memref_slice %arg12[%dma_wait3A_118, %dma_wait3A_119] : memref<10240x64xf32, #tpu.memory_space<vmem_shared>> -> memref<10240x64xf32, #tpu.memory_space<vmem_shared>>
    tpu.wait_indirect_dma semaphore(%arg17 : memref<!tpu.dma_semaphore, #tpu.memory_space<semaphore_mem>>) src(%arg8 : memref<128x64xf32, #tpu.memory_space<vmem>>) dst(%dma_wait3A_120 : memref<10240x64xf32, #tpu.memory_space<vmem_shared>>)
    %dma_start3A_121 = arith.constant 4 : i32
    %dma_start3A_122 = arith.constant 0 : i32
    %dma_start3A_123 = tpu.memref_slice %arg6[%dma_start3A_121, %dma_start3A_122] : memref<144x128xi32, #tpu.memory_space<vmem>> -> memref<1x128xi32, #tpu.memory_space<vmem>>
    %dma_start3A_124 = tpu.memref_squeeze %dma_start3A_123 : memref<1x128xi32, #tpu.memory_space<vmem>> -> memref<128xi32, #tpu.memory_space<vmem>>
    %dma_start3A_125 = arith.constant 0 : i32
    %dma_start3A_126 = arith.constant 0 : i32
    %dma_start3A_127 = tpu.memref_slice %arg2[%dma_start3A_125, %dma_start3A_126] : memref<10000x64xf32, #tpu.memory_space<hbm>> -> memref<10000x64xf32, #tpu.memory_space<hbm>>
    tpu.enqueue_indirect_dma source(%dma_start3A_127 : memref<10000x64xf32, #tpu.memory_space<hbm>>) target(%arg8 : memref<128x64xf32, #tpu.memory_space<vmem>>) offsets(%dma_start3A_124 : memref<128xi32, #tpu.memory_space<vmem>>) semaphore(%arg13 : memref<!tpu.dma_semaphore, #tpu.memory_space<semaphore_mem>>)
    %dma_wait3A_128 = arith.constant 3 : i32
    %dma_wait3A_129 = arith.constant 0 : i32
    %dma_wait3A_130 = tpu.memref_slice %arg6[%dma_wait3A_128, %dma_wait3A_129] : memref<144x128xi32, #tpu.memory_space<vmem>> -> memref<1x128xi32, #tpu.memory_space<vmem>>
    %dma_wait3A_131 = tpu.memref_squeeze %dma_wait3A_130 : memref<1x128xi32, #tpu.memory_space<vmem>> -> memref<128xi32, #tpu.memory_space<vmem>>
    %dma_wait3A_132 = arith.constant 0 : i32
    %dma_wait3A_133 = arith.constant 0 : i32
    %dma_wait3A_134 = tpu.memref_slice %arg2[%dma_wait3A_132, %dma_wait3A_133] : memref<10000x64xf32, #tpu.memory_space<hbm>> -> memref<10000x64xf32, #tpu.memory_space<hbm>>
    tpu.wait_indirect_dma semaphore(%arg16 : memref<!tpu.dma_semaphore, #tpu.memory_space<semaphore_mem>>) src(%dma_wait3A_134 : memref<10000x64xf32, #tpu.memory_space<hbm>>) dst(%arg11 : memref<128x64xf32, #tpu.memory_space<vmem>>)
    %dma_start3A_135 = arith.constant 3 : i32
    %dma_start3A_136 = arith.constant 0 : i32
    %dma_start3A_137 = tpu.memref_slice %arg7[%dma_start3A_135, %dma_start3A_136] : memref<144x128xi32, #tpu.memory_space<vmem>> -> memref<1x128xi32, #tpu.memory_space<vmem>>
    %dma_start3A_138 = tpu.memref_squeeze %dma_start3A_137 : memref<1x128xi32, #tpu.memory_space<vmem>> -> memref<128xi32, #tpu.memory_space<vmem>>
    %dma_start3A_139 = arith.constant 0 : i32
    %dma_start3A_140 = arith.constant 0 : i32
    %dma_start3A_141 = tpu.memref_slice %arg12[%dma_start3A_139, %dma_start3A_140] : memref<10240x64xf32, #tpu.memory_space<vmem_shared>> -> memref<10240x64xf32, #tpu.memory_space<vmem_shared>>
    tpu.enqueue_indirect_dma source(%arg11 : memref<128x64xf32, #tpu.memory_space<vmem>>) target(%dma_start3A_141 : memref<10240x64xf32, #tpu.memory_space<vmem_shared>>) offsets(%dma_start3A_138 : memref<128xi32, #tpu.memory_space<vmem>>) semaphore(%arg20 : memref<!tpu.dma_semaphore, #tpu.memory_space<semaphore_mem>>) {add = true}
    %dma_wait3A_142 = arith.constant 1 : i32
    %dma_wait3A_143 = arith.constant 0 : i32
    %dma_wait3A_144 = tpu.memref_slice %arg7[%dma_wait3A_142, %dma_wait3A_143] : memref<144x128xi32, #tpu.memory_space<vmem>> -> memref<1x128xi32, #tpu.memory_space<vmem>>
    %dma_wait3A_145 = tpu.memref_squeeze %dma_wait3A_144 : memref<1x128xi32, #tpu.memory_space<vmem>> -> memref<128xi32, #tpu.memory_space<vmem>>
    %dma_wait3A_146 = arith.constant 0 : i32
    %dma_wait3A_147 = arith.constant 0 : i32
    %dma_wait3A_148 = tpu.memref_slice %arg12[%dma_wait3A_146, %dma_wait3A_147] : memref<10240x64xf32, #tpu.memory_space<vmem_shared>> -> memref<10240x64xf32, #tpu.memory_space<vmem_shared>>
    tpu.wait_indirect_dma semaphore(%arg18 : memref<!tpu.dma_semaphore, #tpu.memory_space<semaphore_mem>>) src(%arg9 : memref<128x64xf32, #tpu.memory_space<vmem>>) dst(%dma_wait3A_148 : memref<10240x64xf32, #tpu.memory_space<vmem_shared>>)
    %dma_start3A_149 = arith.constant 5 : i32
    %dma_start3A_150 = arith.constant 0 : i32
    %dma_start3A_151 = tpu.memref_slice %arg6[%dma_start3A_149, %dma_start3A_150] : memref<144x128xi32, #tpu.memory_space<vmem>> -> memref<1x128xi32, #tpu.memory_space<vmem>>
    %dma_start3A_152 = tpu.memref_squeeze %dma_start3A_151 : memref<1x128xi32, #tpu.memory_space<vmem>> -> memref<128xi32, #tpu.memory_space<vmem>>
    %dma_start3A_153 = arith.constant 0 : i32
    %dma_start3A_154 = arith.constant 0 : i32
    %dma_start3A_155 = tpu.memref_slice %arg2[%dma_start3A_153, %dma_start3A_154] : memref<10000x64xf32, #tpu.memory_space<hbm>> -> memref<10000x64xf32, #tpu.memory_space<hbm>>
    tpu.enqueue_indirect_dma source(%dma_start3A_155 : memref<10000x64xf32, #tpu.memory_space<hbm>>) target(%arg9 : memref<128x64xf32, #tpu.memory_space<vmem>>) offsets(%dma_start3A_152 : memref<128xi32, #tpu.memory_space<vmem>>) semaphore(%arg14 : memref<!tpu.dma_semaphore, #tpu.memory_space<semaphore_mem>>)
    %sub3A = arith.constant 1 : i32
    %sub3A_156 = arith.subi %select_n3A, %sub3A : i32
    %while3A = arith.constant 0 : i32
    %while3A_157 = arith.constant 1 : i32
    %while3A_158 = arith.subi %sub3A_156, %while3A_157 : i32
    %while3A_159 = arith.addi %while3A_157, %while3A_158 : i32
    %while3A_160 = arith.constant 1 : i32
    %while3A_161 = arith.divsi %while3A_158, %while3A_160 : i32
    %while3A_162 = arith.muli %while3A_161, %while3A_160 : i32
    %while3A_163 = arith.addi %while3A_157, %while3A_162 : i32
    %while3A_164 = arith.constant 1 : i32
    scf.for %while3A_306 = %while3A_157 to %while3A_163 step %while3A_164  : i32 {
      %mul3A_307 = arith.constant 4 : i32
      %mul3A_308 = arith.muli %while3A_306, %mul3A_307 : i32
      %add3A_309 = arith.constant 0 : i32
      %add3A_310 = arith.addi %mul3A_308, %add3A_309 : i32
      %dma_wait3A_311 = arith.constant 0 : i32
      %dma_wait3A_312 = tpu.memref_slice %arg6[%add3A_310, %dma_wait3A_311] : memref<144x128xi32, #tpu.memory_space<vmem>> -> memref<1x128xi32, #tpu.memory_space<vmem>>
      %dma_wait3A_313 = tpu.memref_squeeze %dma_wait3A_312 : memref<1x128xi32, #tpu.memory_space<vmem>> -> memref<128xi32, #tpu.memory_space<vmem>>
      %dma_wait3A_314 = arith.constant 0 : i32
      %dma_wait3A_315 = arith.constant 0 : i32
      %dma_wait3A_316 = tpu.memref_slice %arg2[%dma_wait3A_314, %dma_wait3A_315] : memref<10000x64xf32, #tpu.memory_space<hbm>> -> memref<10000x64xf32, #tpu.memory_space<hbm>>
      tpu.wait_indirect_dma semaphore(%arg13 : memref<!tpu.dma_semaphore, #tpu.memory_space<semaphore_mem>>) src(%dma_wait3A_316 : memref<10000x64xf32, #tpu.memory_space<hbm>>) dst(%arg8 : memref<128x64xf32, #tpu.memory_space<vmem>>)
      %dma_start3A_317 = arith.constant 0 : i32
      %dma_start3A_318 = tpu.memref_slice %arg7[%add3A_310, %dma_start3A_317] : memref<144x128xi32, #tpu.memory_space<vmem>> -> memref<1x128xi32, #tpu.memory_space<vmem>>
      %dma_start3A_319 = tpu.memref_squeeze %dma_start3A_318 : memref<1x128xi32, #tpu.memory_space<vmem>> -> memref<128xi32, #tpu.memory_space<vmem>>
      %dma_start3A_320 = arith.constant 0 : i32
      %dma_start3A_321 = arith.constant 0 : i32
      %dma_start3A_322 = tpu.memref_slice %arg12[%dma_start3A_320, %dma_start3A_321] : memref<10240x64xf32, #tpu.memory_space<vmem_shared>> -> memref<10240x64xf32, #tpu.memory_space<vmem_shared>>
      tpu.enqueue_indirect_dma source(%arg8 : memref<128x64xf32, #tpu.memory_space<vmem>>) target(%dma_start3A_322 : memref<10240x64xf32, #tpu.memory_space<vmem_shared>>) offsets(%dma_start3A_319 : memref<128xi32, #tpu.memory_space<vmem>>) semaphore(%arg17 : memref<!tpu.dma_semaphore, #tpu.memory_space<semaphore_mem>>) {add = true}
      %sub3A_323 = arith.constant 2 : i32
      %sub3A_324 = arith.subi %add3A_310, %sub3A_323 : i32
      %dma_wait3A_325 = arith.constant 0 : i32
      %dma_wait3A_326 = tpu.memref_slice %arg7[%sub3A_324, %dma_wait3A_325] : memref<144x128xi32, #tpu.memory_space<vmem>> -> memref<1x128xi32, #tpu.memory_space<vmem>>
      %dma_wait3A_327 = tpu.memref_squeeze %dma_wait3A_326 : memref<1x128xi32, #tpu.memory_space<vmem>> -> memref<128xi32, #tpu.memory_space<vmem>>
      %dma_wait3A_328 = arith.constant 0 : i32
      %dma_wait3A_329 = arith.constant 0 : i32
      %dma_wait3A_330 = tpu.memref_slice %arg12[%dma_wait3A_328, %dma_wait3A_329] : memref<10240x64xf32, #tpu.memory_space<vmem_shared>> -> memref<10240x64xf32, #tpu.memory_space<vmem_shared>>
      tpu.wait_indirect_dma semaphore(%arg19 : memref<!tpu.dma_semaphore, #tpu.memory_space<semaphore_mem>>) src(%arg10 : memref<128x64xf32, #tpu.memory_space<vmem>>) dst(%dma_wait3A_330 : memref<10240x64xf32, #tpu.memory_space<vmem_shared>>)
      %add3A_331 = arith.constant 2 : i32
      %add3A_332 = arith.addi %add3A_310, %add3A_331 : i32
      %dma_start3A_333 = arith.constant 0 : i32
      %dma_start3A_334 = tpu.memref_slice %arg6[%add3A_332, %dma_start3A_333] : memref<144x128xi32, #tpu.memory_space<vmem>> -> memref<1x128xi32, #tpu.memory_space<vmem>>
      %dma_start3A_335 = tpu.memref_squeeze %dma_start3A_334 : memref<1x128xi32, #tpu.memory_space<vmem>> -> memref<128xi32, #tpu.memory_space<vmem>>
      %dma_start3A_336 = arith.constant 0 : i32
      %dma_start3A_337 = arith.constant 0 : i32
      %dma_start3A_338 = tpu.memref_slice %arg2[%dma_start3A_336, %dma_start3A_337] : memref<10000x64xf32, #tpu.memory_space<hbm>> -> memref<10000x64xf32, #tpu.memory_space<hbm>>
      tpu.enqueue_indirect_dma source(%dma_start3A_338 : memref<10000x64xf32, #tpu.memory_space<hbm>>) target(%arg10 : memref<128x64xf32, #tpu.memory_space<vmem>>) offsets(%dma_start3A_335 : memref<128xi32, #tpu.memory_space<vmem>>) semaphore(%arg15 : memref<!tpu.dma_semaphore, #tpu.memory_space<semaphore_mem>>)
      %add3A_339 = arith.constant 1 : i32
      %add3A_340 = arith.addi %mul3A_308, %add3A_339 : i32
      %dma_wait3A_341 = arith.constant 0 : i32
      %dma_wait3A_342 = tpu.memref_slice %arg6[%add3A_340, %dma_wait3A_341] : memref<144x128xi32, #tpu.memory_space<vmem>> -> memref<1x128xi32, #tpu.memory_space<vmem>>
      %dma_wait3A_343 = tpu.memref_squeeze %dma_wait3A_342 : memref<1x128xi32, #tpu.memory_space<vmem>> -> memref<128xi32, #tpu.memory_space<vmem>>
      %dma_wait3A_344 = arith.constant 0 : i32
      %dma_wait3A_345 = arith.constant 0 : i32
      %dma_wait3A_346 = tpu.memref_slice %arg2[%dma_wait3A_344, %dma_wait3A_345] : memref<10000x64xf32, #tpu.memory_space<hbm>> -> memref<10000x64xf32, #tpu.memory_space<hbm>>
      tpu.wait_indirect_dma semaphore(%arg14 : memref<!tpu.dma_semaphore, #tpu.memory_space<semaphore_mem>>) src(%dma_wait3A_346 : memref<10000x64xf32, #tpu.memory_space<hbm>>) dst(%arg9 : memref<128x64xf32, #tpu.memory_space<vmem>>)
      %dma_start3A_347 = arith.constant 0 : i32
      %dma_start3A_348 = tpu.memref_slice %arg7[%add3A_340, %dma_start3A_347] : memref<144x128xi32, #tpu.memory_space<vmem>> -> memref<1x128xi32, #tpu.memory_space<vmem>>
      %dma_start3A_349 = tpu.memref_squeeze %dma_start3A_348 : memref<1x128xi32, #tpu.memory_space<vmem>> -> memref<128xi32, #tpu.memory_space<vmem>>
      %dma_start3A_350 = arith.constant 0 : i32
      %dma_start3A_351 = arith.constant 0 : i32
      %dma_start3A_352 = tpu.memref_slice %arg12[%dma_start3A_350, %dma_start3A_351] : memref<10240x64xf32, #tpu.memory_space<vmem_shared>> -> memref<10240x64xf32, #tpu.memory_space<vmem_shared>>
      tpu.enqueue_indirect_dma source(%arg9 : memref<128x64xf32, #tpu.memory_space<vmem>>) target(%dma_start3A_352 : memref<10240x64xf32, #tpu.memory_space<vmem_shared>>) offsets(%dma_start3A_349 : memref<128xi32, #tpu.memory_space<vmem>>) semaphore(%arg18 : memref<!tpu.dma_semaphore, #tpu.memory_space<semaphore_mem>>) {add = true}
      %sub3A_353 = arith.constant 2 : i32
      %sub3A_354 = arith.subi %add3A_340, %sub3A_353 : i32
      %dma_wait3A_355 = arith.constant 0 : i32
      %dma_wait3A_356 = tpu.memref_slice %arg7[%sub3A_354, %dma_wait3A_355] : memref<144x128xi32, #tpu.memory_space<vmem>> -> memref<1x128xi32, #tpu.memory_space<vmem>>
      %dma_wait3A_357 = tpu.memref_squeeze %dma_wait3A_356 : memref<1x128xi32, #tpu.memory_space<vmem>> -> memref<128xi32, #tpu.memory_space<vmem>>
      %dma_wait3A_358 = arith.constant 0 : i32
      %dma_wait3A_359 = arith.constant 0 : i32
      %dma_wait3A_360 = tpu.memref_slice %arg12[%dma_wait3A_358, %dma_wait3A_359] : memref<10240x64xf32, #tpu.memory_space<vmem_shared>> -> memref<10240x64xf32, #tpu.memory_space<vmem_shared>>
      tpu.wait_indirect_dma semaphore(%arg20 : memref<!tpu.dma_semaphore, #tpu.memory_space<semaphore_mem>>) src(%arg11 : memref<128x64xf32, #tpu.memory_space<vmem>>) dst(%dma_wait3A_360 : memref<10240x64xf32, #tpu.memory_space<vmem_shared>>)
      %add3A_361 = arith.constant 2 : i32
      %add3A_362 = arith.addi %add3A_340, %add3A_361 : i32
      %dma_start3A_363 = arith.constant 0 : i32
      %dma_start3A_364 = tpu.memref_slice %arg6[%add3A_362, %dma_start3A_363] : memref<144x128xi32, #tpu.memory_space<vmem>> -> memref<1x128xi32, #tpu.memory_space<vmem>>
      %dma_start3A_365 = tpu.memref_squeeze %dma_start3A_364 : memref<1x128xi32, #tpu.memory_space<vmem>> -> memref<128xi32, #tpu.memory_space<vmem>>
      %dma_start3A_366 = arith.constant 0 : i32
      %dma_start3A_367 = arith.constant 0 : i32
      %dma_start3A_368 = tpu.memref_slice %arg2[%dma_start3A_366, %dma_start3A_367] : memref<10000x64xf32, #tpu.memory_space<hbm>> -> memref<10000x64xf32, #tpu.memory_space<hbm>>
      tpu.enqueue_indirect_dma source(%dma_start3A_368 : memref<10000x64xf32, #tpu.memory_space<hbm>>) target(%arg11 : memref<128x64xf32, #tpu.memory_space<vmem>>) offsets(%dma_start3A_365 : memref<128xi32, #tpu.memory_space<vmem>>) semaphore(%arg16 : memref<!tpu.dma_semaphore, #tpu.memory_space<semaphore_mem>>)
      %add3A_369 = arith.constant 2 : i32
      %add3A_370 = arith.addi %mul3A_308, %add3A_369 : i32
      %dma_wait3A_371 = arith.constant 0 : i32
      %dma_wait3A_372 = tpu.memref_slice %arg6[%add3A_370, %dma_wait3A_371] : memref<144x128xi32, #tpu.memory_space<vmem>> -> memref<1x128xi32, #tpu.memory_space<vmem>>
      %dma_wait3A_373 = tpu.memref_squeeze %dma_wait3A_372 : memref<1x128xi32, #tpu.memory_space<vmem>> -> memref<128xi32, #tpu.memory_space<vmem>>
      %dma_wait3A_374 = arith.constant 0 : i32
      %dma_wait3A_375 = arith.constant 0 : i32
      %dma_wait3A_376 = tpu.memref_slice %arg2[%dma_wait3A_374, %dma_wait3A_375] : memref<10000x64xf32, #tpu.memory_space<hbm>> -> memref<10000x64xf32, #tpu.memory_space<hbm>>
      tpu.wait_indirect_dma semaphore(%arg15 : memref<!tpu.dma_semaphore, #tpu.memory_space<semaphore_mem>>) src(%dma_wait3A_376 : memref<10000x64xf32, #tpu.memory_space<hbm>>) dst(%arg10 : memref<128x64xf32, #tpu.memory_space<vmem>>)
      %dma_start3A_377 = arith.constant 0 : i32
      %dma_start3A_378 = tpu.memref_slice %arg7[%add3A_370, %dma_start3A_377] : memref<144x128xi32, #tpu.memory_space<vmem>> -> memref<1x128xi32, #tpu.memory_space<vmem>>
      %dma_start3A_379 = tpu.memref_squeeze %dma_start3A_378 : memref<1x128xi32, #tpu.memory_space<vmem>> -> memref<128xi32, #tpu.memory_space<vmem>>
      %dma_start3A_380 = arith.constant 0 : i32
      %dma_start3A_381 = arith.constant 0 : i32
      %dma_start3A_382 = tpu.memref_slice %arg12[%dma_start3A_380, %dma_start3A_381] : memref<10240x64xf32, #tpu.memory_space<vmem_shared>> -> memref<10240x64xf32, #tpu.memory_space<vmem_shared>>
      tpu.enqueue_indirect_dma source(%arg10 : memref<128x64xf32, #tpu.memory_space<vmem>>) target(%dma_start3A_382 : memref<10240x64xf32, #tpu.memory_space<vmem_shared>>) offsets(%dma_start3A_379 : memref<128xi32, #tpu.memory_space<vmem>>) semaphore(%arg19 : memref<!tpu.dma_semaphore, #tpu.memory_space<semaphore_mem>>) {add = true}
      %sub3A_383 = arith.constant 2 : i32
      %sub3A_384 = arith.subi %add3A_370, %sub3A_383 : i32
      %dma_wait3A_385 = arith.constant 0 : i32
      %dma_wait3A_386 = tpu.memref_slice %arg7[%sub3A_384, %dma_wait3A_385] : memref<144x128xi32, #tpu.memory_space<vmem>> -> memref<1x128xi32, #tpu.memory_space<vmem>>
      %dma_wait3A_387 = tpu.memref_squeeze %dma_wait3A_386 : memref<1x128xi32, #tpu.memory_space<vmem>> -> memref<128xi32, #tpu.memory_space<vmem>>
      %dma_wait3A_388 = arith.constant 0 : i32
      %dma_wait3A_389 = arith.constant 0 : i32
      %dma_wait3A_390 = tpu.memref_slice %arg12[%dma_wait3A_388, %dma_wait3A_389] : memref<10240x64xf32, #tpu.memory_space<vmem_shared>> -> memref<10240x64xf32, #tpu.memory_space<vmem_shared>>
      tpu.wait_indirect_dma semaphore(%arg17 : memref<!tpu.dma_semaphore, #tpu.memory_space<semaphore_mem>>) src(%arg8 : memref<128x64xf32, #tpu.memory_space<vmem>>) dst(%dma_wait3A_390 : memref<10240x64xf32, #tpu.memory_space<vmem_shared>>)
      %add3A_391 = arith.constant 2 : i32
      %add3A_392 = arith.addi %add3A_370, %add3A_391 : i32
      %dma_start3A_393 = arith.constant 0 : i32
      %dma_start3A_394 = tpu.memref_slice %arg6[%add3A_392, %dma_start3A_393] : memref<144x128xi32, #tpu.memory_space<vmem>> -> memref<1x128xi32, #tpu.memory_space<vmem>>
      %dma_start3A_395 = tpu.memref_squeeze %dma_start3A_394 : memref<1x128xi32, #tpu.memory_space<vmem>> -> memref<128xi32, #tpu.memory_space<vmem>>
      %dma_start3A_396 = arith.constant 0 : i32
      %dma_start3A_397 = arith.constant 0 : i32
      %dma_start3A_398 = tpu.memref_slice %arg2[%dma_start3A_396, %dma_start3A_397] : memref<10000x64xf32, #tpu.memory_space<hbm>> -> memref<10000x64xf32, #tpu.memory_space<hbm>>
      tpu.enqueue_indirect_dma source(%dma_start3A_398 : memref<10000x64xf32, #tpu.memory_space<hbm>>) target(%arg8 : memref<128x64xf32, #tpu.memory_space<vmem>>) offsets(%dma_start3A_395 : memref<128xi32, #tpu.memory_space<vmem>>) semaphore(%arg13 : memref<!tpu.dma_semaphore, #tpu.memory_space<semaphore_mem>>)
      %add3A_399 = arith.constant 3 : i32
      %add3A_400 = arith.addi %mul3A_308, %add3A_399 : i32
      %dma_wait3A_401 = arith.constant 0 : i32
      %dma_wait3A_402 = tpu.memref_slice %arg6[%add3A_400, %dma_wait3A_401] : memref<144x128xi32, #tpu.memory_space<vmem>> -> memref<1x128xi32, #tpu.memory_space<vmem>>
      %dma_wait3A_403 = tpu.memref_squeeze %dma_wait3A_402 : memref<1x128xi32, #tpu.memory_space<vmem>> -> memref<128xi32, #tpu.memory_space<vmem>>
      %dma_wait3A_404 = arith.constant 0 : i32
      %dma_wait3A_405 = arith.constant 0 : i32
      %dma_wait3A_406 = tpu.memref_slice %arg2[%dma_wait3A_404, %dma_wait3A_405] : memref<10000x64xf32, #tpu.memory_space<hbm>> -> memref<10000x64xf32, #tpu.memory_space<hbm>>
      tpu.wait_indirect_dma semaphore(%arg16 : memref<!tpu.dma_semaphore, #tpu.memory_space<semaphore_mem>>) src(%dma_wait3A_406 : memref<10000x64xf32, #tpu.memory_space<hbm>>) dst(%arg11 : memref<128x64xf32, #tpu.memory_space<vmem>>)
      %dma_start3A_407 = arith.constant 0 : i32
      %dma_start3A_408 = tpu.memref_slice %arg7[%add3A_400, %dma_start3A_407] : memref<144x128xi32, #tpu.memory_space<vmem>> -> memref<1x128xi32, #tpu.memory_space<vmem>>
      %dma_start3A_409 = tpu.memref_squeeze %dma_start3A_408 : memref<1x128xi32, #tpu.memory_space<vmem>> -> memref<128xi32, #tpu.memory_space<vmem>>
      %dma_start3A_410 = arith.constant 0 : i32
      %dma_start3A_411 = arith.constant 0 : i32
      %dma_start3A_412 = tpu.memref_slice %arg12[%dma_start3A_410, %dma_start3A_411] : memref<10240x64xf32, #tpu.memory_space<vmem_shared>> -> memref<10240x64xf32, #tpu.memory_space<vmem_shared>>
      tpu.enqueue_indirect_dma source(%arg11 : memref<128x64xf32, #tpu.memory_space<vmem>>) target(%dma_start3A_412 : memref<10240x64xf32, #tpu.memory_space<vmem_shared>>) offsets(%dma_start3A_409 : memref<128xi32, #tpu.memory_space<vmem>>) semaphore(%arg20 : memref<!tpu.dma_semaphore, #tpu.memory_space<semaphore_mem>>) {add = true}
      %sub3A_413 = arith.constant 2 : i32
      %sub3A_414 = arith.subi %add3A_400, %sub3A_413 : i32
      %dma_wait3A_415 = arith.constant 0 : i32
      %dma_wait3A_416 = tpu.memref_slice %arg7[%sub3A_414, %dma_wait3A_415] : memref<144x128xi32, #tpu.memory_space<vmem>> -> memref<1x128xi32, #tpu.memory_space<vmem>>
      %dma_wait3A_417 = tpu.memref_squeeze %dma_wait3A_416 : memref<1x128xi32, #tpu.memory_space<vmem>> -> memref<128xi32, #tpu.memory_space<vmem>>
      %dma_wait3A_418 = arith.constant 0 : i32
      %dma_wait3A_419 = arith.constant 0 : i32
      %dma_wait3A_420 = tpu.memref_slice %arg12[%dma_wait3A_418, %dma_wait3A_419] : memref<10240x64xf32, #tpu.memory_space<vmem_shared>> -> memref<10240x64xf32, #tpu.memory_space<vmem_shared>>
      tpu.wait_indirect_dma semaphore(%arg18 : memref<!tpu.dma_semaphore, #tpu.memory_space<semaphore_mem>>) src(%arg9 : memref<128x64xf32, #tpu.memory_space<vmem>>) dst(%dma_wait3A_420 : memref<10240x64xf32, #tpu.memory_space<vmem_shared>>)
      %add3A_421 = arith.constant 2 : i32
      %add3A_422 = arith.addi %add3A_400, %add3A_421 : i32
      %dma_start3A_423 = arith.constant 0 : i32
      %dma_start3A_424 = tpu.memref_slice %arg6[%add3A_422, %dma_start3A_423] : memref<144x128xi32, #tpu.memory_space<vmem>> -> memref<1x128xi32, #tpu.memory_space<vmem>>
      %dma_start3A_425 = tpu.memref_squeeze %dma_start3A_424 : memref<1x128xi32, #tpu.memory_space<vmem>> -> memref<128xi32, #tpu.memory_space<vmem>>
      %dma_start3A_426 = arith.constant 0 : i32
      %dma_start3A_427 = arith.constant 0 : i32
      %dma_start3A_428 = tpu.memref_slice %arg2[%dma_start3A_426, %dma_start3A_427] : memref<10000x64xf32, #tpu.memory_space<hbm>> -> memref<10000x64xf32, #tpu.memory_space<hbm>>
      tpu.enqueue_indirect_dma source(%dma_start3A_428 : memref<10000x64xf32, #tpu.memory_space<hbm>>) target(%arg9 : memref<128x64xf32, #tpu.memory_space<vmem>>) offsets(%dma_start3A_425 : memref<128xi32, #tpu.memory_space<vmem>>) semaphore(%arg14 : memref<!tpu.dma_semaphore, #tpu.memory_space<semaphore_mem>>)
    }
    %while3A_165 = arith.constant 1 : i32
    scf.for %while3A_306 = %while3A_163 to %while3A_159 step %while3A_165  : i32 {
      %mul3A_307 = arith.constant 4 : i32
      %mul3A_308 = arith.muli %while3A_306, %mul3A_307 : i32
      %add3A_309 = arith.constant 0 : i32
      %add3A_310 = arith.addi %mul3A_308, %add3A_309 : i32
      %dma_wait3A_311 = arith.constant 0 : i32
      %dma_wait3A_312 = tpu.memref_slice %arg6[%add3A_310, %dma_wait3A_311] : memref<144x128xi32, #tpu.memory_space<vmem>> -> memref<1x128xi32, #tpu.memory_space<vmem>>
      %dma_wait3A_313 = tpu.memref_squeeze %dma_wait3A_312 : memref<1x128xi32, #tpu.memory_space<vmem>> -> memref<128xi32, #tpu.memory_space<vmem>>
      %dma_wait3A_314 = arith.constant 0 : i32
      %dma_wait3A_315 = arith.constant 0 : i32
      %dma_wait3A_316 = tpu.memref_slice %arg2[%dma_wait3A_314, %dma_wait3A_315] : memref<10000x64xf32, #tpu.memory_space<hbm>> -> memref<10000x64xf32, #tpu.memory_space<hbm>>
      tpu.wait_indirect_dma semaphore(%arg13 : memref<!tpu.dma_semaphore, #tpu.memory_space<semaphore_mem>>) src(%dma_wait3A_316 : memref<10000x64xf32, #tpu.memory_space<hbm>>) dst(%arg8 : memref<128x64xf32, #tpu.memory_space<vmem>>)
      %dma_start3A_317 = arith.constant 0 : i32
      %dma_start3A_318 = tpu.memref_slice %arg7[%add3A_310, %dma_start3A_317] : memref<144x128xi32, #tpu.memory_space<vmem>> -> memref<1x128xi32, #tpu.memory_space<vmem>>
      %dma_start3A_319 = tpu.memref_squeeze %dma_start3A_318 : memref<1x128xi32, #tpu.memory_space<vmem>> -> memref<128xi32, #tpu.memory_space<vmem>>
      %dma_start3A_320 = arith.constant 0 : i32
      %dma_start3A_321 = arith.constant 0 : i32
      %dma_start3A_322 = tpu.memref_slice %arg12[%dma_start3A_320, %dma_start3A_321] : memref<10240x64xf32, #tpu.memory_space<vmem_shared>> -> memref<10240x64xf32, #tpu.memory_space<vmem_shared>>
      tpu.enqueue_indirect_dma source(%arg8 : memref<128x64xf32, #tpu.memory_space<vmem>>) target(%dma_start3A_322 : memref<10240x64xf32, #tpu.memory_space<vmem_shared>>) offsets(%dma_start3A_319 : memref<128xi32, #tpu.memory_space<vmem>>) semaphore(%arg17 : memref<!tpu.dma_semaphore, #tpu.memory_space<semaphore_mem>>) {add = true}
      %sub3A_323 = arith.constant 2 : i32
      %sub3A_324 = arith.subi %add3A_310, %sub3A_323 : i32
      %dma_wait3A_325 = arith.constant 0 : i32
      %dma_wait3A_326 = tpu.memref_slice %arg7[%sub3A_324, %dma_wait3A_325] : memref<144x128xi32, #tpu.memory_space<vmem>> -> memref<1x128xi32, #tpu.memory_space<vmem>>
      %dma_wait3A_327 = tpu.memref_squeeze %dma_wait3A_326 : memref<1x128xi32, #tpu.memory_space<vmem>> -> memref<128xi32, #tpu.memory_space<vmem>>
      %dma_wait3A_328 = arith.constant 0 : i32
      %dma_wait3A_329 = arith.constant 0 : i32
      %dma_wait3A_330 = tpu.memref_slice %arg12[%dma_wait3A_328, %dma_wait3A_329] : memref<10240x64xf32, #tpu.memory_space<vmem_shared>> -> memref<10240x64xf32, #tpu.memory_space<vmem_shared>>
      tpu.wait_indirect_dma semaphore(%arg19 : memref<!tpu.dma_semaphore, #tpu.memory_space<semaphore_mem>>) src(%arg10 : memref<128x64xf32, #tpu.memory_space<vmem>>) dst(%dma_wait3A_330 : memref<10240x64xf32, #tpu.memory_space<vmem_shared>>)
      %add3A_331 = arith.constant 2 : i32
      %add3A_332 = arith.addi %add3A_310, %add3A_331 : i32
      %dma_start3A_333 = arith.constant 0 : i32
      %dma_start3A_334 = tpu.memref_slice %arg6[%add3A_332, %dma_start3A_333] : memref<144x128xi32, #tpu.memory_space<vmem>> -> memref<1x128xi32, #tpu.memory_space<vmem>>
      %dma_start3A_335 = tpu.memref_squeeze %dma_start3A_334 : memref<1x128xi32, #tpu.memory_space<vmem>> -> memref<128xi32, #tpu.memory_space<vmem>>
      %dma_start3A_336 = arith.constant 0 : i32
      %dma_start3A_337 = arith.constant 0 : i32
      %dma_start3A_338 = tpu.memref_slice %arg2[%dma_start3A_336, %dma_start3A_337] : memref<10000x64xf32, #tpu.memory_space<hbm>> -> memref<10000x64xf32, #tpu.memory_space<hbm>>
      tpu.enqueue_indirect_dma source(%dma_start3A_338 : memref<10000x64xf32, #tpu.memory_space<hbm>>) target(%arg10 : memref<128x64xf32, #tpu.memory_space<vmem>>) offsets(%dma_start3A_335 : memref<128xi32, #tpu.memory_space<vmem>>) semaphore(%arg15 : memref<!tpu.dma_semaphore, #tpu.memory_space<semaphore_mem>>)
      %add3A_339 = arith.constant 1 : i32
      %add3A_340 = arith.addi %mul3A_308, %add3A_339 : i32
      %dma_wait3A_341 = arith.constant 0 : i32
      %dma_wait3A_342 = tpu.memref_slice %arg6[%add3A_340, %dma_wait3A_341] : memref<144x128xi32, #tpu.memory_space<vmem>> -> memref<1x128xi32, #tpu.memory_space<vmem>>
      %dma_wait3A_343 = tpu.memref_squeeze %dma_wait3A_342 : memref<1x128xi32, #tpu.memory_space<vmem>> -> memref<128xi32, #tpu.memory_space<vmem>>
      %dma_wait3A_344 = arith.constant 0 : i32
      %dma_wait3A_345 = arith.constant 0 : i32
      %dma_wait3A_346 = tpu.memref_slice %arg2[%dma_wait3A_344, %dma_wait3A_345] : memref<10000x64xf32, #tpu.memory_space<hbm>> -> memref<10000x64xf32, #tpu.memory_space<hbm>>
      tpu.wait_indirect_dma semaphore(%arg14 : memref<!tpu.dma_semaphore, #tpu.memory_space<semaphore_mem>>) src(%dma_wait3A_346 : memref<10000x64xf32, #tpu.memory_space<hbm>>) dst(%arg9 : memref<128x64xf32, #tpu.memory_space<vmem>>)
      %dma_start3A_347 = arith.constant 0 : i32
      %dma_start3A_348 = tpu.memref_slice %arg7[%add3A_340, %dma_start3A_347] : memref<144x128xi32, #tpu.memory_space<vmem>> -> memref<1x128xi32, #tpu.memory_space<vmem>>
      %dma_start3A_349 = tpu.memref_squeeze %dma_start3A_348 : memref<1x128xi32, #tpu.memory_space<vmem>> -> memref<128xi32, #tpu.memory_space<vmem>>
      %dma_start3A_350 = arith.constant 0 : i32
      %dma_start3A_351 = arith.constant 0 : i32
      %dma_start3A_352 = tpu.memref_slice %arg12[%dma_start3A_350, %dma_start3A_351] : memref<10240x64xf32, #tpu.memory_space<vmem_shared>> -> memref<10240x64xf32, #tpu.memory_space<vmem_shared>>
      tpu.enqueue_indirect_dma source(%arg9 : memref<128x64xf32, #tpu.memory_space<vmem>>) target(%dma_start3A_352 : memref<10240x64xf32, #tpu.memory_space<vmem_shared>>) offsets(%dma_start3A_349 : memref<128xi32, #tpu.memory_space<vmem>>) semaphore(%arg18 : memref<!tpu.dma_semaphore, #tpu.memory_space<semaphore_mem>>) {add = true}
      %sub3A_353 = arith.constant 2 : i32
      %sub3A_354 = arith.subi %add3A_340, %sub3A_353 : i32
      %dma_wait3A_355 = arith.constant 0 : i32
      %dma_wait3A_356 = tpu.memref_slice %arg7[%sub3A_354, %dma_wait3A_355] : memref<144x128xi32, #tpu.memory_space<vmem>> -> memref<1x128xi32, #tpu.memory_space<vmem>>
      %dma_wait3A_357 = tpu.memref_squeeze %dma_wait3A_356 : memref<1x128xi32, #tpu.memory_space<vmem>> -> memref<128xi32, #tpu.memory_space<vmem>>
      %dma_wait3A_358 = arith.constant 0 : i32
      %dma_wait3A_359 = arith.constant 0 : i32
      %dma_wait3A_360 = tpu.memref_slice %arg12[%dma_wait3A_358, %dma_wait3A_359] : memref<10240x64xf32, #tpu.memory_space<vmem_shared>> -> memref<10240x64xf32, #tpu.memory_space<vmem_shared>>
      tpu.wait_indirect_dma semaphore(%arg20 : memref<!tpu.dma_semaphore, #tpu.memory_space<semaphore_mem>>) src(%arg11 : memref<128x64xf32, #tpu.memory_space<vmem>>) dst(%dma_wait3A_360 : memref<10240x64xf32, #tpu.memory_space<vmem_shared>>)
      %add3A_361 = arith.constant 2 : i32
      %add3A_362 = arith.addi %add3A_340, %add3A_361 : i32
      %dma_start3A_363 = arith.constant 0 : i32
      %dma_start3A_364 = tpu.memref_slice %arg6[%add3A_362, %dma_start3A_363] : memref<144x128xi32, #tpu.memory_space<vmem>> -> memref<1x128xi32, #tpu.memory_space<vmem>>
      %dma_start3A_365 = tpu.memref_squeeze %dma_start3A_364 : memref<1x128xi32, #tpu.memory_space<vmem>> -> memref<128xi32, #tpu.memory_space<vmem>>
      %dma_start3A_366 = arith.constant 0 : i32
      %dma_start3A_367 = arith.constant 0 : i32
      %dma_start3A_368 = tpu.memref_slice %arg2[%dma_start3A_366, %dma_start3A_367] : memref<10000x64xf32, #tpu.memory_space<hbm>> -> memref<10000x64xf32, #tpu.memory_space<hbm>>
      tpu.enqueue_indirect_dma source(%dma_start3A_368 : memref<10000x64xf32, #tpu.memory_space<hbm>>) target(%arg11 : memref<128x64xf32, #tpu.memory_space<vmem>>) offsets(%dma_start3A_365 : memref<128xi32, #tpu.memory_space<vmem>>) semaphore(%arg16 : memref<!tpu.dma_semaphore, #tpu.memory_space<semaphore_mem>>)
      %add3A_369 = arith.constant 2 : i32
      %add3A_370 = arith.addi %mul3A_308, %add3A_369 : i32
      %dma_wait3A_371 = arith.constant 0 : i32
      %dma_wait3A_372 = tpu.memref_slice %arg6[%add3A_370, %dma_wait3A_371] : memref<144x128xi32, #tpu.memory_space<vmem>> -> memref<1x128xi32, #tpu.memory_space<vmem>>
      %dma_wait3A_373 = tpu.memref_squeeze %dma_wait3A_372 : memref<1x128xi32, #tpu.memory_space<vmem>> -> memref<128xi32, #tpu.memory_space<vmem>>
      %dma_wait3A_374 = arith.constant 0 : i32
      %dma_wait3A_375 = arith.constant 0 : i32
      %dma_wait3A_376 = tpu.memref_slice %arg2[%dma_wait3A_374, %dma_wait3A_375] : memref<10000x64xf32, #tpu.memory_space<hbm>> -> memref<10000x64xf32, #tpu.memory_space<hbm>>
      tpu.wait_indirect_dma semaphore(%arg15 : memref<!tpu.dma_semaphore, #tpu.memory_space<semaphore_mem>>) src(%dma_wait3A_376 : memref<10000x64xf32, #tpu.memory_space<hbm>>) dst(%arg10 : memref<128x64xf32, #tpu.memory_space<vmem>>)
      %dma_start3A_377 = arith.constant 0 : i32
      %dma_start3A_378 = tpu.memref_slice %arg7[%add3A_370, %dma_start3A_377] : memref<144x128xi32, #tpu.memory_space<vmem>> -> memref<1x128xi32, #tpu.memory_space<vmem>>
      %dma_start3A_379 = tpu.memref_squeeze %dma_start3A_378 : memref<1x128xi32, #tpu.memory_space<vmem>> -> memref<128xi32, #tpu.memory_space<vmem>>
      %dma_start3A_380 = arith.constant 0 : i32
      %dma_start3A_381 = arith.constant 0 : i32
      %dma_start3A_382 = tpu.memref_slice %arg12[%dma_start3A_380, %dma_start3A_381] : memref<10240x64xf32, #tpu.memory_space<vmem_shared>> -> memref<10240x64xf32, #tpu.memory_space<vmem_shared>>
      tpu.enqueue_indirect_dma source(%arg10 : memref<128x64xf32, #tpu.memory_space<vmem>>) target(%dma_start3A_382 : memref<10240x64xf32, #tpu.memory_space<vmem_shared>>) offsets(%dma_start3A_379 : memref<128xi32, #tpu.memory_space<vmem>>) semaphore(%arg19 : memref<!tpu.dma_semaphore, #tpu.memory_space<semaphore_mem>>) {add = true}
      %sub3A_383 = arith.constant 2 : i32
      %sub3A_384 = arith.subi %add3A_370, %sub3A_383 : i32
      %dma_wait3A_385 = arith.constant 0 : i32
      %dma_wait3A_386 = tpu.memref_slice %arg7[%sub3A_384, %dma_wait3A_385] : memref<144x128xi32, #tpu.memory_space<vmem>> -> memref<1x128xi32, #tpu.memory_space<vmem>>
      %dma_wait3A_387 = tpu.memref_squeeze %dma_wait3A_386 : memref<1x128xi32, #tpu.memory_space<vmem>> -> memref<128xi32, #tpu.memory_space<vmem>>
      %dma_wait3A_388 = arith.constant 0 : i32
      %dma_wait3A_389 = arith.constant 0 : i32
      %dma_wait3A_390 = tpu.memref_slice %arg12[%dma_wait3A_388, %dma_wait3A_389] : memref<10240x64xf32, #tpu.memory_space<vmem_shared>> -> memref<10240x64xf32, #tpu.memory_space<vmem_shared>>
      tpu.wait_indirect_dma semaphore(%arg17 : memref<!tpu.dma_semaphore, #tpu.memory_space<semaphore_mem>>) src(%arg8 : memref<128x64xf32, #tpu.memory_space<vmem>>) dst(%dma_wait3A_390 : memref<10240x64xf32, #tpu.memory_space<vmem_shared>>)
      %add3A_391 = arith.constant 2 : i32
      %add3A_392 = arith.addi %add3A_370, %add3A_391 : i32
      %dma_start3A_393 = arith.constant 0 : i32
      %dma_start3A_394 = tpu.memref_slice %arg6[%add3A_392, %dma_start3A_393] : memref<144x128xi32, #tpu.memory_space<vmem>> -> memref<1x128xi32, #tpu.memory_space<vmem>>
      %dma_start3A_395 = tpu.memref_squeeze %dma_start3A_394 : memref<1x128xi32, #tpu.memory_space<vmem>> -> memref<128xi32, #tpu.memory_space<vmem>>
      %dma_start3A_396 = arith.constant 0 : i32
      %dma_start3A_397 = arith.constant 0 : i32
      %dma_start3A_398 = tpu.memref_slice %arg2[%dma_start3A_396, %dma_start3A_397] : memref<10000x64xf32, #tpu.memory_space<hbm>> -> memref<10000x64xf32, #tpu.memory_space<hbm>>
      tpu.enqueue_indirect_dma source(%dma_start3A_398 : memref<10000x64xf32, #tpu.memory_space<hbm>>) target(%arg8 : memref<128x64xf32, #tpu.memory_space<vmem>>) offsets(%dma_start3A_395 : memref<128xi32, #tpu.memory_space<vmem>>) semaphore(%arg13 : memref<!tpu.dma_semaphore, #tpu.memory_space<semaphore_mem>>)
      %add3A_399 = arith.constant 3 : i32
      %add3A_400 = arith.addi %mul3A_308, %add3A_399 : i32
      %dma_wait3A_401 = arith.constant 0 : i32
      %dma_wait3A_402 = tpu.memref_slice %arg6[%add3A_400, %dma_wait3A_401] : memref<144x128xi32, #tpu.memory_space<vmem>> -> memref<1x128xi32, #tpu.memory_space<vmem>>
      %dma_wait3A_403 = tpu.memref_squeeze %dma_wait3A_402 : memref<1x128xi32, #tpu.memory_space<vmem>> -> memref<128xi32, #tpu.memory_space<vmem>>
      %dma_wait3A_404 = arith.constant 0 : i32
      %dma_wait3A_405 = arith.constant 0 : i32
      %dma_wait3A_406 = tpu.memref_slice %arg2[%dma_wait3A_404, %dma_wait3A_405] : memref<10000x64xf32, #tpu.memory_space<hbm>> -> memref<10000x64xf32, #tpu.memory_space<hbm>>
      tpu.wait_indirect_dma semaphore(%arg16 : memref<!tpu.dma_semaphore, #tpu.memory_space<semaphore_mem>>) src(%dma_wait3A_406 : memref<10000x64xf32, #tpu.memory_space<hbm>>) dst(%arg11 : memref<128x64xf32, #tpu.memory_space<vmem>>)
      %dma_start3A_407 = arith.constant 0 : i32
      %dma_start3A_408 = tpu.memref_slice %arg7[%add3A_400, %dma_start3A_407] : memref<144x128xi32, #tpu.memory_space<vmem>> -> memref<1x128xi32, #tpu.memory_space<vmem>>
      %dma_start3A_409 = tpu.memref_squeeze %dma_start3A_408 : memref<1x128xi32, #tpu.memory_space<vmem>> -> memref<128xi32, #tpu.memory_space<vmem>>
      %dma_start3A_410 = arith.constant 0 : i32
      %dma_start3A_411 = arith.constant 0 : i32
      %dma_start3A_412 = tpu.memref_slice %arg12[%dma_start3A_410, %dma_start3A_411] : memref<10240x64xf32, #tpu.memory_space<vmem_shared>> -> memref<10240x64xf32, #tpu.memory_space<vmem_shared>>
      tpu.enqueue_indirect_dma source(%arg11 : memref<128x64xf32, #tpu.memory_space<vmem>>) target(%dma_start3A_412 : memref<10240x64xf32, #tpu.memory_space<vmem_shared>>) offsets(%dma_start3A_409 : memref<128xi32, #tpu.memory_space<vmem>>) semaphore(%arg20 : memref<!tpu.dma_semaphore, #tpu.memory_space<semaphore_mem>>) {add = true}
      %sub3A_413 = arith.constant 2 : i32
      %sub3A_414 = arith.subi %add3A_400, %sub3A_413 : i32
      %dma_wait3A_415 = arith.constant 0 : i32
      %dma_wait3A_416 = tpu.memref_slice %arg7[%sub3A_414, %dma_wait3A_415] : memref<144x128xi32, #tpu.memory_space<vmem>> -> memref<1x128xi32, #tpu.memory_space<vmem>>
      %dma_wait3A_417 = tpu.memref_squeeze %dma_wait3A_416 : memref<1x128xi32, #tpu.memory_space<vmem>> -> memref<128xi32, #tpu.memory_space<vmem>>
      %dma_wait3A_418 = arith.constant 0 : i32
      %dma_wait3A_419 = arith.constant 0 : i32
      %dma_wait3A_420 = tpu.memref_slice %arg12[%dma_wait3A_418, %dma_wait3A_419] : memref<10240x64xf32, #tpu.memory_space<vmem_shared>> -> memref<10240x64xf32, #tpu.memory_space<vmem_shared>>
      tpu.wait_indirect_dma semaphore(%arg18 : memref<!tpu.dma_semaphore, #tpu.memory_space<semaphore_mem>>) src(%arg9 : memref<128x64xf32, #tpu.memory_space<vmem>>) dst(%dma_wait3A_420 : memref<10240x64xf32, #tpu.memory_space<vmem_shared>>)
      %add3A_421 = arith.constant 2 : i32
      %add3A_422 = arith.addi %add3A_400, %add3A_421 : i32
      %dma_start3A_423 = arith.constant 0 : i32
      %dma_start3A_424 = tpu.memref_slice %arg6[%add3A_422, %dma_start3A_423] : memref<144x128xi32, #tpu.memory_space<vmem>> -> memref<1x128xi32, #tpu.memory_space<vmem>>
      %dma_start3A_425 = tpu.memref_squeeze %dma_start3A_424 : memref<1x128xi32, #tpu.memory_space<vmem>> -> memref<128xi32, #tpu.memory_space<vmem>>
      %dma_start3A_426 = arith.constant 0 : i32
      %dma_start3A_427 = arith.constant 0 : i32
      %dma_start3A_428 = tpu.memref_slice %arg2[%dma_start3A_426, %dma_start3A_427] : memref<10000x64xf32, #tpu.memory_space<hbm>> -> memref<10000x64xf32, #tpu.memory_space<hbm>>
      tpu.enqueue_indirect_dma source(%dma_start3A_428 : memref<10000x64xf32, #tpu.memory_space<hbm>>) target(%arg9 : memref<128x64xf32, #tpu.memory_space<vmem>>) offsets(%dma_start3A_425 : memref<128xi32, #tpu.memory_space<vmem>>) semaphore(%arg14 : memref<!tpu.dma_semaphore, #tpu.memory_space<semaphore_mem>>)
    }
    %sub3A_166 = arith.constant 1 : i32
    %sub3A_167 = arith.subi %select_n3A, %sub3A_166 : i32
    %mul3A_168 = arith.constant 4 : i32
    %mul3A_169 = arith.muli %sub3A_167, %mul3A_168 : i32
    %add3A_170 = arith.constant 0 : i32
    %add3A_171 = arith.addi %mul3A_169, %add3A_170 : i32
    %dma_wait3A_172 = arith.constant 0 : i32
    %dma_wait3A_173 = tpu.memref_slice %arg6[%add3A_171, %dma_wait3A_172] : memref<144x128xi32, #tpu.memory_space<vmem>> -> memref<1x128xi32, #tpu.memory_space<vmem>>
    %dma_wait3A_174 = tpu.memref_squeeze %dma_wait3A_173 : memref<1x128xi32, #tpu.memory_space<vmem>> -> memref<128xi32, #tpu.memory_space<vmem>>
    %dma_wait3A_175 = arith.constant 0 : i32
    %dma_wait3A_176 = arith.constant 0 : i32
    %dma_wait3A_177 = tpu.memref_slice %arg2[%dma_wait3A_175, %dma_wait3A_176] : memref<10000x64xf32, #tpu.memory_space<hbm>> -> memref<10000x64xf32, #tpu.memory_space<hbm>>
    tpu.wait_indirect_dma semaphore(%arg13 : memref<!tpu.dma_semaphore, #tpu.memory_space<semaphore_mem>>) src(%dma_wait3A_177 : memref<10000x64xf32, #tpu.memory_space<hbm>>) dst(%arg8 : memref<128x64xf32, #tpu.memory_space<vmem>>)
    %dma_start3A_178 = arith.constant 0 : i32
    %dma_start3A_179 = tpu.memref_slice %arg7[%add3A_171, %dma_start3A_178] : memref<144x128xi32, #tpu.memory_space<vmem>> -> memref<1x128xi32, #tpu.memory_space<vmem>>
    %dma_start3A_180 = tpu.memref_squeeze %dma_start3A_179 : memref<1x128xi32, #tpu.memory_space<vmem>> -> memref<128xi32, #tpu.memory_space<vmem>>
    %dma_start3A_181 = arith.constant 0 : i32
    %dma_start3A_182 = arith.constant 0 : i32
    %dma_start3A_183 = tpu.memref_slice %arg12[%dma_start3A_181, %dma_start3A_182] : memref<10240x64xf32, #tpu.memory_space<vmem_shared>> -> memref<10240x64xf32, #tpu.memory_space<vmem_shared>>
    tpu.enqueue_indirect_dma source(%arg8 : memref<128x64xf32, #tpu.memory_space<vmem>>) target(%dma_start3A_183 : memref<10240x64xf32, #tpu.memory_space<vmem_shared>>) offsets(%dma_start3A_180 : memref<128xi32, #tpu.memory_space<vmem>>) semaphore(%arg17 : memref<!tpu.dma_semaphore, #tpu.memory_space<semaphore_mem>>) {add = true}
    %sub3A_184 = arith.constant 2 : i32
    %sub3A_185 = arith.subi %add3A_171, %sub3A_184 : i32
    %dma_wait3A_186 = arith.constant 0 : i32
    %dma_wait3A_187 = tpu.memref_slice %arg7[%sub3A_185, %dma_wait3A_186] : memref<144x128xi32, #tpu.memory_space<vmem>> -> memref<1x128xi32, #tpu.memory_space<vmem>>
    %dma_wait3A_188 = tpu.memref_squeeze %dma_wait3A_187 : memref<1x128xi32, #tpu.memory_space<vmem>> -> memref<128xi32, #tpu.memory_space<vmem>>
    %dma_wait3A_189 = arith.constant 0 : i32
    %dma_wait3A_190 = arith.constant 0 : i32
    %dma_wait3A_191 = tpu.memref_slice %arg12[%dma_wait3A_189, %dma_wait3A_190] : memref<10240x64xf32, #tpu.memory_space<vmem_shared>> -> memref<10240x64xf32, #tpu.memory_space<vmem_shared>>
    tpu.wait_indirect_dma semaphore(%arg19 : memref<!tpu.dma_semaphore, #tpu.memory_space<semaphore_mem>>) src(%arg10 : memref<128x64xf32, #tpu.memory_space<vmem>>) dst(%dma_wait3A_191 : memref<10240x64xf32, #tpu.memory_space<vmem_shared>>)
    %add3A_192 = arith.constant 2 : i32
    %add3A_193 = arith.addi %add3A_171, %add3A_192 : i32
    %dma_start3A_194 = arith.constant 0 : i32
    %dma_start3A_195 = tpu.memref_slice %arg6[%add3A_193, %dma_start3A_194] : memref<144x128xi32, #tpu.memory_space<vmem>> -> memref<1x128xi32, #tpu.memory_space<vmem>>
    %dma_start3A_196 = tpu.memref_squeeze %dma_start3A_195 : memref<1x128xi32, #tpu.memory_space<vmem>> -> memref<128xi32, #tpu.memory_space<vmem>>
    %dma_start3A_197 = arith.constant 0 : i32
    %dma_start3A_198 = arith.constant 0 : i32
    %dma_start3A_199 = tpu.memref_slice %arg2[%dma_start3A_197, %dma_start3A_198] : memref<10000x64xf32, #tpu.memory_space<hbm>> -> memref<10000x64xf32, #tpu.memory_space<hbm>>
    tpu.enqueue_indirect_dma source(%dma_start3A_199 : memref<10000x64xf32, #tpu.memory_space<hbm>>) target(%arg10 : memref<128x64xf32, #tpu.memory_space<vmem>>) offsets(%dma_start3A_196 : memref<128xi32, #tpu.memory_space<vmem>>) semaphore(%arg15 : memref<!tpu.dma_semaphore, #tpu.memory_space<semaphore_mem>>)
    %add3A_200 = arith.constant 1 : i32
    %add3A_201 = arith.addi %mul3A_169, %add3A_200 : i32
    %dma_wait3A_202 = arith.constant 0 : i32
    %dma_wait3A_203 = tpu.memref_slice %arg6[%add3A_201, %dma_wait3A_202] : memref<144x128xi32, #tpu.memory_space<vmem>> -> memref<1x128xi32, #tpu.memory_space<vmem>>
    %dma_wait3A_204 = tpu.memref_squeeze %dma_wait3A_203 : memref<1x128xi32, #tpu.memory_space<vmem>> -> memref<128xi32, #tpu.memory_space<vmem>>
    %dma_wait3A_205 = arith.constant 0 : i32
    %dma_wait3A_206 = arith.constant 0 : i32
    %dma_wait3A_207 = tpu.memref_slice %arg2[%dma_wait3A_205, %dma_wait3A_206] : memref<10000x64xf32, #tpu.memory_space<hbm>> -> memref<10000x64xf32, #tpu.memory_space<hbm>>
    tpu.wait_indirect_dma semaphore(%arg14 : memref<!tpu.dma_semaphore, #tpu.memory_space<semaphore_mem>>) src(%dma_wait3A_207 : memref<10000x64xf32, #tpu.memory_space<hbm>>) dst(%arg9 : memref<128x64xf32, #tpu.memory_space<vmem>>)
    %dma_start3A_208 = arith.constant 0 : i32
    %dma_start3A_209 = tpu.memref_slice %arg7[%add3A_201, %dma_start3A_208] : memref<144x128xi32, #tpu.memory_space<vmem>> -> memref<1x128xi32, #tpu.memory_space<vmem>>
    %dma_start3A_210 = tpu.memref_squeeze %dma_start3A_209 : memref<1x128xi32, #tpu.memory_space<vmem>> -> memref<128xi32, #tpu.memory_space<vmem>>
    %dma_start3A_211 = arith.constant 0 : i32
    %dma_start3A_212 = arith.constant 0 : i32
    %dma_start3A_213 = tpu.memref_slice %arg12[%dma_start3A_211, %dma_start3A_212] : memref<10240x64xf32, #tpu.memory_space<vmem_shared>> -> memref<10240x64xf32, #tpu.memory_space<vmem_shared>>
    tpu.enqueue_indirect_dma source(%arg9 : memref<128x64xf32, #tpu.memory_space<vmem>>) target(%dma_start3A_213 : memref<10240x64xf32, #tpu.memory_space<vmem_shared>>) offsets(%dma_start3A_210 : memref<128xi32, #tpu.memory_space<vmem>>) semaphore(%arg18 : memref<!tpu.dma_semaphore, #tpu.memory_space<semaphore_mem>>) {add = true}
    %sub3A_214 = arith.constant 2 : i32
    %sub3A_215 = arith.subi %add3A_201, %sub3A_214 : i32
    %dma_wait3A_216 = arith.constant 0 : i32
    %dma_wait3A_217 = tpu.memref_slice %arg7[%sub3A_215, %dma_wait3A_216] : memref<144x128xi32, #tpu.memory_space<vmem>> -> memref<1x128xi32, #tpu.memory_space<vmem>>
    %dma_wait3A_218 = tpu.memref_squeeze %dma_wait3A_217 : memref<1x128xi32, #tpu.memory_space<vmem>> -> memref<128xi32, #tpu.memory_space<vmem>>
    %dma_wait3A_219 = arith.constant 0 : i32
    %dma_wait3A_220 = arith.constant 0 : i32
    %dma_wait3A_221 = tpu.memref_slice %arg12[%dma_wait3A_219, %dma_wait3A_220] : memref<10240x64xf32, #tpu.memory_space<vmem_shared>> -> memref<10240x64xf32, #tpu.memory_space<vmem_shared>>
    tpu.wait_indirect_dma semaphore(%arg20 : memref<!tpu.dma_semaphore, #tpu.memory_space<semaphore_mem>>) src(%arg11 : memref<128x64xf32, #tpu.memory_space<vmem>>) dst(%dma_wait3A_221 : memref<10240x64xf32, #tpu.memory_space<vmem_shared>>)
    %add3A_222 = arith.constant 2 : i32
    %add3A_223 = arith.addi %add3A_201, %add3A_222 : i32
    %dma_start3A_224 = arith.constant 0 : i32
    %dma_start3A_225 = tpu.memref_slice %arg6[%add3A_223, %dma_start3A_224] : memref<144x128xi32, #tpu.memory_space<vmem>> -> memref<1x128xi32, #tpu.memory_space<vmem>>
    %dma_start3A_226 = tpu.memref_squeeze %dma_start3A_225 : memref<1x128xi32, #tpu.memory_space<vmem>> -> memref<128xi32, #tpu.memory_space<vmem>>
    %dma_start3A_227 = arith.constant 0 : i32
    %dma_start3A_228 = arith.constant 0 : i32
    %dma_start3A_229 = tpu.memref_slice %arg2[%dma_start3A_227, %dma_start3A_228] : memref<10000x64xf32, #tpu.memory_space<hbm>> -> memref<10000x64xf32, #tpu.memory_space<hbm>>
    tpu.enqueue_indirect_dma source(%dma_start3A_229 : memref<10000x64xf32, #tpu.memory_space<hbm>>) target(%arg11 : memref<128x64xf32, #tpu.memory_space<vmem>>) offsets(%dma_start3A_226 : memref<128xi32, #tpu.memory_space<vmem>>) semaphore(%arg16 : memref<!tpu.dma_semaphore, #tpu.memory_space<semaphore_mem>>)
    %add3A_230 = arith.constant 2 : i32
    %add3A_231 = arith.addi %mul3A_169, %add3A_230 : i32
    %dma_wait3A_232 = arith.constant 0 : i32
    %dma_wait3A_233 = tpu.memref_slice %arg6[%add3A_231, %dma_wait3A_232] : memref<144x128xi32, #tpu.memory_space<vmem>> -> memref<1x128xi32, #tpu.memory_space<vmem>>
    %dma_wait3A_234 = tpu.memref_squeeze %dma_wait3A_233 : memref<1x128xi32, #tpu.memory_space<vmem>> -> memref<128xi32, #tpu.memory_space<vmem>>
    %dma_wait3A_235 = arith.constant 0 : i32
    %dma_wait3A_236 = arith.constant 0 : i32
    %dma_wait3A_237 = tpu.memref_slice %arg2[%dma_wait3A_235, %dma_wait3A_236] : memref<10000x64xf32, #tpu.memory_space<hbm>> -> memref<10000x64xf32, #tpu.memory_space<hbm>>
    tpu.wait_indirect_dma semaphore(%arg15 : memref<!tpu.dma_semaphore, #tpu.memory_space<semaphore_mem>>) src(%dma_wait3A_237 : memref<10000x64xf32, #tpu.memory_space<hbm>>) dst(%arg10 : memref<128x64xf32, #tpu.memory_space<vmem>>)
    %dma_start3A_238 = arith.constant 0 : i32
    %dma_start3A_239 = tpu.memref_slice %arg7[%add3A_231, %dma_start3A_238] : memref<144x128xi32, #tpu.memory_space<vmem>> -> memref<1x128xi32, #tpu.memory_space<vmem>>
    %dma_start3A_240 = tpu.memref_squeeze %dma_start3A_239 : memref<1x128xi32, #tpu.memory_space<vmem>> -> memref<128xi32, #tpu.memory_space<vmem>>
    %dma_start3A_241 = arith.constant 0 : i32
    %dma_start3A_242 = arith.constant 0 : i32
    %dma_start3A_243 = tpu.memref_slice %arg12[%dma_start3A_241, %dma_start3A_242] : memref<10240x64xf32, #tpu.memory_space<vmem_shared>> -> memref<10240x64xf32, #tpu.memory_space<vmem_shared>>
    tpu.enqueue_indirect_dma source(%arg10 : memref<128x64xf32, #tpu.memory_space<vmem>>) target(%dma_start3A_243 : memref<10240x64xf32, #tpu.memory_space<vmem_shared>>) offsets(%dma_start3A_240 : memref<128xi32, #tpu.memory_space<vmem>>) semaphore(%arg19 : memref<!tpu.dma_semaphore, #tpu.memory_space<semaphore_mem>>) {add = true}
    %add3A_244 = arith.constant 3 : i32
    %add3A_245 = arith.addi %mul3A_169, %add3A_244 : i32
    %dma_wait3A_246 = arith.constant 0 : i32
    %dma_wait3A_247 = tpu.memref_slice %arg6[%add3A_245, %dma_wait3A_246] : memref<144x128xi32, #tpu.memory_space<vmem>> -> memref<1x128xi32, #tpu.memory_space<vmem>>
    %dma_wait3A_248 = tpu.memref_squeeze %dma_wait3A_247 : memref<1x128xi32, #tpu.memory_space<vmem>> -> memref<128xi32, #tpu.memory_space<vmem>>
    %dma_wait3A_249 = arith.constant 0 : i32
    %dma_wait3A_250 = arith.constant 0 : i32
    %dma_wait3A_251 = tpu.memref_slice %arg2[%dma_wait3A_249, %dma_wait3A_250] : memref<10000x64xf32, #tpu.memory_space<hbm>> -> memref<10000x64xf32, #tpu.memory_space<hbm>>
    tpu.wait_indirect_dma semaphore(%arg16 : memref<!tpu.dma_semaphore, #tpu.memory_space<semaphore_mem>>) src(%dma_wait3A_251 : memref<10000x64xf32, #tpu.memory_space<hbm>>) dst(%arg11 : memref<128x64xf32, #tpu.memory_space<vmem>>)
    %dma_start3A_252 = arith.constant 0 : i32
    %dma_start3A_253 = tpu.memref_slice %arg7[%add3A_245, %dma_start3A_252] : memref<144x128xi32, #tpu.memory_space<vmem>> -> memref<1x128xi32, #tpu.memory_space<vmem>>
    %dma_start3A_254 = tpu.memref_squeeze %dma_start3A_253 : memref<1x128xi32, #tpu.memory_space<vmem>> -> memref<128xi32, #tpu.memory_space<vmem>>
    %dma_start3A_255 = arith.constant 0 : i32
    %dma_start3A_256 = arith.constant 0 : i32
    %dma_start3A_257 = tpu.memref_slice %arg12[%dma_start3A_255, %dma_start3A_256] : memref<10240x64xf32, #tpu.memory_space<vmem_shared>> -> memref<10240x64xf32, #tpu.memory_space<vmem_shared>>
    tpu.enqueue_indirect_dma source(%arg11 : memref<128x64xf32, #tpu.memory_space<vmem>>) target(%dma_start3A_257 : memref<10240x64xf32, #tpu.memory_space<vmem_shared>>) offsets(%dma_start3A_254 : memref<128xi32, #tpu.memory_space<vmem>>) semaphore(%arg20 : memref<!tpu.dma_semaphore, #tpu.memory_space<semaphore_mem>>) {add = true}
    %add3A_258 = arith.constant 0 : i32
    %add3A_259 = arith.addi %mul3A_169, %add3A_258 : i32
    %dma_wait3A_260 = arith.constant 0 : i32
    %dma_wait3A_261 = tpu.memref_slice %arg7[%add3A_259, %dma_wait3A_260] : memref<144x128xi32, #tpu.memory_space<vmem>> -> memref<1x128xi32, #tpu.memory_space<vmem>>
    %dma_wait3A_262 = tpu.memref_squeeze %dma_wait3A_261 : memref<1x128xi32, #tpu.memory_space<vmem>> -> memref<128xi32, #tpu.memory_space<vmem>>
    %dma_wait3A_263 = arith.constant 0 : i32
    %dma_wait3A_264 = arith.constant 0 : i32
    %dma_wait3A_265 = tpu.memref_slice %arg12[%dma_wait3A_263, %dma_wait3A_264] : memref<10240x64xf32, #tpu.memory_space<vmem_shared>> -> memref<10240x64xf32, #tpu.memory_space<vmem_shared>>
    tpu.wait_indirect_dma semaphore(%arg17 : memref<!tpu.dma_semaphore, #tpu.memory_space<semaphore_mem>>) src(%arg8 : memref<128x64xf32, #tpu.memory_space<vmem>>) dst(%dma_wait3A_265 : memref<10240x64xf32, #tpu.memory_space<vmem_shared>>)
    %add3A_266 = arith.constant 1 : i32
    %add3A_267 = arith.addi %mul3A_169, %add3A_266 : i32
    %dma_wait3A_268 = arith.constant 0 : i32
    %dma_wait3A_269 = tpu.memref_slice %arg7[%add3A_267, %dma_wait3A_268] : memref<144x128xi32, #tpu.memory_space<vmem>> -> memref<1x128xi32, #tpu.memory_space<vmem>>
    %dma_wait3A_270 = tpu.memref_squeeze %dma_wait3A_269 : memref<1x128xi32, #tpu.memory_space<vmem>> -> memref<128xi32, #tpu.memory_space<vmem>>
    %dma_wait3A_271 = arith.constant 0 : i32
    %dma_wait3A_272 = arith.constant 0 : i32
    %dma_wait3A_273 = tpu.memref_slice %arg12[%dma_wait3A_271, %dma_wait3A_272] : memref<10240x64xf32, #tpu.memory_space<vmem_shared>> -> memref<10240x64xf32, #tpu.memory_space<vmem_shared>>
    tpu.wait_indirect_dma semaphore(%arg18 : memref<!tpu.dma_semaphore, #tpu.memory_space<semaphore_mem>>) src(%arg9 : memref<128x64xf32, #tpu.memory_space<vmem>>) dst(%dma_wait3A_273 : memref<10240x64xf32, #tpu.memory_space<vmem_shared>>)
    %add3A_274 = arith.constant 2 : i32
    %add3A_275 = arith.addi %mul3A_169, %add3A_274 : i32
    %dma_wait3A_276 = arith.constant 0 : i32
    %dma_wait3A_277 = tpu.memref_slice %arg7[%add3A_275, %dma_wait3A_276] : memref<144x128xi32, #tpu.memory_space<vmem>> -> memref<1x128xi32, #tpu.memory_space<vmem>>
    %dma_wait3A_278 = tpu.memref_squeeze %dma_wait3A_277 : memref<1x128xi32, #tpu.memory_space<vmem>> -> memref<128xi32, #tpu.memory_space<vmem>>
    %dma_wait3A_279 = arith.constant 0 : i32
    %dma_wait3A_280 = arith.constant 0 : i32
    %dma_wait3A_281 = tpu.memref_slice %arg12[%dma_wait3A_279, %dma_wait3A_280] : memref<10240x64xf32, #tpu.memory_space<vmem_shared>> -> memref<10240x64xf32, #tpu.memory_space<vmem_shared>>
    tpu.wait_indirect_dma semaphore(%arg19 : memref<!tpu.dma_semaphore, #tpu.memory_space<semaphore_mem>>) src(%arg10 : memref<128x64xf32, #tpu.memory_space<vmem>>) dst(%dma_wait3A_281 : memref<10240x64xf32, #tpu.memory_space<vmem_shared>>)
    %add3A_282 = arith.constant 3 : i32
    %add3A_283 = arith.addi %mul3A_169, %add3A_282 : i32
    %dma_wait3A_284 = arith.constant 0 : i32
    %dma_wait3A_285 = tpu.memref_slice %arg7[%add3A_283, %dma_wait3A_284] : memref<144x128xi32, #tpu.memory_space<vmem>> -> memref<1x128xi32, #tpu.memory_space<vmem>>
    %dma_wait3A_286 = tpu.memref_squeeze %dma_wait3A_285 : memref<1x128xi32, #tpu.memory_space<vmem>> -> memref<128xi32, #tpu.memory_space<vmem>>
    %dma_wait3A_287 = arith.constant 0 : i32
    %dma_wait3A_288 = arith.constant 0 : i32
    %dma_wait3A_289 = tpu.memref_slice %arg12[%dma_wait3A_287, %dma_wait3A_288] : memref<10240x64xf32, #tpu.memory_space<vmem_shared>> -> memref<10240x64xf32, #tpu.memory_space<vmem_shared>>
    tpu.wait_indirect_dma semaphore(%arg20 : memref<!tpu.dma_semaphore, #tpu.memory_space<semaphore_mem>>) src(%arg11 : memref<128x64xf32, #tpu.memory_space<vmem>>) dst(%dma_wait3A_289 : memref<10240x64xf32, #tpu.memory_space<vmem_shared>>)
    %barrier3A_290 = arith.constant 0 : index
    tpu.barrier barrier_id(%barrier3A_290)
    %mul3A_291 = arith.constant 624 : i32
    %mul3A_292 = arith.muli %arg1, %mul3A_291 : i32
    %mul3A_293 = arith.constant 10000 : i32
    %mul3A_294 = arith.muli %arg0, %mul3A_293 : i32
    %mul3A_295 = arith.constant 624 : i32
    %mul3A_296 = arith.muli %arg1, %mul3A_295 : i32
    %add3A_297 = arith.addi %mul3A_294, %mul3A_296 : i32
    %dma_start3A_298 = arith.constant 0 : i32
    %dma_start3A_299 = tpu.memref_slice %arg5[%add3A_297, %dma_start3A_298] : memref<20000x64xf32, #tpu.memory_space<hbm>> -> memref<640x64xf32, #tpu.memory_space<hbm>>
    %dma_start3A_300 = arith.constant 0 : i32
    %dma_start3A_301 = tpu.memref_slice %arg12[%mul3A_292, %dma_start3A_300] : memref<10240x64xf32, #tpu.memory_space<vmem_shared>> -> memref<640x64xf32, #tpu.memory_space<vmem_shared>>
    tpu.enqueue_dma source(%dma_start3A_301 : memref<640x64xf32, #tpu.memory_space<vmem_shared>>) target(%dma_start3A_299 : memref<640x64xf32, #tpu.memory_space<hbm>>) target_semaphore(%arg13 : memref<!tpu.dma_semaphore, #tpu.memory_space<semaphore_mem>>)
    %dma_wait3A_302 = arith.constant 0 : i32
    %dma_wait3A_303 = tpu.memref_slice %arg5[%add3A_297, %dma_wait3A_302] : memref<20000x64xf32, #tpu.memory_space<hbm>> -> memref<640x64xf32, #tpu.memory_space<hbm>>
    %dma_wait3A_304 = arith.constant 0 : i32
    %dma_wait3A_305 = tpu.memref_slice %arg12[%mul3A_292, %dma_wait3A_304] : memref<10240x64xf32, #tpu.memory_space<vmem_shared>> -> memref<640x64xf32, #tpu.memory_space<vmem_shared>>
    tpu.wait_dma2 semaphore(%arg13 : memref<!tpu.dma_semaphore, #tpu.memory_space<semaphore_mem>>) src(%dma_wait3A_305 : memref<640x64xf32, #tpu.memory_space<vmem_shared>>) dst(%dma_wait3A_303 : memref<640x64xf32, #tpu.memory_space<hbm>>)
    return
  }
}

module attributes {stable_mosaic.version = 14 : i64} {
  func.func @_tc_combine_body(%arg0: memref<20000x64xf32, #tpu.memory_space<vmem>>, %arg1: memref<20000x16xf32, #tpu.memory_space<vmem>>, %arg2: memref<10000x64xf32, #tpu.memory_space<vmem>>, %arg3: memref<64x64xf32, #tpu.memory_space<vmem>>, %arg4: memref<1x64xf32, #tpu.memory_space<vmem>>, %arg5: memref<10000x64xf32, #tpu.memory_space<vmem>>) attributes {dimension_semantics = [], scalar_prefetch = 0 : i64, scratch_operands = 0 : i64, tpu.core_type = #tpu.core_type<tc>} {
    %get3A = arith.constant 0 : index
    %get3A_0 = arith.constant 0 : index
    %get3A_1 = vector.load %arg0[%get3A, %get3A_0] : memref<20000x64xf32, #tpu.memory_space<vmem>>, vector<10000x64xf32>
    %get3A_2 = arith.constant 10000 : index
    %get3A_3 = arith.constant 0 : index
    %get3A_4 = vector.load %arg0[%get3A_2, %get3A_3] : memref<20000x64xf32, #tpu.memory_space<vmem>>, vector<10000x64xf32>
    %add3A = arith.addf %get3A_1, %get3A_4 : vector<10000x64xf32>
    %get3A_5 = arith.constant 0 : index
    %get3A_6 = arith.constant 0 : index
    %get3A_7 = vector.load %arg1[%get3A_5, %get3A_6] : memref<20000x16xf32, #tpu.memory_space<vmem>>, vector<10000x16xf32>
    %get3A_8 = arith.constant 10000 : index
    %get3A_9 = arith.constant 0 : index
    %get3A_10 = vector.load %arg1[%get3A_8, %get3A_9] : memref<20000x16xf32, #tpu.memory_space<vmem>>, vector<10000x16xf32>
    %add3A_11 = arith.addf %get3A_7, %get3A_10 : vector<10000x16xf32>
    %reduce_sum3A = arith.constant dense<0.000000e+00> : vector<10000xf32>
    %reduce_sum3A_12 = vector.multi_reduction <add>, %add3A_11, %reduce_sum3A [1] : vector<10000x16xf32> to vector<10000xf32>
    %broadcast_in_dim3A = vector.shape_cast %reduce_sum3A_12 : vector<10000xf32> to vector<10000x1xf32>
    %mul3A = arith.constant 6.250000e-02 : f32
    %mul3A_13 = vector.broadcast %mul3A : f32 to vector<10000x1xf32>
    %mul3A_14 = arith.mulf %broadcast_in_dim3A, %mul3A_13 : vector<10000x1xf32>
    %max3A = arith.constant 1.000000e+00 : f32
    %max3A_15 = vector.broadcast %max3A : f32 to vector<10000x1xf32>
    %max3A_16 = arith.maximumf %mul3A_14, %max3A_15 : vector<10000x1xf32>
    %div3A = arith.constant 1.000000e+00 : f32
    %div3A_17 = vector.broadcast %div3A : f32 to vector<10000x1xf32>
    %div3A_18 = arith.divf %div3A_17, %max3A_16 : vector<10000x1xf32>
    %mul3A_19 = vector.broadcast %div3A_18 : vector<10000x1xf32> to vector<10000x64xf32>
    %mul3A_20 = arith.mulf %add3A, %mul3A_19 : vector<10000x64xf32>
    %get3A_21 = arith.constant 0 : index
    %get3A_22 = arith.constant 0 : index
    %get3A_23 = vector.load %arg3[%get3A_21, %get3A_22] : memref<64x64xf32, #tpu.memory_space<vmem>>, vector<64x64xf32>
    %dot_general3A = arith.constant dense<0.000000e+00> : vector<10000x64xf32>
    %dot_general3A_24 = tpu.matmul %mul3A_20, %get3A_23, %dot_general3A {dimension_numbers = #tpu.dot_dimension_numbers<[1], [0], [0], [1], [0, 0, 1, 1], [], []>, transpose_lhs_hint = false} : vector<10000x64xf32>, vector<64x64xf32>, vector<10000x64xf32> -> vector<10000x64xf32>
    %get3A_25 = arith.constant 0 : index
    %get3A_26 = arith.constant 0 : index
    %get3A_27 = vector.load %arg2[%get3A_25, %get3A_26] : memref<10000x64xf32, #tpu.memory_space<vmem>>, vector<10000x64xf32>
    %get3A_28 = arith.constant 0 : index
    %get3A_29 = arith.constant 0 : index
    %get3A_30 = vector.load %arg4[%get3A_28, %get3A_29] : memref<1x64xf32, #tpu.memory_space<vmem>>, vector<1x64xf32>
    %add3A_31 = vector.broadcast %get3A_30 : vector<1x64xf32> to vector<10000x64xf32>
    %add3A_32 = arith.addf %dot_general3A_24, %add3A_31 : vector<10000x64xf32>
    %max3A_33 = arith.constant 0.000000e+00 : f32
    %max3A_34 = vector.broadcast %max3A_33 : f32 to vector<10000x64xf32>
    %max3A_35 = arith.maximumf %add3A_32, %max3A_34 : vector<10000x64xf32>
    %add3A_36 = arith.addf %get3A_27, %max3A_35 : vector<10000x64xf32>
    %swap3A = arith.constant 0 : index
    %swap3A_37 = arith.constant 0 : index
    %swap3A_38 = vector.load %arg5[%swap3A, %swap3A_37] : memref<10000x64xf32, #tpu.memory_space<vmem>>, vector<10000x64xf32>
    tpu.vector_store %arg5[%swap3A, %swap3A_37], %add3A_36 {strides = array<i32>} : memref<10000x64xf32, #tpu.memory_space<vmem>>, vector<10000x64xf32>,
    return
  }
}

</mosaic_0001>

<sc_bundles>
// kernel: kernel.6.cloned.1.call-start
scs
__scs_entry_jumppad:
0x0: {  	(pc) =	sbr.rel $0x88, $3  }
0x1: {  	(tag) =	ssettag $0x0;
	lr =	simm.s32 $0x1  }
0x2: {  	[smem:$0x3F9B] =	sst lr;
	_ =	strace $0xD0000000  }
0x3: {  	_ = 	snop  }
0x4: {  	_ = 	snop  }
0x5: {  	_ = 	snop  }
0x6: {  	_ = 	snop  }
0x7: {  	_ = 	snop  }
__scs_overlays_trampoline_lowered:
0x8: {  	[smem:$0x3FAA] =	sst s0  }
0x9: {  	[smem:$0x3FAB] =	sst s1  }
0xa: {  	[smem:$0x3FAC] =	sst s2  }
0xb: {  	[smem:$0x3FAD] =	sst s3  }
0xc: {  	[smem:$0x3FAE] =	sst s4  }
0xd: {  	[smem:$0x3FAF] =	sst s5  }
0xe: {  	[smem:$0x3FB0] =	sst s6  }
0xf: {  	[smem:$0x3FB1] =	sst s7  }
0x10: {  	[smem:$0x3FB2] =	sst s8  }
0x11: {  	[smem:$0x3FB3] =	sst s9;
	s0 =	simm.s32 @!p0 $0x0  }
0x12: {  	s1 =	sld [smem:$0x3F99];
	s0 =	simm.s32 @p0 $0x1  }
0x13: {  	[smem:$0x3FB4] =	sst s0;
	s0 =	simm.s32 @!p1 $0x0  }
0x14: {  	s2 =	sld [smem:$0x3F98];
	s0 =	simm.s32 @p1 $0x1  }
0x15: {  	[smem:$0x3FB5] =	sst s0;
	s0 =	simm.s32 @!p2 $0x0  }
0x16: {  	s3 =	sld [smem:$0x3FDB];
	s0 =	simm.s32 @p2 $0x1  }
0x17: {  	s4 =	simm.s32 $0x1BF5;
	[smem:$0x3FB7] =	sst s0  }
0x18: {  	s0 =	sld [smem:$0x3F9A];
	_ =	swait.ge [sflag:s4], $0x0  }
0x19: {  	s7 =	sld [smem:$0x3F9B]  }
0x1a: {  	s8 =	sadd.s32 $0xFFFFE003, lr  }
0x1b: {  	s9 =	sadd.s32 $0xFFFFFEF7, lr;
	s5 =	simm.s32 $0xFFFFFFFF;
	p2 =	slt.u32 s8, $0xFFFFF086  }
0x1c: {  	p1 =	slt.u32 s9, $0xF7A;
	s5 =	simm.s32 @!p2 $0x0  }
0x1d: {  	s5 =	simm.s32 @p1 $0x1;
	p0 =	seq.s32 s7, s2  }
0x1e: {  	s7 =	smul.u32 @!p0 $0xF7A, s2;
	p2 =	seq.s32 @!p0 s5, $0x0  }
0x1f: {  	s9 =	smul.u32 $0xF7A, s1;
	s8 =	simm.s32 @!p0 $0x1BF5;
	p2 =	por !p2, p0  }
0x20: {  	[sflag:s8] =	ssyncset.s32 @!p0 $0xFFFFF086;
	s6 =	sadd.s32 @!p0 s3, s7;
	s7 =	simm.s32 @!p0 $0x108  }
0x21: {  	s3 =	sadd.s32 s3, s9;
	s6 =	sadd.s32 @!p0 $0x88, s6;
	s7 =	simm.s32 @p2 $0x1082  }
0x22: {  	[simem:s7], [sflag:s8] =	dma.local @!p0 [hbm:s6], $0xF7A  }
0x23: {  	s9 =	sor.u32 $0xD0000000, s2;
	s6 =	simm.s32 $0x108;
	_ =	swait.ge @!p0 [sflag:s8], $0x0  }
0x24: {  	s3 =	sadd.s32 $0x88, s3;
	s6 =	simm.s32 @!p1 $0x1082;
	[sflag:s4] =	ssyncset.s32 $0xFFFFF086  }
0x25: {  	[simem:s6], [sflag:s4] =	dma.local [hbm:s3], $0xF7A  }
0x26: {  	[smem:$0x3F9B] =	sst s1;
	(tag) =	ssettag s2;
	_ =	strace s9  }
0x27: {  	s1 =	sld [smem:$0x3FAB]  }
0x28: {  	s2 =	sld [smem:$0x3FAC]  }
0x29: {  	s4 =	sld [smem:$0x3FAE]  }
0x2a: {  	p0 =	seq.s32 s5, $0x0;
	s5 =	sld [smem:$0x3FAF]  }
0x2b: {  	s6 =	sld [smem:$0x3FB0]  }
0x2c: {  	s7 =	sld [smem:$0x3FB1]  }
0x2d: {  	s3 =	simm.s32 $0x108;
	s8 =	sld [smem:$0x3FB2]  }
0x2e: {  	s3 =	simm.s32 @!p0 $0x1082;
	s9 =	sld [smem:$0x3FB3]  }
0x2f: {  	lr =	sadd.s32 s0, s3;
	s0 =	sld [smem:$0x3FAA]  }
0x30: {  	s3 =	sld [smem:$0x3FAD]  }
0x31: {  	[smem:$0x3FB6] =	sst s10  }
0x32: {  	s10 =	sld [smem:$0x3FB4];
	_ =	sdelay $0x3  }
0x33: {  	p0 =	seq.s32 s10, $0x1;
	s10 =	sld [smem:$0x3FB6];
	_ =	sdelay $0x3  }
0x34: {  	[smem:$0x3FB6] =	sst s10  }
0x35: {  	s10 =	sld [smem:$0x3FB5];
	_ =	sdelay $0x3  }
0x36: {  	p1 =	seq.s32 s10, $0x1;
	s10 =	sld [smem:$0x3FB6];
	_ =	sdelay $0x3  }
0x37: {  	[smem:$0x3FB6] =	sst s10  }
0x38: {  	s10 =	sld [smem:$0x3FB7]  }
0x39: {  	_ = 	snop;
	(pc) =	sbr.ind lr, $3  }
0x3a: {  	_ = 	snop  }
0x3b: {  	_ = 	snop  }
0x3c: {  	p2 =	seq.s32 s10, $0x1;
	s10 =	sld [smem:$0x3FB6]  }
0x3d: {  	_ =	shalt  }
0x3e: {  	_ =	shalt  }
0x3f: {  	_ =	shalt  }
0x40: {  	_ =	shalt  }
0x41: {  	_ =	shalt  }
0x42: {  	_ =	shalt  }
0x43: {  	_ =	shalt  }
0x44: {  	_ =	shalt  }
0x45: {  	_ =	shalt  }
0x46: {  	_ =	shalt  }
0x47: {  	_ =	shalt  }
0x48: {  	_ =	shalt  }
0x49: {  	_ =	shalt  }
0x4a: {  	_ =	shalt  }
0x4b: {  	_ =	shalt  }
0x4c: {  	_ =	shalt  }
0x4d: {  	_ =	shalt  }
0x4e: {  	_ =	shalt  }
0x4f: {  	_ =	shalt  }
0x50: {  	_ =	shalt  }
0x51: {  	_ =	shalt  }
0x52: {  	_ =	shalt  }
0x53: {  	_ =	shalt  }
0x54: {  	_ =	shalt  }
0x55: {  	_ =	shalt  }
0x56: {  	_ =	shalt  }
0x57: {  	_ =	shalt  }
0x58: {  	_ =	shalt  }
0x59: {  	_ =	shalt  }
0x5a: {  	_ =	shalt  }
0x5b: {  	_ =	shalt  }
0x5c: {  	_ =	shalt  }
0x5d: {  	_ =	shalt  }
0x5e: {  	_ =	shalt  }
0x5f: {  	_ =	shalt  }
0x60: {  	_ =	shalt  }
0x61: {  	_ =	shalt  }
0x62: {  	_ =	shalt  }
0x63: {  	_ =	shalt  }
0x64: {  	_ =	shalt  }
0x65: {  	_ =	shalt  }
0x66: {  	_ =	shalt  }
0x67: {  	_ =	shalt  }
0x68: {  	_ =	shalt  }
0x69: {  	_ =	shalt  }
0x6a: {  	_ =	shalt  }
0x6b: {  	_ =	shalt  }
0x6c: {  	_ =	shalt  }
0x6d: {  	_ =	shalt  }
0x6e: {  	_ =	shalt  }
0x6f: {  	_ =	shalt  }
0x70: {  	_ =	shalt  }
0x71: {  	_ =	shalt  }
0x72: {  	_ =	shalt  }
0x73: {  	_ =	shalt  }
0x74: {  	_ =	shalt  }
0x75: {  	_ =	shalt  }
0x76: {  	_ =	shalt  }
0x77: {  	_ =	shalt  }
0x78: {  	_ =	shalt  }
0x79: {  	_ =	shalt  }
0x7a: {  	_ =	shalt  }
0x7b: {  	_ =	shalt  }
0x7c: {  	_ =	shalt  }
0x7d: {  	_ =	shalt  }
0x7e: {  	_ =	shalt  }
0x7f: {  	_ =	shalt  }
0x80: {  	_ =	shalt  }
0x81: {  	_ =	shalt  }
0x82: {  	_ =	shalt  }
0x83: {  	_ =	shalt  }
0x84: {  	_ =	shalt  }
0x85: {  	_ =	shalt  }
0x86: {  	_ =	shalt  }
0x87: {  	_ =	shalt  }
.Lfunc_end0:
.L_simem_size_0:
called_computation_lowered:
.L_overlay_start_0:
0x88: {  	s2 =	sld [smem:$0x3FD9]  }
0x89: {  	s3 =	sld [smem:$0x3FFE];
	_ =	sdelay $0x1  }
0x8a: {  	s1 =	srdreg.scid  }
0x8b: {  	s0 =	sand.u32 $0x1, s1  }
0x8c: {  	s17 =	sshll.u32 s0, $0xA;
	s2 =	sadd.s32 s3, s2  }
0x8d: {  	s2 =	sadd.s32 s2, s17  }
0x8e: {  	[smem:$0x3FC2] =	sst s2  }
0x8f: {  	_ = 	snop  }
0x90: {  	s2 =	sld [smem:$0x3FD0];
	(tm) =	ssettm $0x1  }
0x91: {  	s18 =	sld [smem:$0x3FFB];
	_ =	sdelay $0x3  }
0x92: {  	_ =	strace s18  }
0x93: {  	s3 =	sld [smem:$0x3FFC];
	_ =	sdelay $0x3  }
0x94: {  	_ =	strace s3  }
0x95: {  	s3 =	sld [smem:$0x3FFD];
	_ =	sdelay $0x3  }
0x96: {  	_ =	strace s3  }
0x97: {  	_ =	strace $0x8FFFFFFF  }
0x98: {  	s19 =	sld [smem:$0x3FDB];
	_ =	sdelay $0x1  }
0x99: {  	s4 =	simm.s32 $_scs_section_size  }
0x9a: {  	s5 =	simm.s32 $_size__tile_overlayer_lowered;
	s6 =	simm.s32 $_tile_overlayer_lowered  }
0x9b: {  	s22 =	simm.s32 $0x1BFF;
	s21 =	sshll.u32 s6, $0x1;
	s3 =	sadd.s32 s4, s19  }
0x9c: {  	s7 =	simm.s32 $0x0;
	s20 =	sshll.u32 s5, $0x1;
	s5 =	sadd.s32 s21, s3  }
0x9d: {  	[timem:s7], [sflag:s22] =	dma.local [hbm:s5], s20  }
0x9e: {  	_ =	swait.ge [sflag:s22], s20  }
0x9f: {  	s4 =	ssub.s32 $0x0, s20;
	[sflag:s22] =	ssyncset.done $0x0  }
0xa0: {  	[sflag:s22] =	ssyncadd.s32 s4;
	_ =	sdelay $0x1  }
0xa1: {  	s23 =	simm.s32 $0x1B8B  }
0xa2: {  	_ =	swait.ge [sflag:s23], $0x1  }
0xa3: {  	[sflag:s23] =	ssyncset.done $0x0  }
0xa4: {  	s25 =	simm.s32 $0x1B8E;
	s24 =	sld [smem:$0x3FFE];
	[sflag:s23] =	ssyncadd.s32 $0xFFFFFFFF  }
0xa5: {  	s26 =	simm.s32 $execute0_lowered;
	[smem:$0x3FD2] =	sst s25  }
0xa6: {  	s5 =	sshll.u32 s26, $0x1;
	_ =	strace $0x80000046;
	[dreg:$0x1] =	wrdreg $0xFFFFFFFF  }
0xa7: {  	s28 =	simm.s32 $_size_execute0_lowered;
	s3 =	sadd.s32 s3, s5;
	[dreg:$0x0] =	wrdreg $0x0  }
0xa8: {  	s5 =	sshll.u32 s28, $0x1;
	[dreg:$0x2] =	wrdreg s3  }
0xa9: {  	[dreg:$0x3] =	wrdreg s5  }
0xaa: {  	[dreg:$0x4] =	wrdreg $0xC0  }
0xab: {  	_ =	task [dreg:s7], $0x5FFFF  }
0xac: {  	[dreg:$0x1] =	wrdreg $0xFFFFFFFF  }
0xad: {  	[dreg:$0x0] =	wrdreg $0x60  }
0xae: {  	[dreg:$0x2] =	wrdreg s24  }
0xaf: {  	[dreg:$0x3] =	wrdreg s2  }
0xb0: {  	[dreg:$0x4] =	wrdreg $0x110000  }
0xb1: {  	[dreg:$0x5] =	wrdreg $0x1C0000  }
0xb2: {  	[dreg:$0x6] =	wrdreg $0x9  }
0xb3: {  	_ =	task.clear_ibuf [dreg:s7], $0x7FFFF;
	_ =	strace $0x90000046  }
0xb4: {  	s29 =	simm.s32 $0x9;
	_ =	strace $0x80000048  }
0xb5: {  	_ =	swait.ge [sflag:s29], $0x1  }
0xb6: {  	[sflag:s29] =	ssyncadd.s32 $0xFFFFFFFF  }
0xb7: {  	_ =	strace $0x90000048  }
0xb8: {  	_ =	sfence  }
0xb9: {  	s30 =	sld [smem:$0x0];
	_ =	sdelay $0x2  }
0xba: {  	s31 =	sshll.u32 s1, $0xD;
	s1 =	sshrl.u32 s1, $0x2  }
0xbb: {  	s3 =	sand.u32 $0x4000, s31;
	s1 =	sadd.s32 s1, s30  }
0xbc: {  	s0 =	sor.u32 s3, s0;
	s1 =	sshll.u32 s1, $0x11  }
0xbd: {  	s0 =	sor.u32 s1, s0  }
0xbe: {  	s0 =	sadd.s32 $0x8F2B, s0  }
0xbf: {  	[sflag:s0] =	ssyncadd.remote.s32 $0x1  }
0xc0: {  	_ =	sfence.sel $0xFFFF  }
0xc1: {  	[dreg:$0x0] =	wrdreg $0xFFFFFFFF;
	(pc) =	sbr.abs _section_cstart, $3  }
0xc2: {  	[dreg:$0x1] =	wrdreg $0xFFFFFFFF  }
0xc3: {  	_ =	task.clear_ibuf [dreg:s7], $0x2FFFF;
	_ =	strace $0x9FFFFFFF  }
0xc4: {  	(tm) =	ssettm $0x7FFFFFFF  }
0xc5: {  	_ =	shalt  }
tec
execute0_lowered:
.L_overlay_start_1:
0x0: {  	(tag) =	ssettag $0x1  }
0x1: {  	s0 =	rddreg [dreg:$0x0]  }
0x2: {  	s2 =	rddreg [dreg:$0x1]  }
0x3: {  	s1 =	rddreg [dreg:$0x2]  }
0x4: {  	s3 =	rddreg [dreg:$0x3]  }
0x5: {  	s4 =	simm.s32 $0x0;
	s5 =	srdreg.scid;
	s16 =	stileid.u32  }
0x6: {  	s14 =	simm.s32 $0x24;
	s28 =	simm.s32 $0xA;
	s7 =	smul.u32 $0x270, s16  }
0x7: {  	s29 =	simm.s32 $0x6;
	s31 =	simm.s32 $0x7;
	s13 =	smul.u32 $0x1200, s16  }
0x8: {  	[smem:$0x7FF] =	sst s4;
	s6 =	sand.u32 $0x1, s5;
	s15 =	smul.u32 $0x280, s16  }
0x9: {  	s5 =	sadd.s32 $0x1C00, s0;
	s9 =	sadd.s32 $0x27600, s0;
	s25 =	smul.u32 $0x28000, s16  }
0xa: {  	s10 =	sshll.u32 s16, $0x1;
	s11 =	sadd.s32 $0x15600, s0;
	s26 =	smul.u32 $0xA000, s16  }
0xb: {  	_ =	strace $0x80000047;
	s8 =	smul.u32 $0x2710, s6;
	s12 =	ssub.s32 $0x2, s6  }
0xc: {  	s22 =	sor.u32 s6, s10;
	p0 =	seq.s32 s6, $0x0;
	s24 =	sshrl.u32 s12, $0x1  }
0xd: {  	s14 =	simm.s32 @!p0 $0x4;
	s20 =	sadd.s32 $0x100, s15;
	p0 =	sne.s32 s6, $0x0  }
0xe: {  	s7 =	sadd.s32 s7, s8;
	s8 =	smul.u32 $0x900, s22;
	s10 =	ssub.s32 s12, s24  }
0xf: {  	s21 =	sshll.u32 s20, $0x6;
	s22 =	sadd.s32 $0x180, s15;
	s12 =	sshll.u32 s14, $0x9  }
0x10: {  	s23 =	sshll.u32 s7, $0x1;
	s24 =	sshll.u32 s22, $0x4;
	s7 =	sshll.u32 s7, $0x3  }
0x11: {  	s0 =	sadd.s32 s23, s0;
	s17 =	sadd.s32 s9, s8;
	s8 =	sadd.s32 s11, s8  }
0x12: {  	s9 =	sadd.s32 s9, s13;
	s11 =	sadd.s32 s11, s13;
	[dreg:$0x5] =	wrdreg s17  }
0x13: {  	s13 =	sshrl.u32 s25, $0x2;
	s23 =	sshll.u32 s22, $0x6;
	[dreg:$0x6] =	wrdreg s8  }
0x14: {  	s25 =	sadd.s32 $0x200, s15;
	s2 =	sadd.s32 s2, s7;
	[dreg:$0x7] =	wrdreg s9  }
0x15: {  	s7 =	simm.s32 $0x1B800;
	[dreg:$0x8] =	wrdreg s11;
	s9 =	sadd.s32 s13, s1  }
0x16: {  	s8 =	sshrl.u32 s26, $0x2;
	s17 =	sadd.s32 $0x80, s15;
	s26 =	sshll.u32 s25, $0x6  }
0x17: {  	[dreg:$0x13] =	wrdreg s2;
	s13 =	sshll.u32 s14, $0xB;
	s15 =	smul.u32 $0x27000, s16  }
0x18: {  	s0 =	sadd.s32 $0x39600, s0;
	[dreg:$0x9] =	wrdreg s9;
	s8 =	sadd.s32 s8, s3  }
0x19: {  	s18 =	sshll.u32 s17, $0x6;
	s9 =	sshll.u32 s17, $0x4;
	s14 =	sshrl.u32 s13, $0x2  }
0x1a: {  	s17 =	smul.u32 $0x9C00, s16;
	[dreg:$0x16] =	wrdreg s0;
	s30 =	sadd.s32 $0xFFFFF000, s13  }
0x1b: {  	s13 =	simm.s32 $0xD000;
	s16 =	simm.s32 $0xF000;
	[dreg:$0xa] =	wrdreg s8  }
0x1c: {  	s8 =	sadd.s32 s18, s1;
	s19 =	sadd.s32 s9, s3;
	s9 =	sadd.s32 s21, s1  }
0x1d: {  	s21 =	sadd.s32 $0x4600, s14;
	s22 =	sadd.s32 $0x4680, s14;
	[dreg:$0xb] =	wrdreg s8  }
0x1e: {  	s18 =	sadd.s32 $0xFFFFFF00, s12;
	s14 =	simm.s32 $0x2;
	[dreg:$0xc] =	wrdreg s19  }
0x1f: {  	s8 =	sshll.u32 s20, $0x4;
	[dreg:$0xd] =	wrdreg s9;
	s9 =	sshll.u32 s25, $0x4  }
0x20: {  	[dreg:$0x14] =	wrdreg s18;
	s19 =	sadd.s32 $0xFFFFFF80, s12;
	s25 =	sadd.s32 $0x4700, s12  }
0x21: {  	s20 =	sshrl.u32 s15, $0x2;
	s6 =	sshrl.u32 s17, $0x2;
	s17 =	simm.s32 $0x3  }
0x22: {  	s8 =	sadd.s32 s8, s3;
	s11 =	sadd.s32 s9, s3;
	[dreg:$0x15] =	wrdreg s19  }
0x23: {  	s2 =	sadd.s32 s20, s1;
	s9 =	simm.s32 $0xB000;
	s19 =	simm.s32 $0x9  }
0x24: {  	s20 =	simm.s32 $0x5;
	[dreg:$0xe] =	wrdreg s8;
	s8 =	sadd.s32 s23, s1  }
0x25: {  	[dreg:$0x12] =	wrdreg s11;
	s23 =	sadd.s32 s6, s3;
	s2 =	sshrl.u32 s2, $0x3  }
0x26: {  	s6 =	simm.s32 $0xB;
	[dreg:$0xf] =	wrdreg s8;
	s8 =	sadd.s32 s24, s3  }
0x27: {  	s24 =	smax.u32 s10, $0x1;
	[dreg:$0x18] =	wrdreg s2;
	s0 =	sshrl.u32 s23, $0x3  }
0x28: {  	s2 =	simm.s32 $0x9000;
	s10 =	simm.s32 $0x1;
	[dreg:$0x10] =	wrdreg s8  }
0x29: {  	s23 =	simm.s32 $0x4;
	s8 =	sadd.s32 s26, s1;
	[dreg:$0x17] =	wrdreg s24  }
0x2a: {  	s26 =	sadd.s32 $0x4780, s12;
	[dreg:$0x19] =	wrdreg s0;
	s12 =	simm.s32 $0x1B000  }
0x2b: {  	v0 =	vimm.f32 $0.0e+00;
	v1 =	vimm.f32 $1.000000000e+00;
	s0 =	simm.s32 $0x8;
	[dreg:$0x11] =	wrdreg s8;
	s8 =	simm.s32 $0x80  }
.LBB2_1:
0x2c: {  	s11 =	simm.s32 @p0 $0x0;
	s15 =	rddreg [dreg:$0x5]  }
0x2d: {  	[tilespmem:s11], [sflag:$0x2] =	stream.linear.gather @p0 [hbm4b:s15+s11], $0x800, $0x38;
	[tilespmem:$0x1E800] =	vst v63  }
0x2e: {  	s18 =	rddreg [dreg:$0x6];
	s15 =	simm.s32 @p0 $0x4800  }
0x2f: {  	[tilespmem:s15], [sflag:$0x3] =	stream.linear.gather @p0 [hbm4b:s18+s11], $0x800, $0x38;
	[tilespmem:$0x1E800] =	vst v63  }
0x30: {  	s11 =	simm.s32 @!p0 $0x0;
	s15 =	rddreg [dreg:$0x7]  }
0x31: {  	[tilespmem:s11], [sflag:$0x2] =	stream.linear.gather @!p0 [hbm4b:s15+s11], $0x4800, $0x38;
	[tilespmem:$0x1E800] =	vst v63  }
0x32: {  	s18 =	rddreg [dreg:$0x8];
	s15 =	simm.s32 @!p0 $0x4800  }
0x33: {  	[tilespmem:s15], [sflag:$0x3] =	stream.linear.gather @!p0 [hbm4b:s18+s11], $0x4800, $0x38;
	[tilespmem:$0x1E800] =	vst v63  }
0x34: {  	s11 =	simm.s32 $0x9020  }
0x35: {  	[tilespmem:s11+$0xFFFFFFE0] =	vst v0  }
0x36: {  	[tilespmem:s11+$0x10] =	vst v0  }
0x37: {  	[tilespmem:s11+$0x0] =	vst v0  }
0x38: {  	s15 =	simm.s32 $0x40;
	s18 =	simm.s32 $0x0;
	[tilespmem:s11+$0xFFFFFFF0] =	vst v0  }
.LBB2_2:
0x39: {  	p1 =	sne.s32 s15, $0x1FC0  }
0x3a: {  	[tilespmem:s18+$0x1B800] =	vst v0;
	s11 =	sadd.s32 $0x40, s11;
	s24 =	smov.u32 s15;
	s15 =	sadd.s32 $0x40, s15  }
.Ltmp0:
0x3b: {  	[tilespmem:s18+$0x1B000] =	vst v1;
	(pc) =	sbr.rel @p1 .LBB2_2-.Ltmp0, $4  }
0x3c: {  	[tilespmem:s11+$0xFFFFFFE0] =	vst v0  }
0x3d: {  	[tilespmem:s11+$0x10] =	vst v0  }
0x3e: {  	[tilespmem:s11+$0x0] =	vst v0  }
0x3f: {  	s18 =	sshra.s32 s24, $0x2;
	[tilespmem:s11+$0xFFFFFFF0] =	vst v0  }
0x40: {  	[tilespmem:s18+$0x1B800] =	vst v0  }
0x41: {  	[tilespmem:s18+$0x1B000] =	vst v1;
	s11 =	rddreg [dreg:$0x9]  }
0x42: {  	[spmem:s11] =	stream.linear.scatter [tilespmem:s2], [sflag:$0xB], $0x2000, $0x38;
	[tilespmem:$0x1E800] =	vst v63  }
0x43: {  	_ =	swait.ge [sflag:s6], $0x2000  }
0x44: {  	[sflag:s6] =	ssyncset.done $0x0  }
0x45: {  	s24 =	rddreg [dreg:$0xa];
	[sflag:s6] =	ssyncadd.s32 $0xFFFFE000  }
0x46: {  	[spmem:s24] =	stream.linear.scatter [tilespmem:s7], [sflag:$0xB], $0x800, $0x38;
	[tilespmem:$0x1E800] =	vst v63  }
0x47: {  	_ =	swait.ge [sflag:s6], $0x800  }
0x48: {  	[sflag:s6] =	ssyncset.done $0x0  }
0x49: {  	s15 =	rddreg [dreg:$0xb];
	[sflag:s6] =	ssyncadd.s32 $0xFFFFF800  }
0x4a: {  	[spmem:s15] =	stream.linear.scatter [tilespmem:s2], [sflag:$0xB], $0x2000, $0x38;
	[tilespmem:$0x1E800] =	vst v63  }
0x4b: {  	_ =	swait.ge [sflag:s6], $0x2000  }
0x4c: {  	[sflag:s6] =	ssyncset.done $0x0  }
0x4d: {  	s18 =	rddreg [dreg:$0xc];
	[sflag:s6] =	ssyncadd.s32 $0xFFFFE000  }
0x4e: {  	[spmem:s18] =	stream.linear.scatter [tilespmem:s7], [sflag:$0xB], $0x800, $0x38;
	[tilespmem:$0x1E800] =	vst v63  }
0x4f: {  	_ =	swait.ge [sflag:s6], $0x800  }
0x50: {  	[sflag:s6] =	ssyncset.done $0x0  }
0x51: {  	s24 =	rddreg [dreg:$0xd];
	[sflag:s6] =	ssyncadd.s32 $0xFFFFF800  }
0x52: {  	[spmem:s24] =	stream.linear.scatter [tilespmem:s2], [sflag:$0xB], $0x2000, $0x38;
	[tilespmem:$0x1E800] =	vst v63  }
0x53: {  	_ =	swait.ge [sflag:s6], $0x2000  }
0x54: {  	[sflag:s6] =	ssyncset.done $0x0  }
0x55: {  	s15 =	rddreg [dreg:$0xe];
	[sflag:s6] =	ssyncadd.s32 $0xFFFFE000  }
0x56: {  	[spmem:s15] =	stream.linear.scatter [tilespmem:s7], [sflag:$0xB], $0x800, $0x38;
	[tilespmem:$0x1E800] =	vst v63  }
0x57: {  	_ =	swait.ge [sflag:s6], $0x800  }
0x58: {  	[sflag:s6] =	ssyncset.done $0x0  }
0x59: {  	s18 =	rddreg [dreg:$0xf];
	[sflag:s6] =	ssyncadd.s32 $0xFFFFF800  }
0x5a: {  	[spmem:s18] =	stream.linear.scatter [tilespmem:s2], [sflag:$0xB], $0x2000, $0x38;
	[tilespmem:$0x1E800] =	vst v63  }
0x5b: {  	_ =	swait.ge [sflag:s6], $0x2000  }
0x5c: {  	[sflag:s6] =	ssyncset.done $0x0  }
0x5d: {  	s24 =	rddreg [dreg:$0x10];
	[sflag:s6] =	ssyncadd.s32 $0xFFFFE000  }
0x5e: {  	[spmem:s24] =	stream.linear.scatter [tilespmem:s7], [sflag:$0xB], $0x800, $0x38;
	[tilespmem:$0x1E800] =	vst v63  }
0x5f: {  	_ =	swait.ge [sflag:s6], $0x800  }
0x60: {  	[sflag:s6] =	ssyncset.done $0x0  }
0x61: {  	s15 =	rddreg [dreg:$0x11];
	[sflag:s6] =	ssyncadd.s32 $0xFFFFF800  }
0x62: {  	[spmem:s15] =	stream.linear.scatter [tilespmem:s2], [sflag:$0xB], $0x2000, $0x38;
	[tilespmem:$0x1E800] =	vst v63  }
0x63: {  	_ =	swait.ge [sflag:s6], $0x2000  }
0x64: {  	[sflag:s6] =	ssyncset.done $0x0  }
0x65: {  	s18 =	rddreg [dreg:$0x12];
	[sflag:s6] =	ssyncadd.s32 $0xFFFFE000  }
0x66: {  	[spmem:s18] =	stream.linear.scatter [tilespmem:s7], [sflag:$0xB], $0x800, $0x38;
	[tilespmem:$0x1E800] =	vst v63  }
0x67: {  	_ =	swait.ge [sflag:s6], $0x800  }
0x68: {  	[sflag:s6] =	ssyncset.done $0x0  }
0x69: {  	s11 =	simm.s32 @p0 $0x2;
	[sflag:s6] =	ssyncadd.s32 $0xFFFFF800  }
0x6a: {  	_ =	swait.ge @p0 [sflag:s11], $0x800  }
0x6b: {  	[sflag:s11] =	ssyncset.done @p0 $0x0  }
0x6c: {  	[sflag:s11] =	ssyncadd.s32 @p0 $0xFFFFF800;
	s11 =	simm.s32 @p0 $0x3  }
0x6d: {  	_ =	swait.ge @p0 [sflag:s11], $0x800  }
0x6e: {  	[sflag:s11] =	ssyncset.done @p0 $0x0  }
0x6f: {  	[sflag:s11] =	ssyncadd.s32 @p0 $0xFFFFF800;
	s11 =	simm.s32 @!p0 $0x2  }
0x70: {  	_ =	swait.ge @!p0 [sflag:s11], $0x4800  }
0x71: {  	[sflag:s11] =	ssyncset.done @!p0 $0x0  }
0x72: {  	[sflag:s11] =	ssyncadd.s32 @!p0 $0xFFFFB800;
	s11 =	simm.s32 @!p0 $0x3  }
0x73: {  	_ =	swait.ge @!p0 [sflag:s11], $0x4800  }
0x74: {  	[sflag:s11] =	ssyncset.done @!p0 $0x0  }
0x75: {  	[sflag:s11] =	ssyncadd.s32 @!p0 $0xFFFFB800  }
0x76: {  	s24 =	simm.s32 $0x0;
	[bflag:$0x0] =	sbarrier.arrive $0xFFFF  }
0x77: {  	[tilespmem:s2], [sflag:$0x1] =	stream.indirect.gather [hbm4b:s5+s8], $0x40, s24, s8, $0xb8;
	[tilespmem:$0x1E800] =	vst v63  }
0x78: {  	_ = 	snop  }
0x79: {  	[tilespmem:s9], [sflag:$0x2] =	stream.indirect.gather [hbm4b:s5+s8], $0x40, s8, s8, $0xb8;
	[tilespmem:$0x1E800] =	vst v63  }
0x7a: {  	_ =	swait.ge [sflag:s10], $0x2000  }
0x7b: {  	[sflag:s10] =	ssyncset.done $0x0  }
0x7c: {  	s15 =	simm.s32 $0x4800;
	[sflag:s10] =	ssyncadd.s32 $0xFFFFE000  }
0x7d: {  	[spmem:s1] =	stream.indirect.scatter.add.f32 [tilespmem:s2], [sflag:$0x5], $0x40, s15, s8, $0xb8;
	[tilespmem:$0x1E800] =	vst v63  }
0x7e: {  	_ = 	snop  }
0x7f: {  	[spmem:s3] =	stream.indirect.scatter.add.f32 [tilespmem:s12], [sflag:$0x9], $0x10, s15, s8, $0xb8;
	[tilespmem:$0x1E800] =	vst v63  }
0x80: {  	s18 =	simm.s32 $0x100  }
0x81: {  	[tilespmem:s13], [sflag:$0x3] =	stream.indirect.gather [hbm4b:s5+s8], $0x40, s18, s8, $0xb8;
	[tilespmem:$0x1E800] =	vst v63  }
0x82: {  	_ =	swait.ge [sflag:s14], $0x2000  }
0x83: {  	[sflag:s14] =	ssyncset.done $0x0  }
0x84: {  	s24 =	simm.s32 $0x4880;
	[sflag:s14] =	ssyncadd.s32 $0xFFFFE000  }
0x85: {  	[spmem:s1] =	stream.indirect.scatter.add.f32 [tilespmem:s9], [sflag:$0x6], $0x40, s24, s8, $0xb8;
	[tilespmem:$0x1E800] =	vst v63  }
0x86: {  	_ = 	snop  }
0x87: {  	[spmem:s3] =	stream.indirect.scatter.add.f32 [tilespmem:s12], [sflag:$0xA], $0x10, s24, s8, $0xb8;
	[tilespmem:$0x1E800] =	vst v63  }
0x88: {  	s15 =	simm.s32 $0x180  }
0x89: {  	[tilespmem:s16], [sflag:$0x4] =	stream.indirect.gather [hbm4b:s5+s8], $0x40, s15, s8, $0xb8;
	[tilespmem:$0x1E800] =	vst v63  }
0x8a: {  	_ =	swait.ge [sflag:s17], $0x2000  }
0x8b: {  	[sflag:s17] =	ssyncset.done $0x0  }
0x8c: {  	s18 =	simm.s32 $0x4900;
	[sflag:s17] =	ssyncadd.s32 $0xFFFFE000  }
0x8d: {  	[spmem:s1] =	stream.indirect.scatter.add.f32 [tilespmem:s13], [sflag:$0x7], $0x40, s18, s8, $0xb8;
	[tilespmem:$0x1E800] =	vst v63  }
0x8e: {  	_ =	swait.ge [sflag:s19], $0x800  }
0x8f: {  	[sflag:s19] =	ssyncset.done $0x0  }
0x90: {  	[sflag:s19] =	ssyncadd.s32 $0xFFFFF800  }
0x91: {  	[spmem:s3] =	stream.indirect.scatter.add.f32 [tilespmem:s12], [sflag:$0x9], $0x10, s18, s8, $0xb8;
	[tilespmem:$0x1E800] =	vst v63  }
0x92: {  	_ =	swait.ge [sflag:s20], $0x2000  }
0x93: {  	[sflag:s20] =	ssyncset.done $0x0  }
0x94: {  	s24 =	simm.s32 $0x200;
	[sflag:s20] =	ssyncadd.s32 $0xFFFFE000  }
0x95: {  	[tilespmem:s2], [sflag:$0x1] =	stream.indirect.gather [hbm4b:s5+s8], $0x40, s24, s8, $0xb8;
	[tilespmem:$0x1E800] =	vst v63  }
0x96: {  	_ =	swait.ge [sflag:s23], $0x2000  }
0x97: {  	[sflag:s23] =	ssyncset.done $0x0  }
0x98: {  	s15 =	simm.s32 $0x4980;
	[sflag:s23] =	ssyncadd.s32 $0xFFFFE000  }
0x99: {  	[spmem:s1] =	stream.indirect.scatter.add.f32 [tilespmem:s16], [sflag:$0x8], $0x40, s15, s8, $0xb8;
	[tilespmem:$0x1E800] =	vst v63  }
0x9a: {  	_ =	swait.ge [sflag:s28], $0x800  }
0x9b: {  	[sflag:s28] =	ssyncset.done $0x0  }
0x9c: {  	[sflag:s28] =	ssyncadd.s32 $0xFFFFF800  }
0x9d: {  	[spmem:s3] =	stream.indirect.scatter.add.f32 [tilespmem:s12], [sflag:$0xA], $0x10, s15, s8, $0xb8;
	[tilespmem:$0x1E800] =	vst v63  }
0x9e: {  	_ =	swait.ge [sflag:s29], $0x2000  }
0x9f: {  	[sflag:s29] =	ssyncset.done $0x0  }
0xa0: {  	s18 =	simm.s32 $0x280;
	[sflag:s29] =	ssyncadd.s32 $0xFFFFE000  }
0xa1: {  	[tilespmem:s9], [sflag:$0x2] =	stream.indirect.gather [hbm4b:s5+s8], $0x40, s18, s8, $0xb8;
	[tilespmem:$0x1E800] =	vst v63  }
0xa2: {  	_ =	swait.ge [sflag:s10], $0x2000  }
0xa3: {  	[sflag:s10] =	ssyncset.done $0x0  }
0xa4: {  	s24 =	simm.s32 $0x4A00;
	[sflag:s10] =	ssyncadd.s32 $0xFFFFE000  }
0xa5: {  	[spmem:s1] =	stream.indirect.scatter.add.f32 [tilespmem:s2], [sflag:$0x5], $0x40, s24, s8, $0xb8;
	[tilespmem:$0x1E800] =	vst v63  }
0xa6: {  	_ =	swait.ge [sflag:s19], $0x800  }
0xa7: {  	[sflag:s19] =	ssyncset.done $0x0  }
0xa8: {  	[sflag:s19] =	ssyncadd.s32 $0xFFFFF800  }
0xa9: {  	[spmem:s3] =	stream.indirect.scatter.add.f32 [tilespmem:s12], [sflag:$0x9], $0x10, s24, s8, $0xb8;
	[tilespmem:$0x1E800] =	vst v63  }
0xaa: {  	_ =	swait.ge [sflag:s31], $0x2000  }
0xab: {  	[sflag:s31] =	ssyncset.done $0x0  }
0xac: {  	s15 =	simm.s32 $0x300;
	[sflag:s31] =	ssyncadd.s32 $0xFFFFE000  }
0xad: {  	[tilespmem:s13], [sflag:$0x3] =	stream.indirect.gather [hbm4b:s5+s8], $0x40, s15, s8, $0xb8;
	[tilespmem:$0x1E800] =	vst v63  }
0xae: {  	_ =	swait.ge [sflag:s14], $0x2000  }
0xaf: {  	[sflag:s14] =	ssyncset.done $0x0  }
0xb0: {  	s18 =	simm.s32 $0x4A80;
	[sflag:s14] =	ssyncadd.s32 $0xFFFFE000  }
0xb1: {  	[spmem:s1] =	stream.indirect.scatter.add.f32 [tilespmem:s9], [sflag:$0x6], $0x40, s18, s8, $0xb8;
	[tilespmem:$0x1E800] =	vst v63  }
0xb2: {  	_ =	swait.ge [sflag:s28], $0x800  }
0xb3: {  	[sflag:s28] =	ssyncset.done $0x0  }
0xb4: {  	[sflag:s28] =	ssyncadd.s32 $0xFFFFF800  }
0xb5: {  	[spmem:s3] =	stream.indirect.scatter.add.f32 [tilespmem:s12], [sflag:$0xA], $0x10, s18, s8, $0xb8;
	[tilespmem:$0x1E800] =	vst v63  }
0xb6: {  	_ =	swait.ge [sflag:s0], $0x2000  }
0xb7: {  	[sflag:s0] =	ssyncset.done $0x0  }
0xb8: {  	s24 =	simm.s32 $0x380;
	[sflag:s0] =	ssyncadd.s32 $0xFFFFE000  }
0xb9: {  	[tilespmem:s16], [sflag:$0x4] =	stream.indirect.gather [hbm4b:s5+s8], $0x40, s24, s8, $0xb8;
	[tilespmem:$0x1E800] =	vst v63  }
0xba: {  	_ =	swait.ge [sflag:s17], $0x2000  }
0xbb: {  	[sflag:s17] =	ssyncset.done $0x0  }
0xbc: {  	s15 =	simm.s32 $0x4B00;
	[sflag:s17] =	ssyncadd.s32 $0xFFFFE000  }
0xbd: {  	[spmem:s1] =	stream.indirect.scatter.add.f32 [tilespmem:s13], [sflag:$0x7], $0x40, s15, s8, $0xb8;
	[tilespmem:$0x1E800] =	vst v63  }
0xbe: {  	_ =	swait.ge [sflag:s19], $0x800  }
0xbf: {  	[sflag:s19] =	ssyncset.done $0x0  }
0xc0: {  	[sflag:s19] =	ssyncadd.s32 $0xFFFFF800  }
0xc1: {  	[spmem:s3] =	stream.indirect.scatter.add.f32 [tilespmem:s12], [sflag:$0x9], $0x10, s15, s8, $0xb8;
	[tilespmem:$0x1E800] =	vst v63  }
0xc2: {  	_ =	swait.ge [sflag:s20], $0x2000  }
0xc3: {  	[sflag:s20] =	ssyncset.done $0x0  }
0xc4: {  	s18 =	simm.s32 $0x400;
	[sflag:s20] =	ssyncadd.s32 $0xFFFFE000  }
0xc5: {  	[tilespmem:s2], [sflag:$0x1] =	stream.indirect.gather [hbm4b:s5+s8], $0x40, s18, s8, $0xb8;
	[tilespmem:$0x1E800] =	vst v63  }
0xc6: {  	_ =	swait.ge [sflag:s23], $0x2000  }
0xc7: {  	[sflag:s23] =	ssyncset.done $0x0  }
0xc8: {  	s24 =	simm.s32 $0x4B80;
	[sflag:s23] =	ssyncadd.s32 $0xFFFFE000  }
0xc9: {  	[spmem:s1] =	stream.indirect.scatter.add.f32 [tilespmem:s16], [sflag:$0x8], $0x40, s24, s8, $0xb8;
	[tilespmem:$0x1E800] =	vst v63  }
0xca: {  	_ =	swait.ge [sflag:s28], $0x800  }
0xcb: {  	p1 =	sne.s32 s30, $0x800;
	[sflag:s28] =	ssyncset.done $0x0  }
.Ltmp1:
0xcc: {  	[sflag:s28] =	ssyncadd.s32 $0xFFFFF800;
	(pc) =	sbr.rel @!p1 .LBB2_5-.Ltmp1, $4  }
0xcd: {  	[spmem:s3] =	stream.indirect.scatter.add.f32 [tilespmem:s12], [sflag:$0xA], $0x10, s24, s8, $0xb8;
	[tilespmem:$0x1E800] =	vst v63  }
0xce: {  	_ =	swait.ge [sflag:s29], $0x2000  }
0xcf: {  	[sflag:s29] =	ssyncset.done $0x0  }
0xd0: {  	s11 =	simm.s32 $0x800;
	s15 =	simm.s32 $0x480;
	[sflag:s29] =	ssyncadd.s32 $0xFFFFE000  }
.LBB2_4:
0xd1: {  	[tilespmem:s9], [sflag:$0x2] =	stream.indirect.gather [hbm4b:s5+s8], $0x40, s15, s8, $0xb8;
	[tilespmem:$0x1E800] =	vst v63  }
0xd2: {  	s15 =	smov.u32 s11;
	s11 =	sadd.s32 $0x800, s11;
	_ =	swait.ge [sflag:s10], $0x2000  }
0xd3: {  	s15 =	sshra.s32 s15, $0x2;
	p1 =	sne.s32 s30, s11;
	[sflag:s10] =	ssyncset.done $0x0  }
0xd4: {  	s18 =	sadd.s32 $0x4A00, s15;
	[sflag:s10] =	ssyncadd.s32 $0xFFFFE000  }
0xd5: {  	[spmem:s1] =	stream.indirect.scatter.add.f32 [tilespmem:s2], [sflag:$0x5], $0x40, s18, s8, $0xb8;
	[tilespmem:$0x1E800] =	vst v63  }
0xd6: {  	_ =	swait.ge [sflag:s19], $0x800  }
0xd7: {  	[sflag:s19] =	ssyncset.done $0x0  }
0xd8: {  	[sflag:s19] =	ssyncadd.s32 $0xFFFFF800  }
0xd9: {  	[spmem:s3] =	stream.indirect.scatter.add.f32 [tilespmem:s12], [sflag:$0x9], $0x10, s18, s8, $0xb8;
	[tilespmem:$0x1E800] =	vst v63  }
0xda: {  	_ =	swait.ge [sflag:s31], $0x2000  }
0xdb: {  	[sflag:s31] =	ssyncset.done $0x0  }
0xdc: {  	s18 =	sadd.s32 $0x300, s15;
	[sflag:s31] =	ssyncadd.s32 $0xFFFFE000  }
0xdd: {  	[tilespmem:s13], [sflag:$0x3] =	stream.indirect.gather [hbm4b:s5+s8], $0x40, s18, s8, $0xb8;
	[tilespmem:$0x1E800] =	vst v63  }
0xde: {  	_ =	swait.ge [sflag:s14], $0x2000  }
0xdf: {  	[sflag:s14] =	ssyncset.done $0x0  }
0xe0: {  	s18 =	sadd.s32 $0x4A80, s15;
	[sflag:s14] =	ssyncadd.s32 $0xFFFFE000  }
0xe1: {  	[spmem:s1] =	stream.indirect.scatter.add.f32 [tilespmem:s9], [sflag:$0x6], $0x40, s18, s8, $0xb8;
	[tilespmem:$0x1E800] =	vst v63  }
0xe2: {  	_ =	swait.ge [sflag:s28], $0x800  }
0xe3: {  	[sflag:s28] =	ssyncset.done $0x0  }
0xe4: {  	[sflag:s28] =	ssyncadd.s32 $0xFFFFF800  }
0xe5: {  	[spmem:s3] =	stream.indirect.scatter.add.f32 [tilespmem:s12], [sflag:$0xA], $0x10, s18, s8, $0xb8;
	[tilespmem:$0x1E800] =	vst v63  }
0xe6: {  	_ =	swait.ge [sflag:s0], $0x2000  }
0xe7: {  	[sflag:s0] =	ssyncset.done $0x0  }
0xe8: {  	s18 =	sadd.s32 $0x380, s15;
	[sflag:s0] =	ssyncadd.s32 $0xFFFFE000  }
0xe9: {  	[tilespmem:s16], [sflag:$0x4] =	stream.indirect.gather [hbm4b:s5+s8], $0x40, s18, s8, $0xb8;
	[tilespmem:$0x1E800] =	vst v63  }
0xea: {  	_ =	swait.ge [sflag:s17], $0x2000  }
0xeb: {  	[sflag:s17] =	ssyncset.done $0x0  }
0xec: {  	s18 =	sadd.s32 $0x4B00, s15;
	[sflag:s17] =	ssyncadd.s32 $0xFFFFE000  }
0xed: {  	[spmem:s1] =	stream.indirect.scatter.add.f32 [tilespmem:s13], [sflag:$0x7], $0x40, s18, s8, $0xb8;
	[tilespmem:$0x1E800] =	vst v63  }
0xee: {  	_ =	swait.ge [sflag:s19], $0x800  }
0xef: {  	[sflag:s19] =	ssyncset.done $0x0  }
0xf0: {  	[sflag:s19] =	ssyncadd.s32 $0xFFFFF800  }
0xf1: {  	[spmem:s3] =	stream.indirect.scatter.add.f32 [tilespmem:s12], [sflag:$0x9], $0x10, s18, s8, $0xb8;
	[tilespmem:$0x1E800] =	vst v63  }
0xf2: {  	_ =	swait.ge [sflag:s20], $0x2000  }
0xf3: {  	[sflag:s20] =	ssyncset.done $0x0  }
0xf4: {  	s18 =	sadd.s32 $0x400, s15;
	[sflag:s20] =	ssyncadd.s32 $0xFFFFE000  }
0xf5: {  	[tilespmem:s2], [sflag:$0x1] =	stream.indirect.gather [hbm4b:s5+s8], $0x40, s18, s8, $0xb8;
	[tilespmem:$0x1E800] =	vst v63  }
0xf6: {  	_ =	swait.ge [sflag:s23], $0x2000  }
0xf7: {  	[sflag:s23] =	ssyncset.done $0x0  }
0xf8: {  	s18 =	sadd.s32 $0x4B80, s15;
	[sflag:s23] =	ssyncadd.s32 $0xFFFFE000  }
0xf9: {  	[spmem:s1] =	stream.indirect.scatter.add.f32 [tilespmem:s16], [sflag:$0x8], $0x40, s18, s8, $0xb8;
	[tilespmem:$0x1E800] =	vst v63  }
0xfa: {  	_ =	swait.ge [sflag:s28], $0x800  }
0xfb: {  	[sflag:s28] =	ssyncset.done $0x0  }
.Ltmp2:
0xfc: {  	[sflag:s28] =	ssyncadd.s32 $0xFFFFF800;
	(pc) =	sbr.rel @p1 .LBB2_4-.Ltmp2, $4  }
0xfd: {  	[spmem:s3] =	stream.indirect.scatter.add.f32 [tilespmem:s12], [sflag:$0xA], $0x10, s18, s8, $0xb8;
	[tilespmem:$0x1E800] =	vst v63  }
0xfe: {  	_ =	swait.ge [sflag:s29], $0x2000  }
0xff: {  	[sflag:s29] =	ssyncset.done $0x0  }
0x100: {  	s15 =	sadd.s32 $0x480, s15;
	[sflag:s29] =	ssyncadd.s32 $0xFFFFE000  }
.LBB2_5:
0x101: {  	[tilespmem:s9], [sflag:$0x2] =	stream.indirect.gather [hbm4b:s5+s8], $0x40, s15, s8, $0xb8;
	[tilespmem:$0x1E800] =	vst v63  }
0x102: {  	_ =	swait.ge [sflag:s10], $0x2000  }
0x103: {  	[sflag:s10] =	ssyncset.done $0x0  }
0x104: {  	[sflag:s10] =	ssyncadd.s32 $0xFFFFE000  }
0x105: {  	[spmem:s1] =	stream.indirect.scatter.add.f32 [tilespmem:s2], [sflag:$0x5], $0x40, s21, s8, $0xb8;
	[tilespmem:$0x1E800] =	vst v63  }
0x106: {  	_ =	swait.ge [sflag:s19], $0x800  }
0x107: {  	[sflag:s19] =	ssyncset.done $0x0  }
0x108: {  	[sflag:s19] =	ssyncadd.s32 $0xFFFFF800  }
0x109: {  	[spmem:s3] =	stream.indirect.scatter.add.f32 [tilespmem:s12], [sflag:$0x9], $0x10, s21, s8, $0xb8;
	[tilespmem:$0x1E800] =	vst v63  }
0x10a: {  	_ =	swait.ge [sflag:s31], $0x2000  }
0x10b: {  	[sflag:s31] =	ssyncset.done $0x0  }
0x10c: {  	s11 =	rddreg [dreg:$0x14];
	[sflag:s31] =	ssyncadd.s32 $0xFFFFE000  }
0x10d: {  	[tilespmem:s13], [sflag:$0x3] =	stream.indirect.gather [hbm4b:s5+s8], $0x40, s11, s8, $0xb8;
	[tilespmem:$0x1E800] =	vst v63  }
0x10e: {  	_ =	swait.ge [sflag:s14], $0x2000  }
0x10f: {  	[sflag:s14] =	ssyncset.done $0x0  }
0x110: {  	[sflag:s14] =	ssyncadd.s32 $0xFFFFE000  }
0x111: {  	[spmem:s1] =	stream.indirect.scatter.add.f32 [tilespmem:s9], [sflag:$0x6], $0x40, s22, s8, $0xb8;
	[tilespmem:$0x1E800] =	vst v63  }
0x112: {  	_ =	swait.ge [sflag:s28], $0x800  }
0x113: {  	[sflag:s28] =	ssyncset.done $0x0  }
0x114: {  	[sflag:s28] =	ssyncadd.s32 $0xFFFFF800  }
0x115: {  	[spmem:s3] =	stream.indirect.scatter.add.f32 [tilespmem:s12], [sflag:$0xA], $0x10, s22, s8, $0xb8;
	[tilespmem:$0x1E800] =	vst v63  }
0x116: {  	_ =	swait.ge [sflag:s0], $0x2000  }
0x117: {  	[sflag:s0] =	ssyncset.done $0x0  }
0x118: {  	s15 =	rddreg [dreg:$0x15];
	[sflag:s0] =	ssyncadd.s32 $0xFFFFE000  }
0x119: {  	[tilespmem:s16], [sflag:$0x4] =	stream.indirect.gather [hbm4b:s5+s8], $0x40, s15, s8, $0xb8;
	[tilespmem:$0x1E800] =	vst v63  }
0x11a: {  	_ =	swait.ge [sflag:s17], $0x2000  }
0x11b: {  	[sflag:s17] =	ssyncset.done $0x0  }
0x11c: {  	[sflag:s17] =	ssyncadd.s32 $0xFFFFE000  }
0x11d: {  	[spmem:s1] =	stream.indirect.scatter.add.f32 [tilespmem:s13], [sflag:$0x7], $0x40, s25, s8, $0xb8;
	[tilespmem:$0x1E800] =	vst v63  }
0x11e: {  	_ =	swait.ge [sflag:s19], $0x800  }
0x11f: {  	[sflag:s19] =	ssyncset.done $0x0  }
0x120: {  	[sflag:s19] =	ssyncadd.s32 $0xFFFFF800  }
0x121: {  	[spmem:s3] =	stream.indirect.scatter.add.f32 [tilespmem:s12], [sflag:$0x9], $0x10, s25, s8, $0xb8;
	[tilespmem:$0x1E800] =	vst v63  }
0x122: {  	_ =	swait.ge [sflag:s23], $0x2000  }
0x123: {  	[sflag:s23] =	ssyncset.done $0x0  }
0x124: {  	[sflag:s23] =	ssyncadd.s32 $0xFFFFE000  }
0x125: {  	[spmem:s1] =	stream.indirect.scatter.add.f32 [tilespmem:s16], [sflag:$0x8], $0x40, s26, s8, $0xb8;
	[tilespmem:$0x1E800] =	vst v63  }
0x126: {  	_ =	swait.ge [sflag:s28], $0x800  }
0x127: {  	[sflag:s28] =	ssyncset.done $0x0  }
0x128: {  	[sflag:s28] =	ssyncadd.s32 $0xFFFFF800  }
0x129: {  	[spmem:s3] =	stream.indirect.scatter.add.f32 [tilespmem:s12], [sflag:$0xA], $0x10, s26, s8, $0xb8;
	[tilespmem:$0x1E800] =	vst v63  }
0x12a: {  	_ =	swait.ge [sflag:s20], $0x2000  }
0x12b: {  	[sflag:s20] =	ssyncset.done $0x0  }
0x12c: {  	[sflag:s20] =	ssyncadd.s32 $0xFFFFE000  }
0x12d: {  	_ =	swait.ge [sflag:s29], $0x2000  }
0x12e: {  	[sflag:s29] =	ssyncset.done $0x0  }
0x12f: {  	[sflag:s29] =	ssyncadd.s32 $0xFFFFE000  }
0x130: {  	_ =	swait.ge [sflag:s31], $0x2000  }
0x131: {  	[sflag:s31] =	ssyncset.done $0x0  }
0x132: {  	[sflag:s31] =	ssyncadd.s32 $0xFFFFE000  }
0x133: {  	_ =	swait.ge [sflag:s0], $0x2000  }
0x134: {  	[sflag:s0] =	ssyncset.done $0x0  }
0x135: {  	[sflag:s0] =	ssyncadd.s32 $0xFFFFE000  }
0x136: {  	_ =	swait.ge [sflag:s19], $0x800  }
0x137: {  	[sflag:s19] =	ssyncset.done $0x0  }
0x138: {  	[sflag:s19] =	ssyncadd.s32 $0xFFFFF800  }
0x139: {  	_ =	swait.ge [sflag:s28], $0x800  }
0x13a: {  	[sflag:s28] =	ssyncset.done $0x0  }
0x13b: {  	[sflag:s28] =	ssyncadd.s32 $0xFFFFF800  }
0x13c: {  	s18 =	stileid.u32;
	[bflag:$0x0] =	sbarrier.arrive $0xFFFF  }
0x13d: {  	s11 =	sshll.u32 s18, $0x6;
	s18 =	rddreg [dreg:$0x13]  }
0x13e: {  	s15 =	sor.u32 $0x1C01, s11;
	s24 =	rddreg [dreg:$0x18]  }
0x13f: {  	[hbm:s18], [sflag:s15] =	dma.local [spmem:s24], $0x1400  }
0x140: {  	s15 =	rddreg [dreg:$0x16]  }
0x141: {  	s11 =	sor.u32 $0x1C02, s11;
	s18 =	rddreg [dreg:$0x19]  }
0x142: {  	[hbm:s15], [sflag:s11] =	dma.local [spmem:s18], $0x500  }
0x143: {  	_ =	swait.ge [sflag:s10], $0x1400  }
0x144: {  	[sflag:s10] =	ssyncset.done $0x0  }
0x145: {  	[sflag:s10] =	ssyncadd.s32 $0xFFFFEC00  }
0x146: {  	_ =	swait.ge [sflag:s14], $0x500  }
0x147: {  	s4 =	sadd.s32 $0x1, s4;
	s24 =	rddreg [dreg:$0x17]  }
0x148: {  	p1 =	sne.s32 s4, s24  }
.Ltmp3:
0x149: {  	_ = 	snop;
	(pc) =	sbr.rel @p1 .LBB2_1-.Ltmp3, $3  }
0x14a: {  	_ =	sdelay $0x1  }
0x14b: {  	[sflag:s14] =	ssyncset.done $0x0  }
0x14c: {  	[sflag:s14] =	ssyncadd.s32 $0xFFFFFB00  }
0x14d: {  	_ =	sfence.sel $0x180000  }
0x14e: {  	[bflag:$0x0] =	sbarrier.arrive $0xFFFF  }
0x14f: {  	_ =	strace $0x90000047  }
0x150: {  	s0 =	stileid.u32;
	[bflag:$0x2] =	sbarrier.arrive $0xFFFF  }
0x151: {  	p0 =	sne.s32 s0, $0x0;
	s0 =	rddreg [dreg:$0x4]  }
0x152: {  	s0 =	sadd.s32 @!p0 $0x100000, s0  }
0x153: {  	[sflag:s0] =	ssyncadd.tile.s32 @!p0 $0x1;
	_ =	shalt  }
.Lfunc_end2:
_tile_overlayer_lowered:
.L_overlay_start_2:
0x154: {  	(tag) =	ssettag $0x2  }
0x155: {  	s0 =	rddreg [dreg:$0x0];
	s2 =	stileid.u32  }
0x156: {  	s1 =	rddreg [dreg:$0x1];
	p0 =	sne.s32 s2, $0x0  }
0x157: {  	s3 =	rddreg [dreg:$0x2];
	[bflag:$0x3] =	sbarrier.arrive $0xFFFF;
	s2 =	simm.s32 @!p0 $0x1C0B  }
0x158: {  	[timem:s3], [sflag:s2] =	dma.local @!p0 [hbm:s0], s1  }
0x159: {  	s0 =	simm.s32 @!p0 $0xB  }
0x15a: {  	_ =	swait.ge @!p0 [sflag:s0], s1  }
0x15b: {  	s1 =	ssub.s32 @!p0 $0x0, s1;
	[sflag:s0] =	ssyncset.done @!p0 $0x0  }
0x15c: {  	[sflag:s0] =	ssyncadd.s32 @!p0 s1  }
0x15d: {  	[bflag:$0x3] =	sbarrier.arrive $0xFFFF  }
0x15e: {  	_ =	shalt  }

// kernel: kernel.9.cloned.1.call-start
scs
__scs_entry_jumppad:
0x0: {  	(pc) =	sbr.rel $0x88, $3  }
0x1: {  	(tag) =	ssettag $0x0;
	lr =	simm.s32 $0x1  }
0x2: {  	[smem:$0x3F9B] =	sst lr;
	_ =	strace $0xD0000000  }
0x3: {  	_ = 	snop  }
0x4: {  	_ = 	snop  }
0x5: {  	_ = 	snop  }
0x6: {  	_ = 	snop  }
0x7: {  	_ = 	snop  }
__scs_overlays_trampoline_lowered:
0x8: {  	[smem:$0x3FAA] =	sst s0  }
0x9: {  	[smem:$0x3FAB] =	sst s1  }
0xa: {  	[smem:$0x3FAC] =	sst s2  }
0xb: {  	[smem:$0x3FAD] =	sst s3  }
0xc: {  	[smem:$0x3FAE] =	sst s4  }
0xd: {  	[smem:$0x3FAF] =	sst s5  }
0xe: {  	[smem:$0x3FB0] =	sst s6  }
0xf: {  	[smem:$0x3FB1] =	sst s7  }
0x10: {  	[smem:$0x3FB2] =	sst s8  }
0x11: {  	[smem:$0x3FB3] =	sst s9;
	s0 =	simm.s32 @!p0 $0x0  }
0x12: {  	s1 =	sld [smem:$0x3F99];
	s0 =	simm.s32 @p0 $0x1  }
0x13: {  	[smem:$0x3FB4] =	sst s0;
	s0 =	simm.s32 @!p1 $0x0  }
0x14: {  	s2 =	sld [smem:$0x3F98];
	s0 =	simm.s32 @p1 $0x1  }
0x15: {  	[smem:$0x3FB5] =	sst s0;
	s0 =	simm.s32 @!p2 $0x0  }
0x16: {  	s3 =	sld [smem:$0x3FDB];
	s0 =	simm.s32 @p2 $0x1  }
0x17: {  	s4 =	simm.s32 $0x1BF5;
	[smem:$0x3FB7] =	sst s0  }
0x18: {  	s0 =	sld [smem:$0x3F9A];
	_ =	swait.ge [sflag:s4], $0x0  }
0x19: {  	s7 =	sld [smem:$0x3F9B]  }
0x1a: {  	s8 =	sadd.s32 $0xFFFFE003, lr  }
0x1b: {  	s9 =	sadd.s32 $0xFFFFFEF7, lr;
	s5 =	simm.s32 $0xFFFFFFFF;
	p2 =	slt.u32 s8, $0xFFFFF086  }
0x1c: {  	p1 =	slt.u32 s9, $0xF7A;
	s5 =	simm.s32 @!p2 $0x0  }
0x1d: {  	s5 =	simm.s32 @p1 $0x1;
	p0 =	seq.s32 s7, s2  }
0x1e: {  	s7 =	smul.u32 @!p0 $0xF7A, s2;
	p2 =	seq.s32 @!p0 s5, $0x0  }
0x1f: {  	s9 =	smul.u32 $0xF7A, s1;
	s8 =	simm.s32 @!p0 $0x1BF5;
	p2 =	por !p2, p0  }
0x20: {  	[sflag:s8] =	ssyncset.s32 @!p0 $0xFFFFF086;
	s6 =	sadd.s32 @!p0 s3, s7;
	s7 =	simm.s32 @!p0 $0x108  }
0x21: {  	s3 =	sadd.s32 s3, s9;
	s6 =	sadd.s32 @!p0 $0x88, s6;
	s7 =	simm.s32 @p2 $0x1082  }
0x22: {  	[simem:s7], [sflag:s8] =	dma.local @!p0 [hbm:s6], $0xF7A  }
0x23: {  	s9 =	sor.u32 $0xD0000000, s2;
	s6 =	simm.s32 $0x108;
	_ =	swait.ge @!p0 [sflag:s8], $0x0  }
0x24: {  	s3 =	sadd.s32 $0x88, s3;
	s6 =	simm.s32 @!p1 $0x1082;
	[sflag:s4] =	ssyncset.s32 $0xFFFFF086  }
0x25: {  	[simem:s6], [sflag:s4] =	dma.local [hbm:s3], $0xF7A  }
0x26: {  	[smem:$0x3F9B] =	sst s1;
	(tag) =	ssettag s2;
	_ =	strace s9  }
0x27: {  	s1 =	sld [smem:$0x3FAB]  }
0x28: {  	s2 =	sld [smem:$0x3FAC]  }
0x29: {  	s4 =	sld [smem:$0x3FAE]  }
0x2a: {  	p0 =	seq.s32 s5, $0x0;
	s5 =	sld [smem:$0x3FAF]  }
0x2b: {  	s6 =	sld [smem:$0x3FB0]  }
0x2c: {  	s7 =	sld [smem:$0x3FB1]  }
0x2d: {  	s3 =	simm.s32 $0x108;
	s8 =	sld [smem:$0x3FB2]  }
0x2e: {  	s3 =	simm.s32 @!p0 $0x1082;
	s9 =	sld [smem:$0x3FB3]  }
0x2f: {  	lr =	sadd.s32 s0, s3;
	s0 =	sld [smem:$0x3FAA]  }
0x30: {  	s3 =	sld [smem:$0x3FAD]  }
0x31: {  	[smem:$0x3FB6] =	sst s10  }
0x32: {  	s10 =	sld [smem:$0x3FB4];
	_ =	sdelay $0x3  }
0x33: {  	p0 =	seq.s32 s10, $0x1;
	s10 =	sld [smem:$0x3FB6];
	_ =	sdelay $0x3  }
0x34: {  	[smem:$0x3FB6] =	sst s10  }
0x35: {  	s10 =	sld [smem:$0x3FB5];
	_ =	sdelay $0x3  }
0x36: {  	p1 =	seq.s32 s10, $0x1;
	s10 =	sld [smem:$0x3FB6];
	_ =	sdelay $0x3  }
0x37: {  	[smem:$0x3FB6] =	sst s10  }
0x38: {  	s10 =	sld [smem:$0x3FB7]  }
0x39: {  	_ = 	snop;
	(pc) =	sbr.ind lr, $3  }
0x3a: {  	_ = 	snop  }
0x3b: {  	_ = 	snop  }
0x3c: {  	p2 =	seq.s32 s10, $0x1;
	s10 =	sld [smem:$0x3FB6]  }
0x3d: {  	_ =	shalt  }
0x3e: {  	_ =	shalt  }
0x3f: {  	_ =	shalt  }
0x40: {  	_ =	shalt  }
0x41: {  	_ =	shalt  }
0x42: {  	_ =	shalt  }
0x43: {  	_ =	shalt  }
0x44: {  	_ =	shalt  }
0x45: {  	_ =	shalt  }
0x46: {  	_ =	shalt  }
0x47: {  	_ =	shalt  }
0x48: {  	_ =	shalt  }
0x49: {  	_ =	shalt  }
0x4a: {  	_ =	shalt  }
0x4b: {  	_ =	shalt  }
0x4c: {  	_ =	shalt  }
0x4d: {  	_ =	shalt  }
0x4e: {  	_ =	shalt  }
0x4f: {  	_ =	shalt  }
0x50: {  	_ =	shalt  }
0x51: {  	_ =	shalt  }
0x52: {  	_ =	shalt  }
0x53: {  	_ =	shalt  }
0x54: {  	_ =	shalt  }
0x55: {  	_ =	shalt  }
0x56: {  	_ =	shalt  }
0x57: {  	_ =	shalt  }
0x58: {  	_ =	shalt  }
0x59: {  	_ =	shalt  }
0x5a: {  	_ =	shalt  }
0x5b: {  	_ =	shalt  }
0x5c: {  	_ =	shalt  }
0x5d: {  	_ =	shalt  }
0x5e: {  	_ =	shalt  }
0x5f: {  	_ =	shalt  }
0x60: {  	_ =	shalt  }
0x61: {  	_ =	shalt  }
0x62: {  	_ =	shalt  }
0x63: {  	_ =	shalt  }
0x64: {  	_ =	shalt  }
0x65: {  	_ =	shalt  }
0x66: {  	_ =	shalt  }
0x67: {  	_ =	shalt  }
0x68: {  	_ =	shalt  }
0x69: {  	_ =	shalt  }
0x6a: {  	_ =	shalt  }
0x6b: {  	_ =	shalt  }
0x6c: {  	_ =	shalt  }
0x6d: {  	_ =	shalt  }
0x6e: {  	_ =	shalt  }
0x6f: {  	_ =	shalt  }
0x70: {  	_ =	shalt  }
0x71: {  	_ =	shalt  }
0x72: {  	_ =	shalt  }
0x73: {  	_ =	shalt  }
0x74: {  	_ =	shalt  }
0x75: {  	_ =	shalt  }
0x76: {  	_ =	shalt  }
0x77: {  	_ =	shalt  }
0x78: {  	_ =	shalt  }
0x79: {  	_ =	shalt  }
0x7a: {  	_ =	shalt  }
0x7b: {  	_ =	shalt  }
0x7c: {  	_ =	shalt  }
0x7d: {  	_ =	shalt  }
0x7e: {  	_ =	shalt  }
0x7f: {  	_ =	shalt  }
0x80: {  	_ =	shalt  }
0x81: {  	_ =	shalt  }
0x82: {  	_ =	shalt  }
0x83: {  	_ =	shalt  }
0x84: {  	_ =	shalt  }
0x85: {  	_ =	shalt  }
0x86: {  	_ =	shalt  }
0x87: {  	_ =	shalt  }
.Lfunc_end0:
.L_simem_size_0:
called_computation.1_lowered:
.L_overlay_start_0:
0x88: {  	s2 =	sld [smem:$0x3FD9]  }
0x89: {  	s3 =	sld [smem:$0x3FFE];
	_ =	sdelay $0x1  }
0x8a: {  	s1 =	srdreg.scid  }
0x8b: {  	s0 =	sand.u32 $0x1, s1  }
0x8c: {  	s17 =	sshll.u32 s0, $0xA;
	s2 =	sadd.s32 s3, s2  }
0x8d: {  	s2 =	sadd.s32 s2, s17  }
0x8e: {  	[smem:$0x3FC2] =	sst s2  }
0x8f: {  	_ = 	snop  }
0x90: {  	s2 =	sld [smem:$0x3FD0];
	(tm) =	ssettm $0x1  }
0x91: {  	s18 =	sld [smem:$0x3FFB];
	_ =	sdelay $0x3  }
0x92: {  	_ =	strace s18  }
0x93: {  	s3 =	sld [smem:$0x3FFC];
	_ =	sdelay $0x3  }
0x94: {  	_ =	strace s3  }
0x95: {  	s3 =	sld [smem:$0x3FFD];
	_ =	sdelay $0x3  }
0x96: {  	_ =	strace s3  }
0x97: {  	_ =	strace $0x8FFFFFFF  }
0x98: {  	s19 =	sld [smem:$0x3FDB];
	_ =	sdelay $0x1  }
0x99: {  	s4 =	simm.s32 $_scs_section_size  }
0x9a: {  	s5 =	simm.s32 $_size__tile_overlayer_lowered;
	s6 =	simm.s32 $_tile_overlayer_lowered  }
0x9b: {  	s22 =	simm.s32 $0x1BFF;
	s21 =	sshll.u32 s6, $0x1;
	s3 =	sadd.s32 s4, s19  }
0x9c: {  	s7 =	simm.s32 $0x0;
	s20 =	sshll.u32 s5, $0x1;
	s5 =	sadd.s32 s21, s3  }
0x9d: {  	[timem:s7], [sflag:s22] =	dma.local [hbm:s5], s20  }
0x9e: {  	_ =	swait.ge [sflag:s22], s20  }
0x9f: {  	s4 =	ssub.s32 $0x0, s20;
	[sflag:s22] =	ssyncset.done $0x0  }
0xa0: {  	[sflag:s22] =	ssyncadd.s32 s4;
	_ =	sdelay $0x1  }
0xa1: {  	s23 =	simm.s32 $0x1B8B  }
0xa2: {  	_ =	swait.ge [sflag:s23], $0x1  }
0xa3: {  	[sflag:s23] =	ssyncset.done $0x0  }
0xa4: {  	s25 =	simm.s32 $0x1B8E;
	s24 =	sld [smem:$0x3FFE];
	[sflag:s23] =	ssyncadd.s32 $0xFFFFFFFF  }
0xa5: {  	s26 =	simm.s32 $execute0_lowered;
	[smem:$0x3FD2] =	sst s25  }
0xa6: {  	s5 =	sshll.u32 s26, $0x1;
	_ =	strace $0x80000049;
	[dreg:$0x1] =	wrdreg $0xFFFFFFFF  }
0xa7: {  	s28 =	simm.s32 $_size_execute0_lowered;
	s3 =	sadd.s32 s3, s5;
	[dreg:$0x0] =	wrdreg $0x0  }
0xa8: {  	s5 =	sshll.u32 s28, $0x1;
	[dreg:$0x2] =	wrdreg s3  }
0xa9: {  	[dreg:$0x3] =	wrdreg s5  }
0xaa: {  	[dreg:$0x4] =	wrdreg $0xC0  }
0xab: {  	_ =	task [dreg:s7], $0x5FFFF  }
0xac: {  	[dreg:$0x1] =	wrdreg $0xFFFFFFFF  }
0xad: {  	[dreg:$0x0] =	wrdreg $0x60  }
0xae: {  	[dreg:$0x2] =	wrdreg s24  }
0xaf: {  	[dreg:$0x3] =	wrdreg s2  }
0xb0: {  	[dreg:$0x4] =	wrdreg $0x110000  }
0xb1: {  	[dreg:$0x5] =	wrdreg $0x9  }
0xb2: {  	_ =	task.clear_ibuf [dreg:s7], $0x6FFFF;
	_ =	strace $0x90000049  }
0xb3: {  	s29 =	simm.s32 $0x9;
	_ =	strace $0x8000004B  }
0xb4: {  	_ =	swait.ge [sflag:s29], $0x1  }
0xb5: {  	[sflag:s29] =	ssyncadd.s32 $0xFFFFFFFF  }
0xb6: {  	_ =	strace $0x9000004B  }
0xb7: {  	_ =	sfence  }
0xb8: {  	s30 =	sld [smem:$0x0];
	_ =	sdelay $0x2  }
0xb9: {  	s31 =	sshll.u32 s1, $0xD;
	s1 =	sshrl.u32 s1, $0x2  }
0xba: {  	s3 =	sand.u32 $0x4000, s31;
	s1 =	sadd.s32 s1, s30  }
0xbb: {  	s0 =	sor.u32 s3, s0;
	s1 =	sshll.u32 s1, $0x11  }
0xbc: {  	s0 =	sor.u32 s1, s0  }
0xbd: {  	s0 =	sadd.s32 $0x8F2B, s0  }
0xbe: {  	[sflag:s0] =	ssyncadd.remote.s32 $0x1  }
0xbf: {  	_ =	sfence.sel $0xFFFF  }
0xc0: {  	[dreg:$0x0] =	wrdreg $0xFFFFFFFF;
	(pc) =	sbr.abs _section_cstart, $3  }
0xc1: {  	[dreg:$0x1] =	wrdreg $0xFFFFFFFF  }
0xc2: {  	_ =	task.clear_ibuf [dreg:s7], $0x2FFFF;
	_ =	strace $0x9FFFFFFF  }
0xc3: {  	(tm) =	ssettm $0x7FFFFFFF  }
tec
execute0_lowered:
.L_overlay_start_1:
0x0: {  	(tag) =	ssettag $0x1  }
0x1: {  	s0 =	rddreg [dreg:$0x0]  }
0x2: {  	s3 =	rddreg [dreg:$0x1]  }
0x3: {  	s1 =	rddreg [dreg:$0x2]  }
0x4: {  	s2 =	simm.s32 $0x0;
	s5 =	srdreg.scid;
	s12 =	stileid.u32  }
0x5: {  	s10 =	simm.s32 $0x24;
	s28 =	simm.s32 $0xB000;
	s29 =	simm.s32 $0x1  }
0x6: {  	s30 =	simm.s32 $0x2;
	s31 =	simm.s32 $0x3;
	[smem:$0x7FF] =	sst s2  }
0x7: {  	s4 =	sadd.s32 $0x1C00, s0;
	s5 =	sand.u32 $0x1, s5;
	s26 =	smul.u32 $0x28000, s12  }
0x8: {  	s6 =	sadd.s32 $0x27600, s0;
	s0 =	sadd.s32 $0x15600, s0;
	s11 =	smul.u32 $0x1200, s12  }
0x9: {  	s9 =	sshll.u32 s12, $0x1;
	s24 =	smul.u32 $0x1380, s12;
	s7 =	ssub.s32 $0x2, s5  }
0xa: {  	_ =	strace $0x8000004A;
	s25 =	sor.u32 s5, s9;
	s8 =	sshrl.u32 s7, $0x1  }
0xb: {  	p0 =	seq.s32 s5, $0x0;
	s8 =	ssub.s32 s7, s8;
	s7 =	smul.u32 $0x900, s25  }
0xc: {  	s23 =	smul.u32 $0x13880, s5;
	s10 =	simm.s32 @!p0 $0x4;
	s9 =	sshrl.u32 s26, $0x2  }
0xd: {  	p0 =	sne.s32 s5, $0x0;
	s5 =	simm.s32 $0x5;
	s13 =	sadd.s32 s6, s7  }
0xe: {  	s25 =	smul.u32 $0x27000, s12;
	s7 =	sadd.s32 s0, s7;
	[dreg:$0x4] =	wrdreg s13  }
0xf: {  	s6 =	sadd.s32 s6, s11;
	s0 =	sadd.s32 s0, s11;
	[dreg:$0x5] =	wrdreg s7  }
0x10: {  	s26 =	sshrl.u32 s25, $0x2;
	s7 =	sadd.s32 s9, s1;
	[dreg:$0x6] =	wrdreg s6  }
0x11: {  	[dreg:$0x7] =	wrdreg s0;
	s13 =	sshll.u32 s10, $0xB;
	s10 =	sshll.u32 s10, $0x9  }
0x12: {  	s0 =	simm.s32 $0xD000;
	s6 =	sadd.s32 $0x2000, s7;
	s9 =	sadd.s32 $0x4000, s7  }
0x13: {  	s11 =	sadd.s32 $0x6000, s7;
	s21 =	sadd.s32 $0x8000, s7;
	[dreg:$0x8] =	wrdreg s6  }
0x14: {  	s22 =	sshrl.u32 s13, $0x2;
	s15 =	sadd.s32 $0xFFFFFF00, s10;
	[dreg:$0x9] =	wrdreg s9  }
0x15: {  	s17 =	sadd.s32 $0xFFFFFF80, s10;
	s18 =	sadd.s32 $0x4700, s10;
	[dreg:$0xa] =	wrdreg s11  }
0x16: {  	s19 =	sadd.s32 $0x4780, s10;
	s10 =	simm.s32 $0x8;
	[dreg:$0xb] =	wrdreg s21  }
0x17: {  	s14 =	sadd.s32 $0x4600, s22;
	s16 =	sadd.s32 $0x4680, s22;
	s9 =	sadd.s32 s24, s23  }
0x18: {  	s21 =	smax.u32 s8, $0x1;
	s22 =	sadd.s32 $0xFFFFF000, s13;
	s23 =	simm.s32 $0x9000  }
0x19: {  	s24 =	simm.s32 $0x9;
	s6 =	simm.s32 $0x4;
	s8 =	simm.s32 $0x6  }
0x1a: {  	s20 =	sadd.s32 s3, s9;
	s3 =	sadd.s32 s26, s1;
	s26 =	simm.s32 $0x80  }
0x1b: {  	v0 =	vimm.f32 $0.0e+00;
	s9 =	simm.s32 $0x7;
	s25 =	sshrl.u32 s3, $0x3;
	s3 =	simm.s32 $0xF000  }
.LBB2_1:
0x1c: {  	s11 =	simm.s32 @p0 $0x0;
	s12 =	rddreg [dreg:$0x4]  }
0x1d: {  	[tilespmem:s11], [sflag:$0x2] =	stream.linear.gather @p0 [hbm4b:s12+s11], $0x800, $0x38;
	[tilespmem:$0x1B000] =	vst v63  }
0x1e: {  	s13 =	rddreg [dreg:$0x5];
	s12 =	simm.s32 @p0 $0x4800  }
0x1f: {  	[tilespmem:s12], [sflag:$0x3] =	stream.linear.gather @p0 [hbm4b:s13+s11], $0x800, $0x38;
	[tilespmem:$0x1B000] =	vst v63  }
0x20: {  	s11 =	simm.s32 @!p0 $0x0;
	s12 =	rddreg [dreg:$0x6]  }
0x21: {  	[tilespmem:s11], [sflag:$0x2] =	stream.linear.gather @!p0 [hbm4b:s12+s11], $0x4800, $0x38;
	[tilespmem:$0x1B000] =	vst v63  }
0x22: {  	s13 =	rddreg [dreg:$0x7];
	s12 =	simm.s32 @!p0 $0x4800  }
0x23: {  	[tilespmem:s12], [sflag:$0x3] =	stream.linear.gather @!p0 [hbm4b:s13+s11], $0x4800, $0x38;
	[tilespmem:$0x1B000] =	vst v63  }
0x24: {  	s12 =	simm.s32 $0x100;
	s11 =	simm.s32 $0x0  }
.LBB2_2:
0x25: {  	p1 =	sne.s32 s12, $0x7F00;
	[tilespmem:s11+$0x9030] =	vst v0;
	s13 =	smov.u32 s12;
	s12 =	sadd.s32 $0x100, s12  }
.Ltmp0:
0x26: {  	[tilespmem:s11+$0x9020] =	vst v0;
	(pc) =	sbr.rel @p1 .LBB2_2-.Ltmp0, $3  }
0x27: {  	[tilespmem:s11+$0x9000] =	vst v0  }
0x28: {  	[tilespmem:s11+$0x9010] =	vst v0;
	_ =	sdelay $0x1  }
0x29: {  	s11 =	sshra.s32 s13, $0x2  }
0x2a: {  	[tilespmem:s11+$0x9030] =	vst v0  }
0x2b: {  	[tilespmem:s11+$0x9020] =	vst v0  }
0x2c: {  	[tilespmem:s11+$0x9000] =	vst v0  }
0x2d: {  	[tilespmem:s11+$0x9010] =	vst v0  }
0x2e: {  	[spmem:s7] =	stream.linear.scatter [tilespmem:s23], [sflag:$0x9], $0x2000, $0x38;
	[tilespmem:$0x1B000] =	vst v63  }
0x2f: {  	_ =	swait.ge [sflag:s24], $0x2000  }
0x30: {  	[sflag:s24] =	ssyncset.done $0x0  }
0x31: {  	s12 =	rddreg [dreg:$0x8];
	[sflag:s24] =	ssyncadd.s32 $0xFFFFE000  }
0x32: {  	[spmem:s12] =	stream.linear.scatter [tilespmem:s23], [sflag:$0x9], $0x2000, $0x38;
	[tilespmem:$0x1B000] =	vst v63  }
0x33: {  	_ =	swait.ge [sflag:s24], $0x2000  }
0x34: {  	[sflag:s24] =	ssyncset.done $0x0  }
0x35: {  	s13 =	rddreg [dreg:$0x9];
	[sflag:s24] =	ssyncadd.s32 $0xFFFFE000  }
0x36: {  	[spmem:s13] =	stream.linear.scatter [tilespmem:s23], [sflag:$0x9], $0x2000, $0x38;
	[tilespmem:$0x1B000] =	vst v63  }
0x37: {  	_ =	swait.ge [sflag:s24], $0x2000  }
0x38: {  	[sflag:s24] =	ssyncset.done $0x0  }
0x39: {  	s12 =	rddreg [dreg:$0xa];
	[sflag:s24] =	ssyncadd.s32 $0xFFFFE000  }
0x3a: {  	[spmem:s12] =	stream.linear.scatter [tilespmem:s23], [sflag:$0x9], $0x2000, $0x38;
	[tilespmem:$0x1B000] =	vst v63  }
0x3b: {  	_ =	swait.ge [sflag:s24], $0x2000  }
0x3c: {  	[sflag:s24] =	ssyncset.done $0x0  }
0x3d: {  	s13 =	rddreg [dreg:$0xb];
	[sflag:s24] =	ssyncadd.s32 $0xFFFFE000  }
0x3e: {  	[spmem:s13] =	stream.linear.scatter [tilespmem:s23], [sflag:$0x9], $0x2000, $0x38;
	[tilespmem:$0x1B000] =	vst v63  }
0x3f: {  	_ =	swait.ge [sflag:s24], $0x2000  }
0x40: {  	[sflag:s24] =	ssyncset.done $0x0  }
0x41: {  	s11 =	simm.s32 @p0 $0x2;
	[sflag:s24] =	ssyncadd.s32 $0xFFFFE000  }
0x42: {  	_ =	swait.ge @p0 [sflag:s11], $0x800  }
0x43: {  	[sflag:s11] =	ssyncset.done @p0 $0x0  }
0x44: {  	[sflag:s11] =	ssyncadd.s32 @p0 $0xFFFFF800;
	s11 =	simm.s32 @p0 $0x3  }
0x45: {  	_ =	swait.ge @p0 [sflag:s11], $0x800  }
0x46: {  	[sflag:s11] =	ssyncset.done @p0 $0x0  }
0x47: {  	[sflag:s11] =	ssyncadd.s32 @p0 $0xFFFFF800;
	s11 =	simm.s32 @!p0 $0x2  }
0x48: {  	_ =	swait.ge @!p0 [sflag:s11], $0x4800  }
0x49: {  	[sflag:s11] =	ssyncset.done @!p0 $0x0  }
0x4a: {  	[sflag:s11] =	ssyncadd.s32 @!p0 $0xFFFFB800;
	s11 =	simm.s32 @!p0 $0x3  }
0x4b: {  	_ =	swait.ge @!p0 [sflag:s11], $0x4800  }
0x4c: {  	[sflag:s11] =	ssyncset.done @!p0 $0x0  }
0x4d: {  	[sflag:s11] =	ssyncadd.s32 @!p0 $0xFFFFB800  }
0x4e: {  	s12 =	simm.s32 $0x0;
	[bflag:$0x0] =	sbarrier.arrive $0xFFFF  }
0x4f: {  	[tilespmem:s23], [sflag:$0x1] =	stream.indirect.gather [hbm4b:s4+s26], $0x40, s12, s26, $0xb8;
	[tilespmem:$0x1B000] =	vst v63  }
0x50: {  	_ = 	snop  }
0x51: {  	[tilespmem:s28], [sflag:$0x2] =	stream.indirect.gather [hbm4b:s4+s26], $0x40, s26, s26, $0xb8;
	[tilespmem:$0x1B000] =	vst v63  }
0x52: {  	_ =	swait.ge [sflag:s29], $0x2000  }
0x53: {  	[sflag:s29] =	ssyncset.done $0x0  }
0x54: {  	s13 =	simm.s32 $0x4800;
	[sflag:s29] =	ssyncadd.s32 $0xFFFFE000  }
0x55: {  	[spmem:s1] =	stream.indirect.scatter.add.f32 [tilespmem:s23], [sflag:$0x5], $0x40, s13, s26, $0xb8;
	[tilespmem:$0x1B000] =	vst v63  }
0x56: {  	s12 =	simm.s32 $0x100  }
0x57: {  	[tilespmem:s0], [sflag:$0x3] =	stream.indirect.gather [hbm4b:s4+s26], $0x40, s12, s26, $0xb8;
	[tilespmem:$0x1B000] =	vst v63  }
0x58: {  	_ =	swait.ge [sflag:s30], $0x2000  }
0x59: {  	[sflag:s30] =	ssyncset.done $0x0  }
0x5a: {  	s13 =	simm.s32 $0x4880;
	[sflag:s30] =	ssyncadd.s32 $0xFFFFE000  }
0x5b: {  	[spmem:s1] =	stream.indirect.scatter.add.f32 [tilespmem:s28], [sflag:$0x6], $0x40, s13, s26, $0xb8;
	[tilespmem:$0x1B000] =	vst v63  }
0x5c: {  	s12 =	simm.s32 $0x180  }
0x5d: {  	[tilespmem:s3], [sflag:$0x4] =	stream.indirect.gather [hbm4b:s4+s26], $0x40, s12, s26, $0xb8;
	[tilespmem:$0x1B000] =	vst v63  }
0x5e: {  	_ =	swait.ge [sflag:s31], $0x2000  }
0x5f: {  	[sflag:s31] =	ssyncset.done $0x0  }
0x60: {  	s13 =	simm.s32 $0x4900;
	[sflag:s31] =	ssyncadd.s32 $0xFFFFE000  }
0x61: {  	[spmem:s1] =	stream.indirect.scatter.add.f32 [tilespmem:s0], [sflag:$0x7], $0x40, s13, s26, $0xb8;
	[tilespmem:$0x1B000] =	vst v63  }
0x62: {  	_ =	swait.ge [sflag:s5], $0x2000  }
0x63: {  	[sflag:s5] =	ssyncset.done $0x0  }
0x64: {  	s12 =	simm.s32 $0x200;
	[sflag:s5] =	ssyncadd.s32 $0xFFFFE000  }
0x65: {  	[tilespmem:s23], [sflag:$0x1] =	stream.indirect.gather [hbm4b:s4+s26], $0x40, s12, s26, $0xb8;
	[tilespmem:$0x1B000] =	vst v63  }
0x66: {  	_ =	swait.ge [sflag:s6], $0x2000  }
0x67: {  	[sflag:s6] =	ssyncset.done $0x0  }
0x68: {  	s13 =	simm.s32 $0x4980;
	[sflag:s6] =	ssyncadd.s32 $0xFFFFE000  }
0x69: {  	[spmem:s1] =	stream.indirect.scatter.add.f32 [tilespmem:s3], [sflag:$0x8], $0x40, s13, s26, $0xb8;
	[tilespmem:$0x1B000] =	vst v63  }
0x6a: {  	_ =	swait.ge [sflag:s8], $0x2000  }
0x6b: {  	[sflag:s8] =	ssyncset.done $0x0  }
0x6c: {  	s12 =	simm.s32 $0x280;
	[sflag:s8] =	ssyncadd.s32 $0xFFFFE000  }
0x6d: {  	[tilespmem:s28], [sflag:$0x2] =	stream.indirect.gather [hbm4b:s4+s26], $0x40, s12, s26, $0xb8;
	[tilespmem:$0x1B000] =	vst v63  }
0x6e: {  	_ =	swait.ge [sflag:s29], $0x2000  }
0x6f: {  	[sflag:s29] =	ssyncset.done $0x0  }
0x70: {  	s13 =	simm.s32 $0x4A00;
	[sflag:s29] =	ssyncadd.s32 $0xFFFFE000  }
0x71: {  	[spmem:s1] =	stream.indirect.scatter.add.f32 [tilespmem:s23], [sflag:$0x5], $0x40, s13, s26, $0xb8;
	[tilespmem:$0x1B000] =	vst v63  }
0x72: {  	_ =	swait.ge [sflag:s9], $0x2000  }
0x73: {  	[sflag:s9] =	ssyncset.done $0x0  }
0x74: {  	s12 =	simm.s32 $0x300;
	[sflag:s9] =	ssyncadd.s32 $0xFFFFE000  }
0x75: {  	[tilespmem:s0], [sflag:$0x3] =	stream.indirect.gather [hbm4b:s4+s26], $0x40, s12, s26, $0xb8;
	[tilespmem:$0x1B000] =	vst v63  }
0x76: {  	_ =	swait.ge [sflag:s30], $0x2000  }
0x77: {  	[sflag:s30] =	ssyncset.done $0x0  }
0x78: {  	s13 =	simm.s32 $0x4A80;
	[sflag:s30] =	ssyncadd.s32 $0xFFFFE000  }
0x79: {  	[spmem:s1] =	stream.indirect.scatter.add.f32 [tilespmem:s28], [sflag:$0x6], $0x40, s13, s26, $0xb8;
	[tilespmem:$0x1B000] =	vst v63  }
0x7a: {  	_ =	swait.ge [sflag:s10], $0x2000  }
0x7b: {  	[sflag:s10] =	ssyncset.done $0x0  }
0x7c: {  	s12 =	simm.s32 $0x380;
	[sflag:s10] =	ssyncadd.s32 $0xFFFFE000  }
0x7d: {  	[tilespmem:s3], [sflag:$0x4] =	stream.indirect.gather [hbm4b:s4+s26], $0x40, s12, s26, $0xb8;
	[tilespmem:$0x1B000] =	vst v63  }
0x7e: {  	_ =	swait.ge [sflag:s31], $0x2000  }
0x7f: {  	[sflag:s31] =	ssyncset.done $0x0  }
0x80: {  	s13 =	simm.s32 $0x4B00;
	[sflag:s31] =	ssyncadd.s32 $0xFFFFE000  }
0x81: {  	[spmem:s1] =	stream.indirect.scatter.add.f32 [tilespmem:s0], [sflag:$0x7], $0x40, s13, s26, $0xb8;
	[tilespmem:$0x1B000] =	vst v63  }
0x82: {  	_ =	swait.ge [sflag:s5], $0x2000  }
0x83: {  	[sflag:s5] =	ssyncset.done $0x0  }
0x84: {  	s12 =	simm.s32 $0x400;
	[sflag:s5] =	ssyncadd.s32 $0xFFFFE000  }
0x85: {  	[tilespmem:s23], [sflag:$0x1] =	stream.indirect.gather [hbm4b:s4+s26], $0x40, s12, s26, $0xb8;
	[tilespmem:$0x1B000] =	vst v63  }
0x86: {  	_ =	swait.ge [sflag:s6], $0x2000  }
0x87: {  	p1 =	sne.s32 s22, $0x800;
	[sflag:s6] =	ssyncset.done $0x0  }
.Ltmp1:
0x88: {  	s13 =	simm.s32 $0x4B80;
	[sflag:s6] =	ssyncadd.s32 $0xFFFFE000;
	(pc) =	sbr.rel @!p1 .LBB2_5-.Ltmp1, $4  }
0x89: {  	[spmem:s1] =	stream.indirect.scatter.add.f32 [tilespmem:s3], [sflag:$0x8], $0x40, s13, s26, $0xb8;
	[tilespmem:$0x1B000] =	vst v63  }
0x8a: {  	_ =	swait.ge [sflag:s8], $0x2000  }
0x8b: {  	[sflag:s8] =	ssyncset.done $0x0  }
0x8c: {  	s11 =	simm.s32 $0x800;
	s12 =	simm.s32 $0x480;
	[sflag:s8] =	ssyncadd.s32 $0xFFFFE000  }
.LBB2_4:
0x8d: {  	[tilespmem:s28], [sflag:$0x2] =	stream.indirect.gather [hbm4b:s4+s26], $0x40, s12, s26, $0xb8;
	[tilespmem:$0x1B000] =	vst v63  }
0x8e: {  	s12 =	smov.u32 s11;
	s11 =	sadd.s32 $0x800, s11;
	_ =	swait.ge [sflag:s29], $0x2000  }
0x8f: {  	s12 =	sshra.s32 s12, $0x2;
	p1 =	sne.s32 s22, s11;
	[sflag:s29] =	ssyncset.done $0x0  }
0x90: {  	s13 =	sadd.s32 $0x4A00, s12;
	[sflag:s29] =	ssyncadd.s32 $0xFFFFE000  }
0x91: {  	[spmem:s1] =	stream.indirect.scatter.add.f32 [tilespmem:s23], [sflag:$0x5], $0x40, s13, s26, $0xb8;
	[tilespmem:$0x1B000] =	vst v63  }
0x92: {  	_ =	swait.ge [sflag:s9], $0x2000  }
0x93: {  	[sflag:s9] =	ssyncset.done $0x0  }
0x94: {  	s13 =	sadd.s32 $0x300, s12;
	[sflag:s9] =	ssyncadd.s32 $0xFFFFE000  }
0x95: {  	[tilespmem:s0], [sflag:$0x3] =	stream.indirect.gather [hbm4b:s4+s26], $0x40, s13, s26, $0xb8;
	[tilespmem:$0x1B000] =	vst v63  }
0x96: {  	_ =	swait.ge [sflag:s30], $0x2000  }
0x97: {  	[sflag:s30] =	ssyncset.done $0x0  }
0x98: {  	s13 =	sadd.s32 $0x4A80, s12;
	[sflag:s30] =	ssyncadd.s32 $0xFFFFE000  }
0x99: {  	[spmem:s1] =	stream.indirect.scatter.add.f32 [tilespmem:s28], [sflag:$0x6], $0x40, s13, s26, $0xb8;
	[tilespmem:$0x1B000] =	vst v63  }
0x9a: {  	_ =	swait.ge [sflag:s10], $0x2000  }
0x9b: {  	[sflag:s10] =	ssyncset.done $0x0  }
0x9c: {  	s13 =	sadd.s32 $0x380, s12;
	[sflag:s10] =	ssyncadd.s32 $0xFFFFE000  }
0x9d: {  	[tilespmem:s3], [sflag:$0x4] =	stream.indirect.gather [hbm4b:s4+s26], $0x40, s13, s26, $0xb8;
	[tilespmem:$0x1B000] =	vst v63  }
0x9e: {  	_ =	swait.ge [sflag:s31], $0x2000  }
0x9f: {  	[sflag:s31] =	ssyncset.done $0x0  }
0xa0: {  	s13 =	sadd.s32 $0x4B00, s12;
	[sflag:s31] =	ssyncadd.s32 $0xFFFFE000  }
0xa1: {  	[spmem:s1] =	stream.indirect.scatter.add.f32 [tilespmem:s0], [sflag:$0x7], $0x40, s13, s26, $0xb8;
	[tilespmem:$0x1B000] =	vst v63  }
0xa2: {  	_ =	swait.ge [sflag:s5], $0x2000  }
0xa3: {  	[sflag:s5] =	ssyncset.done $0x0  }
0xa4: {  	s13 =	sadd.s32 $0x400, s12;
	[sflag:s5] =	ssyncadd.s32 $0xFFFFE000  }
0xa5: {  	[tilespmem:s23], [sflag:$0x1] =	stream.indirect.gather [hbm4b:s4+s26], $0x40, s13, s26, $0xb8;
	[tilespmem:$0x1B000] =	vst v63  }
0xa6: {  	_ =	swait.ge [sflag:s6], $0x2000  }
0xa7: {  	[sflag:s6] =	ssyncset.done $0x0  }
.Ltmp2:
0xa8: {  	s13 =	sadd.s32 $0x4B80, s12;
	[sflag:s6] =	ssyncadd.s32 $0xFFFFE000;
	(pc) =	sbr.rel @p1 .LBB2_4-.Ltmp2, $4  }
0xa9: {  	[spmem:s1] =	stream.indirect.scatter.add.f32 [tilespmem:s3], [sflag:$0x8], $0x40, s13, s26, $0xb8;
	[tilespmem:$0x1B000] =	vst v63  }
0xaa: {  	_ =	swait.ge [sflag:s8], $0x2000  }
0xab: {  	[sflag:s8] =	ssyncset.done $0x0  }
0xac: {  	s12 =	sadd.s32 $0x480, s12;
	[sflag:s8] =	ssyncadd.s32 $0xFFFFE000  }
.LBB2_5:
0xad: {  	[tilespmem:s28], [sflag:$0x2] =	stream.indirect.gather [hbm4b:s4+s26], $0x40, s12, s26, $0xb8;
	[tilespmem:$0x1B000] =	vst v63  }
0xae: {  	_ =	swait.ge [sflag:s29], $0x2000  }
0xaf: {  	[sflag:s29] =	ssyncset.done $0x0  }
0xb0: {  	[sflag:s29] =	ssyncadd.s32 $0xFFFFE000  }
0xb1: {  	[spmem:s1] =	stream.indirect.scatter.add.f32 [tilespmem:s23], [sflag:$0x5], $0x40, s14, s26, $0xb8;
	[tilespmem:$0x1B000] =	vst v63  }
0xb2: {  	_ =	swait.ge [sflag:s9], $0x2000  }
0xb3: {  	[sflag:s9] =	ssyncset.done $0x0  }
0xb4: {  	[sflag:s9] =	ssyncadd.s32 $0xFFFFE000  }
0xb5: {  	[tilespmem:s0], [sflag:$0x3] =	stream.indirect.gather [hbm4b:s4+s26], $0x40, s15, s26, $0xb8;
	[tilespmem:$0x1B000] =	vst v63  }
0xb6: {  	_ =	swait.ge [sflag:s30], $0x2000  }
0xb7: {  	[sflag:s30] =	ssyncset.done $0x0  }
0xb8: {  	[sflag:s30] =	ssyncadd.s32 $0xFFFFE000  }
0xb9: {  	[spmem:s1] =	stream.indirect.scatter.add.f32 [tilespmem:s28], [sflag:$0x6], $0x40, s16, s26, $0xb8;
	[tilespmem:$0x1B000] =	vst v63  }
0xba: {  	_ =	swait.ge [sflag:s10], $0x2000  }
0xbb: {  	[sflag:s10] =	ssyncset.done $0x0  }
0xbc: {  	[sflag:s10] =	ssyncadd.s32 $0xFFFFE000  }
0xbd: {  	[tilespmem:s3], [sflag:$0x4] =	stream.indirect.gather [hbm4b:s4+s26], $0x40, s17, s26, $0xb8;
	[tilespmem:$0x1B000] =	vst v63  }
0xbe: {  	_ =	swait.ge [sflag:s31], $0x2000  }
0xbf: {  	[sflag:s31] =	ssyncset.done $0x0  }
0xc0: {  	[sflag:s31] =	ssyncadd.s32 $0xFFFFE000  }
0xc1: {  	[spmem:s1] =	stream.indirect.scatter.add.f32 [tilespmem:s0], [sflag:$0x7], $0x40, s18, s26, $0xb8;
	[tilespmem:$0x1B000] =	vst v63  }
0xc2: {  	_ =	swait.ge [sflag:s6], $0x2000  }
0xc3: {  	[sflag:s6] =	ssyncset.done $0x0  }
0xc4: {  	[sflag:s6] =	ssyncadd.s32 $0xFFFFE000  }
0xc5: {  	[spmem:s1] =	stream.indirect.scatter.add.f32 [tilespmem:s3], [sflag:$0x8], $0x40, s19, s26, $0xb8;
	[tilespmem:$0x1B000] =	vst v63  }
0xc6: {  	_ =	swait.ge [sflag:s5], $0x2000  }
0xc7: {  	[sflag:s5] =	ssyncset.done $0x0  }
0xc8: {  	[sflag:s5] =	ssyncadd.s32 $0xFFFFE000  }
0xc9: {  	_ =	swait.ge [sflag:s8], $0x2000  }
0xca: {  	[sflag:s8] =	ssyncset.done $0x0  }
0xcb: {  	[sflag:s8] =	ssyncadd.s32 $0xFFFFE000  }
0xcc: {  	_ =	swait.ge [sflag:s9], $0x2000  }
0xcd: {  	[sflag:s9] =	ssyncset.done $0x0  }
0xce: {  	[sflag:s9] =	ssyncadd.s32 $0xFFFFE000  }
0xcf: {  	_ =	swait.ge [sflag:s10], $0x2000  }
0xd0: {  	s11 =	stileid.u32;
	s2 =	sadd.s32 $0x1, s2;
	[sflag:s10] =	ssyncset.done $0x0  }
0xd1: {  	s11 =	sshll.u32 s11, $0x6;
	p1 =	sne.s32 s2, s21;
	[sflag:s10] =	ssyncadd.s32 $0xFFFFE000  }
.Ltmp3:
0xd2: {  	s11 =	sor.u32 $0x1C01, s11;
	[bflag:$0x0] =	sbarrier.arrive $0xFFFF;
	(pc) =	sbr.rel @p1 .LBB2_1-.Ltmp3, $4  }
0xd3: {  	[hbm:s20], [sflag:s11] =	dma.local [spmem:s25], $0x1400  }
0xd4: {  	_ =	swait.ge [sflag:s29], $0x1400  }
0xd5: {  	[sflag:s29] =	ssyncset.done $0x0  }
0xd6: {  	[sflag:s29] =	ssyncadd.s32 $0xFFFFEC00  }
0xd7: {  	_ =	sfence.sel $0x180000  }
0xd8: {  	[bflag:$0x0] =	sbarrier.arrive $0xFFFF  }
0xd9: {  	_ =	strace $0x9000004A  }
0xda: {  	s0 =	stileid.u32;
	[bflag:$0x2] =	sbarrier.arrive $0xFFFF  }
0xdb: {  	p0 =	sne.s32 s0, $0x0;
	s0 =	rddreg [dreg:$0x3]  }
0xdc: {  	s0 =	sadd.s32 @!p0 $0x100000, s0  }
0xdd: {  	[sflag:s0] =	ssyncadd.tile.s32 @!p0 $0x1;
	_ =	shalt  }
.Lfunc_end2:
_tile_overlayer_lowered:
.L_overlay_start_2:
0xde: {  	(tag) =	ssettag $0x2  }
0xdf: {  	s0 =	rddreg [dreg:$0x0];
	s2 =	stileid.u32  }
0xe0: {  	s1 =	rddreg [dreg:$0x1];
	p0 =	sne.s32 s2, $0x0  }
0xe1: {  	s3 =	rddreg [dreg:$0x2];
	[bflag:$0x3] =	sbarrier.arrive $0xFFFF;
	s2 =	simm.s32 @!p0 $0x1C09  }
0xe2: {  	[timem:s3], [sflag:s2] =	dma.local @!p0 [hbm:s0], s1  }
0xe3: {  	s0 =	simm.s32 @!p0 $0x9  }
0xe4: {  	_ =	swait.ge @!p0 [sflag:s0], s1  }
0xe5: {  	s1 =	ssub.s32 @!p0 $0x0, s1;
	[sflag:s0] =	ssyncset.done @!p0 $0x0  }
0xe6: {  	[sflag:s0] =	ssyncadd.s32 @!p0 s1  }
0xe7: {  	[bflag:$0x3] =	sbarrier.arrive $0xFFFF  }
0xe8: {  	_ =	shalt  }

</sc_bundles>
